<compile_context>
chip_gen: v7x
topology: tpu7x:2x2x1
jax: 0.10.2.dev20260603
libtpu: 0.0.44.dev20260713+nightly
codegen_flags: <defaults>
</compile_context>

<pallas_src>
import functools

import jax
import jax.numpy as jnp
from jax import lax
from jax.experimental import pallas as pl
from jax.experimental.pallas import tpu as pltpu
from jax.experimental.pallas import tpu_sc as plsc

_N = 10000
_E = 320000
_NC = 2
_NS = 16
_NW = _NC * _NS
_EPT = _E // _NW
_C = 80
_NCHUNK = _EPT // _C
_NP = 10240
_RPT = _NP // _NS
_ZR = 128


def _make_agg(D):
  mesh = plsc.VectorSubcoreMesh(core_axis_name="c", subcore_axis_name="s")

  @functools.partial(
      pl.kernel,
      mesh=mesh,
      out_type=jax.ShapeDtypeStruct((_NC * _NP, D), jnp.float32),
      scratch_types=[
          pltpu.VMEM((_EPT,), jnp.int32),
          pltpu.VMEM((_EPT,), jnp.int32),
          pltpu.VMEM((_C, D), jnp.float32),
          pltpu.VMEM((_C, D), jnp.float32),
          pltpu.VMEM_SHARED((_NP, D), jnp.float32),
          pltpu.SemaphoreType.DMA,
          pltpu.SemaphoreType.DMA,
          pltpu.SemaphoreType.DMA,
          pltpu.SemaphoreType.DMA,
          pltpu.SemaphoreType.DMA,
          pltpu.SemaphoreType.DMA,
      ],
  )
  def agg(g_hbm, src_hbm, dst_hbm, zero_hbm, out_hbm,
          srcs_v, dsts_v, rows_a, rows_b, acc_sh,
          gsem_a, gsem_b, ssem_a, ssem_b, dsem, zsem):
    cid = lax.axis_index("c")
    sid = lax.axis_index("s")
    tid = cid * _NS + sid
    ebase = tid * _EPT

    pltpu.async_copy(src_hbm.at[pl.ds(ebase, _EPT)], srcs_v, dsem)
    pltpu.async_copy(dst_hbm.at[pl.ds(ebase, _EPT)], dsts_v, dsem)

    row0 = sid * _RPT
    for z in range(_RPT // _ZR):
      pltpu.async_copy(zero_hbm, acc_sh.at[pl.ds(row0 + z * _ZR, _ZR)], zsem)

    pltpu.make_async_copy(src_hbm.at[pl.ds(ebase, _EPT)], srcs_v, dsem).wait()
    pltpu.make_async_copy(dst_hbm.at[pl.ds(ebase, _EPT)], dsts_v, dsem).wait()

    def sidx(k):
      return srcs_v.at[pl.ds(pl.multiple_of(k * _C, 8), _C)]

    def didx(k):
      return dsts_v.at[pl.ds(pl.multiple_of(k * _C, 8), _C)]

    pltpu.async_copy(g_hbm.at[sidx(0)], rows_a, gsem_a)
    for z in range(_RPT // _ZR):
      pltpu.make_async_copy(zero_hbm, acc_sh.at[pl.ds(row0 + z * _ZR, _ZR)],
                            zsem).wait()
    plsc.subcore_barrier()

    def pair(p, carry):
      k = 2 * p
      pltpu.async_copy(g_hbm.at[sidx(k + 1)], rows_b, gsem_b)
      pltpu.make_async_copy(g_hbm.at[sidx(k)], rows_a, gsem_a).wait()
      pltpu.async_copy(rows_a, acc_sh.at[didx(k)], ssem_a, add=True)
      pltpu.make_async_copy(rows_a, acc_sh.at[didx(k)], ssem_a).wait()
      pltpu.async_copy(g_hbm.at[sidx(k + 2)], rows_a, gsem_a)
      pltpu.make_async_copy(g_hbm.at[sidx(k + 1)], rows_b, gsem_b).wait()
      pltpu.async_copy(rows_b, acc_sh.at[didx(k + 1)], ssem_b, add=True)
      pltpu.make_async_copy(rows_b, acc_sh.at[didx(k + 1)], ssem_b).wait()
      return carry

    lax.fori_loop(0, (_NCHUNK - 1) // 2, pair, 0)
    pltpu.make_async_copy(g_hbm.at[sidx(_NCHUNK - 1)], rows_a, gsem_a).wait()
    pltpu.sync_copy(rows_a, acc_sh.at[didx(_NCHUNK - 1)], add=True)

    plsc.subcore_barrier()
    pltpu.sync_copy(acc_sh.at[pl.ds(row0, _RPT)],
                    out_hbm.at[pl.ds(cid * _NP + row0, _RPT)])

  return agg


def _make_deg():
  mesh = plsc.VectorSubcoreMesh(core_axis_name="c", subcore_axis_name="s")
  _W = 16

  @functools.partial(
      pl.kernel,
      mesh=mesh,
      out_type=jax.ShapeDtypeStruct((_NC * _NP, 128), jnp.float32),
      scratch_types=[
          pltpu.VMEM((_EPT,), jnp.int32),
          pltpu.VMEM((_C, 128), jnp.float32),
          pltpu.VMEM_SHARED((_NP, 128), jnp.float32),
          pltpu.SemaphoreType.DMA,
          pltpu.SemaphoreType.DMA,
          pltpu.SemaphoreType.DMA,
      ],
  )
  def deg(dst_hbm, ones_hbm, zero_hbm, out_hbm,
          dsts_v, ones_v, acc_sh, ssem, dsem, zsem):
    cid = lax.axis_index("c")
    sid = lax.axis_index("s")
    tid = cid * _NS + sid
    ebase = tid * _EPT

    pltpu.async_copy(dst_hbm.at[pl.ds(ebase, _EPT)], dsts_v, dsem)
    row0 = sid * _RPT
    for z in range(_RPT // _ZR):
      pltpu.async_copy(zero_hbm, acc_sh.at[pl.ds(row0 + z * _ZR, _ZR)], zsem)
    pltpu.sync_copy(ones_hbm, ones_v)
    pltpu.make_async_copy(dst_hbm.at[pl.ds(ebase, _EPT)], dsts_v, dsem).wait()
    for z in range(_RPT // _ZR):
      pltpu.make_async_copy(zero_hbm, acc_sh.at[pl.ds(row0 + z * _ZR, _ZR)],
                            zsem).wait()
    plsc.subcore_barrier()

    def didx(k):
      return dsts_v.at[pl.ds(pl.multiple_of(k * _C, 8), _C)]

    for k in range(_W):
      pltpu.async_copy(ones_v, acc_sh.at[didx(k)], ssem, add=True)

    def chunk(k, carry):
      pltpu.make_async_copy(ones_v, acc_sh.at[didx(0)], ssem).wait()
      pltpu.async_copy(ones_v, acc_sh.at[didx(k + _W)], ssem, add=True)
      return carry

    lax.fori_loop(0, _NCHUNK - _W, chunk, 0)
    for k in range(_W):
      pltpu.make_async_copy(ones_v, acc_sh.at[didx(0)], ssem).wait()

    plsc.subcore_barrier()
    pltpu.sync_copy(acc_sh.at[pl.ds(row0, _RPT)],
                    out_hbm.at[pl.ds(cid * _NP + row0, _RPT)])

  return deg


_agg128 = _make_agg(128)
_deg = _make_deg()



_R = 1000
_G = _N // _R


def _dinv_of(d0, d1):
  return lax.rsqrt(d0[:, 0:1] + d1[:, 0:1] + 1.0)


def _stage_in_body(x_ref, d0_ref, d1_ref, w_ref, g_ref):
  dinv = _dinv_of(d0_ref[...], d1_ref[...])
  h = jnp.dot(x_ref[...], w_ref[...], preferred_element_type=jnp.float32)
  g_ref[...] = h * dinv


_stage_in = pl.pallas_call(
    _stage_in_body,
    grid=(_G,),
    in_specs=[
        pl.BlockSpec((_R, 128), lambda i: (i, 0)),
        pl.BlockSpec((_R, 8), lambda i: (i, 0)),
        pl.BlockSpec((_R, 8), lambda i: (i, 0)),
        pl.BlockSpec((128, 128), lambda i: (0, 0)),
    ],
    out_specs=pl.BlockSpec((_R, 128), lambda i: (i, 0)),
    out_shape=jax.ShapeDtypeStruct((_N, 128), jnp.float32),
)


def _stage_mid_body(s0_ref, s1_ref, g_ref, d0_ref, d1_ref, b_ref, w_ref, o_ref):
  dinv = _dinv_of(d0_ref[...], d1_ref[...])
  t = dinv * (s0_ref[...] + s1_ref[...] + g_ref[...]) + b_ref[...]
  h = jnp.where(t >= 0.0, t, 0.01 * t)
  o_ref[...] = jnp.dot(h, w_ref[...], preferred_element_type=jnp.float32) * dinv


def _make_stage_mid(DO):
  return pl.pallas_call(
      _stage_mid_body,
      grid=(_G,),
      in_specs=[
          pl.BlockSpec((_R, 128), lambda i: (i, 0)),
          pl.BlockSpec((_R, 128), lambda i: (i, 0)),
          pl.BlockSpec((_R, 128), lambda i: (i, 0)),
          pl.BlockSpec((_R, 8), lambda i: (i, 0)),
          pl.BlockSpec((_R, 8), lambda i: (i, 0)),
          pl.BlockSpec((1, 128), lambda i: (0, 0)),
          pl.BlockSpec((128, DO), lambda i: (0, 0)),
      ],
      out_specs=pl.BlockSpec((_R, DO), lambda i: (i, 0)),
      out_shape=jax.ShapeDtypeStruct((_N, DO), jnp.float32),
  )


_stage_mid128 = _make_stage_mid(128)


def _stage_act_body(s0_ref, s1_ref, g_ref, d0_ref, d1_ref, b_ref, o_ref):
  dinv = _dinv_of(d0_ref[...], d1_ref[...])
  t = dinv * (s0_ref[...] + s1_ref[...] + g_ref[...]) + b_ref[...]
  h = jnp.where(t >= 0.0, t, 0.01 * t)
  o_ref[...] = h * dinv


_stage_act = pl.pallas_call(
    _stage_act_body,
    grid=(_G,),
    in_specs=[
        pl.BlockSpec((_R, 128), lambda i: (i, 0)),
        pl.BlockSpec((_R, 128), lambda i: (i, 0)),
        pl.BlockSpec((_R, 128), lambda i: (i, 0)),
        pl.BlockSpec((_R, 8), lambda i: (i, 0)),
        pl.BlockSpec((_R, 8), lambda i: (i, 0)),
        pl.BlockSpec((1, 128), lambda i: (0, 0)),
    ],
    out_specs=pl.BlockSpec((_R, 128), lambda i: (i, 0)),
    out_shape=jax.ShapeDtypeStruct((_N, 128), jnp.float32),
)


def _stage_out_body(s0_ref, s1_ref, g_ref, d0_ref, d1_ref, b_ref, w_ref, o_ref):
  dinv = _dinv_of(d0_ref[...], d1_ref[...])
  agg = dinv * (s0_ref[...] + s1_ref[...] + g_ref[...])
  t = jnp.dot(agg, w_ref[...], preferred_element_type=jnp.float32) + b_ref[...]
  m = jnp.max(t, axis=1, keepdims=True)
  e = jnp.exp(t - m)
  lse = jnp.log(jnp.sum(e, axis=1, keepdims=True)) + m
  o_ref[...] = t - lse


_stage_out = pl.pallas_call(
    _stage_out_body,
    grid=(_G,),
    in_specs=[
        pl.BlockSpec((_R, 128), lambda i: (i, 0)),
        pl.BlockSpec((_R, 128), lambda i: (i, 0)),
        pl.BlockSpec((_R, 128), lambda i: (i, 0)),
        pl.BlockSpec((_R, 8), lambda i: (i, 0)),
        pl.BlockSpec((_R, 8), lambda i: (i, 0)),
        pl.BlockSpec((1, 40), lambda i: (0, 0)),
        pl.BlockSpec((128, 40), lambda i: (0, 0)),
    ],
    out_specs=pl.BlockSpec((_R, 40), lambda i: (i, 0)),
    out_shape=jax.ShapeDtypeStruct((_N, 40), jnp.float32),
)


def kernel(x, edge_index, W1, b1, W2, b2, W3, b3):
  src = edge_index[0]
  dst = edge_index[1]
  ones128 = jnp.ones((_C, 128), jnp.float32)
  z128 = jnp.zeros((_ZR, 128), jnp.float32)

  degp = _deg(dst, ones128, z128)
  d0, d1 = degp[:_N, :8], degp[_NP:_NP + _N, :8]

  g1 = _stage_in(x, d0, d1, W1)
  s = _agg128(g1, src, dst, z128)
  g2 = _stage_mid128(s[:_N], s[_NP:_NP + _N], g1, d0, d1, b1.reshape(1, 128), W2)
  s = _agg128(g2, src, dst, z128)
  g3 = _stage_act(s[:_N], s[_NP:_NP + _N], g2, d0, d1, b2.reshape(1, 128))
  s = _agg128(g3, src, dst, z128)
  return _stage_out(s[:_N], s[_NP:_NP + _N], g3, d0, d1, b3.reshape(1, 40), W3)

# --- scband reference (transcript-rebuilt; emitter-appended) ---
"""Pipeline reference for scband-gcn-net-76776835383825 (READ-ONLY COPY).

The authoritative reference and input builder live on the scoring server;
editing this copy changes nothing except your own understanding.
"""

import jax, jax.numpy as jnp
import numpy as np

N = 10000
E = 320000
D_IN = 128
D_H = 128
N_CLASS = 40


def setup_inputs(seed: int = 0) -> dict:
    key = jax.random.key(seed)
    ks = jax.random.split(key, 8)
    x = jax.random.normal(ks[0], (N, D_IN), dtype=jnp.float32)
    edge_index = jax.random.randint(ks[1], (2, E), 0, N, dtype=jnp.int32)
    def glorot(k, fan_in, fan_out):
        s = jnp.sqrt(2.0 / (fan_in + fan_out))
        return jax.random.normal(k, (fan_in, fan_out), dtype=jnp.float32) * s
    W1 = glorot(ks[2], D_IN, D_H)
    b1 = jnp.zeros((D_H,), dtype=jnp.float32)
    W2 = glorot(ks[3], D_H, D_H)
    b2 = jnp.zeros((D_H,), dtype=jnp.float32)
    W3 = glorot(ks[4], D_H, N_CLASS)
    b3 = jnp.zeros((N_CLASS,), dtype=jnp.float32)
    return {"x": x, "edge_index": edge_index, "W1": W1, "b1": b1, "W2": W2, "b2": b2, "W3": W3, "b3": b3}


def reference(x, edge_index, W1, b1, W2, b2, W3, b3):
    # GCNConv: x' = D^{-1/2} (A + I) D^{-1/2} X W + b  (symmetric normalization with self-loops)
    src = edge_index[0]
    dst = edge_index[1]
    loop = jnp.arange(N, dtype=src.dtype)
    src = jnp.concatenate([src, loop])
    dst = jnp.concatenate([dst, loop])
    ones = jnp.ones(src.shape[0], dtype=jnp.float32)
    deg = jax.ops.segment_sum(ones, dst, num_segments=N)
    dinv = jnp.where(deg > 0, jax.lax.rsqrt(deg), 0.0)
    norm = dinv[src] * dinv[dst]

    def gcn_conv(h, W, b):
        h = h @ W
        msg = h[src] * norm[:, None]
        agg = jax.ops.segment_sum(msg, dst, num_segments=N)
        return agg + b

    h = gcn_conv(x, W1, b1)
    h = jax.nn.leaky_relu(h, negative_slope=0.01)
    # dropout omitted for deterministic reference (eval mode)
    h = gcn_conv(h, W2, b2)
    h = jax.nn.leaky_relu(h, negative_slope=0.01)
    h = gcn_conv(h, W3, b3)
    return jax.nn.log_softmax(h, axis=1)

if __name__ == "__main__":
    import jax
    _d = setup_inputs()
    print(jax.jit(kernel)(*tuple(_d.values())))

</pallas_src>

<mosaic_0001>
#map = affine_map<(d0, d1) -> (0)>
#map1 = affine_map<(d0, d1) -> (0, 0)>
module attributes {stable_mosaic.version = 14 : i64} {
  func.func @deg(%arg0: i32, %arg1: i32, %arg2: memref<320000xi32, #tpu.memory_space<hbm>>, %arg3: memref<80x128xf32, #tpu.memory_space<hbm>>, %arg4: memref<128x128xf32, #tpu.memory_space<hbm>>, %arg5: memref<20480x128xf32, #tpu.memory_space<hbm>>, %arg6: memref<10000xi32, #tpu.memory_space<vmem>>, %arg7: memref<80x128xf32, #tpu.memory_space<vmem>>, %arg8: memref<10240x128xf32, #tpu.memory_space<vmem_shared>>, %arg9: memref<!tpu.dma_semaphore, #tpu.memory_space<semaphore_mem>>, %arg10: memref<!tpu.dma_semaphore, #tpu.memory_space<semaphore_mem>>, %arg11: memref<!tpu.dma_semaphore, #tpu.memory_space<semaphore_mem>>) attributes {dimension_semantics = [#tpu.dimension_semantics<core_parallel>, #tpu.dimension_semantics<subcore_parallel>], iteration_bounds = array<i64: 2, 16>, scalar_prefetch = 0 : i64, scratch_operands = 6 : i64, tpu.core_type = #tpu.core_type<sc_vector_subcore>, window_params = [{transform_indices = #map}, {transform_indices = #map1}, {transform_indices = #map1}, {transform_indices = #map1}]} {
    %mul3A = arith.constant 16 : i32
    %mul3A_0 = arith.muli %arg0, %mul3A : i32
    %add3A = arith.addi %mul3A_0, %arg1 : i32
    %mul3A_1 = arith.constant 10000 : i32
    %mul3A_2 = arith.muli %add3A, %mul3A_1 : i32
    %dma_start3A = tpu.memref_slice %arg2[%mul3A_2] : memref<320000xi32, #tpu.memory_space<hbm>> -> memref<10000xi32, #tpu.memory_space<hbm>>
    %dma_start3A_3 = tpu.memref_slice %arg2[%mul3A_2] : memref<320000xi32, #tpu.memory_space<hbm>> -> memref<10000xi32, #tpu.memory_space<hbm>>
    tpu.enqueue_dma source(%dma_start3A_3 : memref<10000xi32, #tpu.memory_space<hbm>>) target(%arg6 : memref<10000xi32, #tpu.memory_space<vmem>>) target_semaphore(%arg10 : memref<!tpu.dma_semaphore, #tpu.memory_space<semaphore_mem>>)
    %mul3A_4 = arith.constant 640 : i32
    %mul3A_5 = arith.muli %arg1, %mul3A_4 : i32
    %add3A_6 = arith.constant 0 : i32
    %add3A_7 = arith.addi %mul3A_5, %add3A_6 : i32
    %dma_start3A_8 = arith.constant 0 : i32
    %dma_start3A_9 = tpu.memref_slice %arg8[%add3A_7, %dma_start3A_8] : memref<10240x128xf32, #tpu.memory_space<vmem_shared>> -> memref<128x128xf32, #tpu.memory_space<vmem_shared>>
    tpu.enqueue_dma source(%arg4 : memref<128x128xf32, #tpu.memory_space<hbm>>) target(%dma_start3A_9 : memref<128x128xf32, #tpu.memory_space<vmem_shared>>) target_semaphore(%arg11 : memref<!tpu.dma_semaphore, #tpu.memory_space<semaphore_mem>>)
    %add3A_10 = arith.constant 128 : i32
    %add3A_11 = arith.addi %mul3A_5, %add3A_10 : i32
    %dma_start3A_12 = arith.constant 0 : i32
    %dma_start3A_13 = tpu.memref_slice %arg8[%add3A_11, %dma_start3A_12] : memref<10240x128xf32, #tpu.memory_space<vmem_shared>> -> memref<128x128xf32, #tpu.memory_space<vmem_shared>>
    tpu.enqueue_dma source(%arg4 : memref<128x128xf32, #tpu.memory_space<hbm>>) target(%dma_start3A_13 : memref<128x128xf32, #tpu.memory_space<vmem_shared>>) target_semaphore(%arg11 : memref<!tpu.dma_semaphore, #tpu.memory_space<semaphore_mem>>)
    %add3A_14 = arith.constant 256 : i32
    %add3A_15 = arith.addi %mul3A_5, %add3A_14 : i32
    %dma_start3A_16 = arith.constant 0 : i32
    %dma_start3A_17 = tpu.memref_slice %arg8[%add3A_15, %dma_start3A_16] : memref<10240x128xf32, #tpu.memory_space<vmem_shared>> -> memref<128x128xf32, #tpu.memory_space<vmem_shared>>
    tpu.enqueue_dma source(%arg4 : memref<128x128xf32, #tpu.memory_space<hbm>>) target(%dma_start3A_17 : memref<128x128xf32, #tpu.memory_space<vmem_shared>>) target_semaphore(%arg11 : memref<!tpu.dma_semaphore, #tpu.memory_space<semaphore_mem>>)
    %add3A_18 = arith.constant 384 : i32
    %add3A_19 = arith.addi %mul3A_5, %add3A_18 : i32
    %dma_start3A_20 = arith.constant 0 : i32
    %dma_start3A_21 = tpu.memref_slice %arg8[%add3A_19, %dma_start3A_20] : memref<10240x128xf32, #tpu.memory_space<vmem_shared>> -> memref<128x128xf32, #tpu.memory_space<vmem_shared>>
    tpu.enqueue_dma source(%arg4 : memref<128x128xf32, #tpu.memory_space<hbm>>) target(%dma_start3A_21 : memref<128x128xf32, #tpu.memory_space<vmem_shared>>) target_semaphore(%arg11 : memref<!tpu.dma_semaphore, #tpu.memory_space<semaphore_mem>>)
    %add3A_22 = arith.constant 512 : i32
    %add3A_23 = arith.addi %mul3A_5, %add3A_22 : i32
    %dma_start3A_24 = arith.constant 0 : i32
    %dma_start3A_25 = tpu.memref_slice %arg8[%add3A_23, %dma_start3A_24] : memref<10240x128xf32, #tpu.memory_space<vmem_shared>> -> memref<128x128xf32, #tpu.memory_space<vmem_shared>>
    tpu.enqueue_dma source(%arg4 : memref<128x128xf32, #tpu.memory_space<hbm>>) target(%dma_start3A_25 : memref<128x128xf32, #tpu.memory_space<vmem_shared>>) target_semaphore(%arg11 : memref<!tpu.dma_semaphore, #tpu.memory_space<semaphore_mem>>)
    "tpu.region"() ({
      %run_scoped3A = tpu.sem_alloc : memref<!tpu.dma_semaphore, #tpu.memory_space<semaphore_mem>>
      tpu.enqueue_dma source(%arg3 : memref<80x128xf32, #tpu.memory_space<hbm>>) target(%arg7 : memref<80x128xf32, #tpu.memory_space<vmem>>) target_semaphore(%run_scoped3A : memref<!tpu.dma_semaphore, #tpu.memory_space<semaphore_mem>>)
      tpu.wait_dma2 semaphore(%run_scoped3A : memref<!tpu.dma_semaphore, #tpu.memory_space<semaphore_mem>>) src(%arg3 : memref<80x128xf32, #tpu.memory_space<hbm>>) dst(%arg7 : memref<80x128xf32, #tpu.memory_space<vmem>>)
      tpu.yield
    }) : () -> ()
    %dma_wait3A = tpu.memref_slice %arg2[%mul3A_2] : memref<320000xi32, #tpu.memory_space<hbm>> -> memref<10000xi32, #tpu.memory_space<hbm>>
    %dma_wait3A_26 = tpu.memref_slice %arg2[%mul3A_2] : memref<320000xi32, #tpu.memory_space<hbm>> -> memref<10000xi32, #tpu.memory_space<hbm>>
    tpu.wait_dma2 semaphore(%arg10 : memref<!tpu.dma_semaphore, #tpu.memory_space<semaphore_mem>>) src(%dma_wait3A_26 : memref<10000xi32, #tpu.memory_space<hbm>>) dst(%arg6 : memref<10000xi32, #tpu.memory_space<vmem>>)
    %add3A_27 = arith.constant 0 : i32
    %add3A_28 = arith.addi %mul3A_5, %add3A_27 : i32
    %dma_wait3A_29 = arith.constant 0 : i32
    %dma_wait3A_30 = tpu.memref_slice %arg8[%add3A_28, %dma_wait3A_29] : memref<10240x128xf32, #tpu.memory_space<vmem_shared>> -> memref<128x128xf32, #tpu.memory_space<vmem_shared>>
    tpu.wait_dma2 semaphore(%arg11 : memref<!tpu.dma_semaphore, #tpu.memory_space<semaphore_mem>>) src(%arg4 : memref<128x128xf32, #tpu.memory_space<hbm>>) dst(%dma_wait3A_30 : memref<128x128xf32, #tpu.memory_space<vmem_shared>>)
    %add3A_31 = arith.constant 128 : i32
    %add3A_32 = arith.addi %mul3A_5, %add3A_31 : i32
    %dma_wait3A_33 = arith.constant 0 : i32
    %dma_wait3A_34 = tpu.memref_slice %arg8[%add3A_32, %dma_wait3A_33] : memref<10240x128xf32, #tpu.memory_space<vmem_shared>> -> memref<128x128xf32, #tpu.memory_space<vmem_shared>>
    tpu.wait_dma2 semaphore(%arg11 : memref<!tpu.dma_semaphore, #tpu.memory_space<semaphore_mem>>) src(%arg4 : memref<128x128xf32, #tpu.memory_space<hbm>>) dst(%dma_wait3A_34 : memref<128x128xf32, #tpu.memory_space<vmem_shared>>)
    %add3A_35 = arith.constant 256 : i32
    %add3A_36 = arith.addi %mul3A_5, %add3A_35 : i32
    %dma_wait3A_37 = arith.constant 0 : i32
    %dma_wait3A_38 = tpu.memref_slice %arg8[%add3A_36, %dma_wait3A_37] : memref<10240x128xf32, #tpu.memory_space<vmem_shared>> -> memref<128x128xf32, #tpu.memory_space<vmem_shared>>
    tpu.wait_dma2 semaphore(%arg11 : memref<!tpu.dma_semaphore, #tpu.memory_space<semaphore_mem>>) src(%arg4 : memref<128x128xf32, #tpu.memory_space<hbm>>) dst(%dma_wait3A_38 : memref<128x128xf32, #tpu.memory_space<vmem_shared>>)
    %add3A_39 = arith.constant 384 : i32
    %add3A_40 = arith.addi %mul3A_5, %add3A_39 : i32
    %dma_wait3A_41 = arith.constant 0 : i32
    %dma_wait3A_42 = tpu.memref_slice %arg8[%add3A_40, %dma_wait3A_41] : memref<10240x128xf32, #tpu.memory_space<vmem_shared>> -> memref<128x128xf32, #tpu.memory_space<vmem_shared>>
    tpu.wait_dma2 semaphore(%arg11 : memref<!tpu.dma_semaphore, #tpu.memory_space<semaphore_mem>>) src(%arg4 : memref<128x128xf32, #tpu.memory_space<hbm>>) dst(%dma_wait3A_42 : memref<128x128xf32, #tpu.memory_space<vmem_shared>>)
    %add3A_43 = arith.constant 512 : i32
    %add3A_44 = arith.addi %mul3A_5, %add3A_43 : i32
    %dma_wait3A_45 = arith.constant 0 : i32
    %dma_wait3A_46 = tpu.memref_slice %arg8[%add3A_44, %dma_wait3A_45] : memref<10240x128xf32, #tpu.memory_space<vmem_shared>> -> memref<128x128xf32, #tpu.memory_space<vmem_shared>>
    tpu.wait_dma2 semaphore(%arg11 : memref<!tpu.dma_semaphore, #tpu.memory_space<semaphore_mem>>) src(%arg4 : memref<128x128xf32, #tpu.memory_space<hbm>>) dst(%dma_wait3A_46 : memref<128x128xf32, #tpu.memory_space<vmem_shared>>)
    %barrier3A = arith.constant 0 : index
    tpu.barrier barrier_id(%barrier3A)
    %multiple_of3A = arith.constant 0 : i32
    %multiple_of3A_47 = tpu.assume_multiple %multiple_of3A, 8 : i32
    %dma_start3A_48 = tpu.memref_slice %arg6[%multiple_of3A_47] : memref<10000xi32, #tpu.memory_space<vmem>> -> memref<80xi32, #tpu.memory_space<vmem>>
    %dma_start3A_49 = arith.constant 0 : i32
    %dma_start3A_50 = arith.constant 0 : i32
    %dma_start3A_51 = tpu.memref_slice %arg8[%dma_start3A_49, %dma_start3A_50] : memref<10240x128xf32, #tpu.memory_space<vmem_shared>> -> memref<10240x128xf32, #tpu.memory_space<vmem_shared>>
    tpu.enqueue_indirect_dma source(%arg7 : memref<80x128xf32, #tpu.memory_space<vmem>>) target(%dma_start3A_51 : memref<10240x128xf32, #tpu.memory_space<vmem_shared>>) offsets(%dma_start3A_48 : memref<80xi32, #tpu.memory_space<vmem>>) semaphore(%arg9 : memref<!tpu.dma_semaphore, #tpu.memory_space<semaphore_mem>>) {add = true}
    %multiple_of3A_52 = arith.constant 80 : i32
    %multiple_of3A_53 = tpu.assume_multiple %multiple_of3A_52, 8 : i32
    %dma_start3A_54 = tpu.memref_slice %arg6[%multiple_of3A_53] : memref<10000xi32, #tpu.memory_space<vmem>> -> memref<80xi32, #tpu.memory_space<vmem>>
    %dma_start3A_55 = arith.constant 0 : i32
    %dma_start3A_56 = arith.constant 0 : i32
    %dma_start3A_57 = tpu.memref_slice %arg8[%dma_start3A_55, %dma_start3A_56] : memref<10240x128xf32, #tpu.memory_space<vmem_shared>> -> memref<10240x128xf32, #tpu.memory_space<vmem_shared>>
    tpu.enqueue_indirect_dma source(%arg7 : memref<80x128xf32, #tpu.memory_space<vmem>>) target(%dma_start3A_57 : memref<10240x128xf32, #tpu.memory_space<vmem_shared>>) offsets(%dma_start3A_54 : memref<80xi32, #tpu.memory_space<vmem>>) semaphore(%arg9 : memref<!tpu.dma_semaphore, #tpu.memory_space<semaphore_mem>>) {add = true}
    %multiple_of3A_58 = arith.constant 160 : i32
    %multiple_of3A_59 = tpu.assume_multiple %multiple_of3A_58, 8 : i32
    %dma_start3A_60 = tpu.memref_slice %arg6[%multiple_of3A_59] : memref<10000xi32, #tpu.memory_space<vmem>> -> memref<80xi32, #tpu.memory_space<vmem>>
    %dma_start3A_61 = arith.constant 0 : i32
    %dma_start3A_62 = arith.constant 0 : i32
    %dma_start3A_63 = tpu.memref_slice %arg8[%dma_start3A_61, %dma_start3A_62] : memref<10240x128xf32, #tpu.memory_space<vmem_shared>> -> memref<10240x128xf32, #tpu.memory_space<vmem_shared>>
    tpu.enqueue_indirect_dma source(%arg7 : memref<80x128xf32, #tpu.memory_space<vmem>>) target(%dma_start3A_63 : memref<10240x128xf32, #tpu.memory_space<vmem_shared>>) offsets(%dma_start3A_60 : memref<80xi32, #tpu.memory_space<vmem>>) semaphore(%arg9 : memref<!tpu.dma_semaphore, #tpu.memory_space<semaphore_mem>>) {add = true}
    %multiple_of3A_64 = arith.constant 240 : i32
    %multiple_of3A_65 = tpu.assume_multiple %multiple_of3A_64, 8 : i32
    %dma_start3A_66 = tpu.memref_slice %arg6[%multiple_of3A_65] : memref<10000xi32, #tpu.memory_space<vmem>> -> memref<80xi32, #tpu.memory_space<vmem>>
    %dma_start3A_67 = arith.constant 0 : i32
    %dma_start3A_68 = arith.constant 0 : i32
    %dma_start3A_69 = tpu.memref_slice %arg8[%dma_start3A_67, %dma_start3A_68] : memref<10240x128xf32, #tpu.memory_space<vmem_shared>> -> memref<10240x128xf32, #tpu.memory_space<vmem_shared>>
    tpu.enqueue_indirect_dma source(%arg7 : memref<80x128xf32, #tpu.memory_space<vmem>>) target(%dma_start3A_69 : memref<10240x128xf32, #tpu.memory_space<vmem_shared>>) offsets(%dma_start3A_66 : memref<80xi32, #tpu.memory_space<vmem>>) semaphore(%arg9 : memref<!tpu.dma_semaphore, #tpu.memory_space<semaphore_mem>>) {add = true}
    %multiple_of3A_70 = arith.constant 320 : i32
    %multiple_of3A_71 = tpu.assume_multiple %multiple_of3A_70, 8 : i32
    %dma_start3A_72 = tpu.memref_slice %arg6[%multiple_of3A_71] : memref<10000xi32, #tpu.memory_space<vmem>> -> memref<80xi32, #tpu.memory_space<vmem>>
    %dma_start3A_73 = arith.constant 0 : i32
    %dma_start3A_74 = arith.constant 0 : i32
    %dma_start3A_75 = tpu.memref_slice %arg8[%dma_start3A_73, %dma_start3A_74] : memref<10240x128xf32, #tpu.memory_space<vmem_shared>> -> memref<10240x128xf32, #tpu.memory_space<vmem_shared>>
    tpu.enqueue_indirect_dma source(%arg7 : memref<80x128xf32, #tpu.memory_space<vmem>>) target(%dma_start3A_75 : memref<10240x128xf32, #tpu.memory_space<vmem_shared>>) offsets(%dma_start3A_72 : memref<80xi32, #tpu.memory_space<vmem>>) semaphore(%arg9 : memref<!tpu.dma_semaphore, #tpu.memory_space<semaphore_mem>>) {add = true}
    %multiple_of3A_76 = arith.constant 400 : i32
    %multiple_of3A_77 = tpu.assume_multiple %multiple_of3A_76, 8 : i32
    %dma_start3A_78 = tpu.memref_slice %arg6[%multiple_of3A_77] : memref<10000xi32, #tpu.memory_space<vmem>> -> memref<80xi32, #tpu.memory_space<vmem>>
    %dma_start3A_79 = arith.constant 0 : i32
    %dma_start3A_80 = arith.constant 0 : i32
    %dma_start3A_81 = tpu.memref_slice %arg8[%dma_start3A_79, %dma_start3A_80] : memref<10240x128xf32, #tpu.memory_space<vmem_shared>> -> memref<10240x128xf32, #tpu.memory_space<vmem_shared>>
    tpu.enqueue_indirect_dma source(%arg7 : memref<80x128xf32, #tpu.memory_space<vmem>>) target(%dma_start3A_81 : memref<10240x128xf32, #tpu.memory_space<vmem_shared>>) offsets(%dma_start3A_78 : memref<80xi32, #tpu.memory_space<vmem>>) semaphore(%arg9 : memref<!tpu.dma_semaphore, #tpu.memory_space<semaphore_mem>>) {add = true}
    %multiple_of3A_82 = arith.constant 480 : i32
    %multiple_of3A_83 = tpu.assume_multiple %multiple_of3A_82, 8 : i32
    %dma_start3A_84 = tpu.memref_slice %arg6[%multiple_of3A_83] : memref<10000xi32, #tpu.memory_space<vmem>> -> memref<80xi32, #tpu.memory_space<vmem>>
    %dma_start3A_85 = arith.constant 0 : i32
    %dma_start3A_86 = arith.constant 0 : i32
    %dma_start3A_87 = tpu.memref_slice %arg8[%dma_start3A_85, %dma_start3A_86] : memref<10240x128xf32, #tpu.memory_space<vmem_shared>> -> memref<10240x128xf32, #tpu.memory_space<vmem_shared>>
    tpu.enqueue_indirect_dma source(%arg7 : memref<80x128xf32, #tpu.memory_space<vmem>>) target(%dma_start3A_87 : memref<10240x128xf32, #tpu.memory_space<vmem_shared>>) offsets(%dma_start3A_84 : memref<80xi32, #tpu.memory_space<vmem>>) semaphore(%arg9 : memref<!tpu.dma_semaphore, #tpu.memory_space<semaphore_mem>>) {add = true}
    %multiple_of3A_88 = arith.constant 560 : i32
    %multiple_of3A_89 = tpu.assume_multiple %multiple_of3A_88, 8 : i32
    %dma_start3A_90 = tpu.memref_slice %arg6[%multiple_of3A_89] : memref<10000xi32, #tpu.memory_space<vmem>> -> memref<80xi32, #tpu.memory_space<vmem>>
    %dma_start3A_91 = arith.constant 0 : i32
    %dma_start3A_92 = arith.constant 0 : i32
    %dma_start3A_93 = tpu.memref_slice %arg8[%dma_start3A_91, %dma_start3A_92] : memref<10240x128xf32, #tpu.memory_space<vmem_shared>> -> memref<10240x128xf32, #tpu.memory_space<vmem_shared>>
    tpu.enqueue_indirect_dma source(%arg7 : memref<80x128xf32, #tpu.memory_space<vmem>>) target(%dma_start3A_93 : memref<10240x128xf32, #tpu.memory_space<vmem_shared>>) offsets(%dma_start3A_90 : memref<80xi32, #tpu.memory_space<vmem>>) semaphore(%arg9 : memref<!tpu.dma_semaphore, #tpu.memory_space<semaphore_mem>>) {add = true}
    %multiple_of3A_94 = arith.constant 640 : i32
    %multiple_of3A_95 = tpu.assume_multiple %multiple_of3A_94, 8 : i32
    %dma_start3A_96 = tpu.memref_slice %arg6[%multiple_of3A_95] : memref<10000xi32, #tpu.memory_space<vmem>> -> memref<80xi32, #tpu.memory_space<vmem>>
    %dma_start3A_97 = arith.constant 0 : i32
    %dma_start3A_98 = arith.constant 0 : i32
    %dma_start3A_99 = tpu.memref_slice %arg8[%dma_start3A_97, %dma_start3A_98] : memref<10240x128xf32, #tpu.memory_space<vmem_shared>> -> memref<10240x128xf32, #tpu.memory_space<vmem_shared>>
    tpu.enqueue_indirect_dma source(%arg7 : memref<80x128xf32, #tpu.memory_space<vmem>>) target(%dma_start3A_99 : memref<10240x128xf32, #tpu.memory_space<vmem_shared>>) offsets(%dma_start3A_96 : memref<80xi32, #tpu.memory_space<vmem>>) semaphore(%arg9 : memref<!tpu.dma_semaphore, #tpu.memory_space<semaphore_mem>>) {add = true}
    %multiple_of3A_100 = arith.constant 720 : i32
    %multiple_of3A_101 = tpu.assume_multiple %multiple_of3A_100, 8 : i32
    %dma_start3A_102 = tpu.memref_slice %arg6[%multiple_of3A_101] : memref<10000xi32, #tpu.memory_space<vmem>> -> memref<80xi32, #tpu.memory_space<vmem>>
    %dma_start3A_103 = arith.constant 0 : i32
    %dma_start3A_104 = arith.constant 0 : i32
    %dma_start3A_105 = tpu.memref_slice %arg8[%dma_start3A_103, %dma_start3A_104] : memref<10240x128xf32, #tpu.memory_space<vmem_shared>> -> memref<10240x128xf32, #tpu.memory_space<vmem_shared>>
    tpu.enqueue_indirect_dma source(%arg7 : memref<80x128xf32, #tpu.memory_space<vmem>>) target(%dma_start3A_105 : memref<10240x128xf32, #tpu.memory_space<vmem_shared>>) offsets(%dma_start3A_102 : memref<80xi32, #tpu.memory_space<vmem>>) semaphore(%arg9 : memref<!tpu.dma_semaphore, #tpu.memory_space<semaphore_mem>>) {add = true}
    %multiple_of3A_106 = arith.constant 800 : i32
    %multiple_of3A_107 = tpu.assume_multiple %multiple_of3A_106, 8 : i32
    %dma_start3A_108 = tpu.memref_slice %arg6[%multiple_of3A_107] : memref<10000xi32, #tpu.memory_space<vmem>> -> memref<80xi32, #tpu.memory_space<vmem>>
    %dma_start3A_109 = arith.constant 0 : i32
    %dma_start3A_110 = arith.constant 0 : i32
    %dma_start3A_111 = tpu.memref_slice %arg8[%dma_start3A_109, %dma_start3A_110] : memref<10240x128xf32, #tpu.memory_space<vmem_shared>> -> memref<10240x128xf32, #tpu.memory_space<vmem_shared>>
    tpu.enqueue_indirect_dma source(%arg7 : memref<80x128xf32, #tpu.memory_space<vmem>>) target(%dma_start3A_111 : memref<10240x128xf32, #tpu.memory_space<vmem_shared>>) offsets(%dma_start3A_108 : memref<80xi32, #tpu.memory_space<vmem>>) semaphore(%arg9 : memref<!tpu.dma_semaphore, #tpu.memory_space<semaphore_mem>>) {add = true}
    %multiple_of3A_112 = arith.constant 880 : i32
    %multiple_of3A_113 = tpu.assume_multiple %multiple_of3A_112, 8 : i32
    %dma_start3A_114 = tpu.memref_slice %arg6[%multiple_of3A_113] : memref<10000xi32, #tpu.memory_space<vmem>> -> memref<80xi32, #tpu.memory_space<vmem>>
    %dma_start3A_115 = arith.constant 0 : i32
    %dma_start3A_116 = arith.constant 0 : i32
    %dma_start3A_117 = tpu.memref_slice %arg8[%dma_start3A_115, %dma_start3A_116] : memref<10240x128xf32, #tpu.memory_space<vmem_shared>> -> memref<10240x128xf32, #tpu.memory_space<vmem_shared>>
    tpu.enqueue_indirect_dma source(%arg7 : memref<80x128xf32, #tpu.memory_space<vmem>>) target(%dma_start3A_117 : memref<10240x128xf32, #tpu.memory_space<vmem_shared>>) offsets(%dma_start3A_114 : memref<80xi32, #tpu.memory_space<vmem>>) semaphore(%arg9 : memref<!tpu.dma_semaphore, #tpu.memory_space<semaphore_mem>>) {add = true}
    %multiple_of3A_118 = arith.constant 960 : i32
    %multiple_of3A_119 = tpu.assume_multiple %multiple_of3A_118, 8 : i32
    %dma_start3A_120 = tpu.memref_slice %arg6[%multiple_of3A_119] : memref<10000xi32, #tpu.memory_space<vmem>> -> memref<80xi32, #tpu.memory_space<vmem>>
    %dma_start3A_121 = arith.constant 0 : i32
    %dma_start3A_122 = arith.constant 0 : i32
    %dma_start3A_123 = tpu.memref_slice %arg8[%dma_start3A_121, %dma_start3A_122] : memref<10240x128xf32, #tpu.memory_space<vmem_shared>> -> memref<10240x128xf32, #tpu.memory_space<vmem_shared>>
    tpu.enqueue_indirect_dma source(%arg7 : memref<80x128xf32, #tpu.memory_space<vmem>>) target(%dma_start3A_123 : memref<10240x128xf32, #tpu.memory_space<vmem_shared>>) offsets(%dma_start3A_120 : memref<80xi32, #tpu.memory_space<vmem>>) semaphore(%arg9 : memref<!tpu.dma_semaphore, #tpu.memory_space<semaphore_mem>>) {add = true}
    %multiple_of3A_124 = arith.constant 1040 : i32
    %multiple_of3A_125 = tpu.assume_multiple %multiple_of3A_124, 8 : i32
    %dma_start3A_126 = tpu.memref_slice %arg6[%multiple_of3A_125] : memref<10000xi32, #tpu.memory_space<vmem>> -> memref<80xi32, #tpu.memory_space<vmem>>
    %dma_start3A_127 = arith.constant 0 : i32
    %dma_start3A_128 = arith.constant 0 : i32
    %dma_start3A_129 = tpu.memref_slice %arg8[%dma_start3A_127, %dma_start3A_128] : memref<10240x128xf32, #tpu.memory_space<vmem_shared>> -> memref<10240x128xf32, #tpu.memory_space<vmem_shared>>
    tpu.enqueue_indirect_dma source(%arg7 : memref<80x128xf32, #tpu.memory_space<vmem>>) target(%dma_start3A_129 : memref<10240x128xf32, #tpu.memory_space<vmem_shared>>) offsets(%dma_start3A_126 : memref<80xi32, #tpu.memory_space<vmem>>) semaphore(%arg9 : memref<!tpu.dma_semaphore, #tpu.memory_space<semaphore_mem>>) {add = true}
    %multiple_of3A_130 = arith.constant 1120 : i32
    %multiple_of3A_131 = tpu.assume_multiple %multiple_of3A_130, 8 : i32
    %dma_start3A_132 = tpu.memref_slice %arg6[%multiple_of3A_131] : memref<10000xi32, #tpu.memory_space<vmem>> -> memref<80xi32, #tpu.memory_space<vmem>>
    %dma_start3A_133 = arith.constant 0 : i32
    %dma_start3A_134 = arith.constant 0 : i32
    %dma_start3A_135 = tpu.memref_slice %arg8[%dma_start3A_133, %dma_start3A_134] : memref<10240x128xf32, #tpu.memory_space<vmem_shared>> -> memref<10240x128xf32, #tpu.memory_space<vmem_shared>>
    tpu.enqueue_indirect_dma source(%arg7 : memref<80x128xf32, #tpu.memory_space<vmem>>) target(%dma_start3A_135 : memref<10240x128xf32, #tpu.memory_space<vmem_shared>>) offsets(%dma_start3A_132 : memref<80xi32, #tpu.memory_space<vmem>>) semaphore(%arg9 : memref<!tpu.dma_semaphore, #tpu.memory_space<semaphore_mem>>) {add = true}
    %multiple_of3A_136 = arith.constant 1200 : i32
    %multiple_of3A_137 = tpu.assume_multiple %multiple_of3A_136, 8 : i32
    %dma_start3A_138 = tpu.memref_slice %arg6[%multiple_of3A_137] : memref<10000xi32, #tpu.memory_space<vmem>> -> memref<80xi32, #tpu.memory_space<vmem>>
    %dma_start3A_139 = arith.constant 0 : i32
    %dma_start3A_140 = arith.constant 0 : i32
    %dma_start3A_141 = tpu.memref_slice %arg8[%dma_start3A_139, %dma_start3A_140] : memref<10240x128xf32, #tpu.memory_space<vmem_shared>> -> memref<10240x128xf32, #tpu.memory_space<vmem_shared>>
    tpu.enqueue_indirect_dma source(%arg7 : memref<80x128xf32, #tpu.memory_space<vmem>>) target(%dma_start3A_141 : memref<10240x128xf32, #tpu.memory_space<vmem_shared>>) offsets(%dma_start3A_138 : memref<80xi32, #tpu.memory_space<vmem>>) semaphore(%arg9 : memref<!tpu.dma_semaphore, #tpu.memory_space<semaphore_mem>>) {add = true}
    %scan3A = arith.constant 0 : i32
    %scan3A_142 = arith.constant 0 : i32
    %scan3A_143 = arith.constant 109 : i32
    %scan3A_144 = arith.addi %scan3A_142, %scan3A_143 : i32
    %scan3A_145 = arith.constant 1 : i32
    scf.for %scan3A_247 = %scan3A_142 to %scan3A_144 step %scan3A_145  : i32 {
      %multiple_of3A_248 = arith.constant 0 : i32
      %multiple_of3A_249 = tpu.assume_multiple %multiple_of3A_248, 8 : i32
      %dma_wait3A_250 = tpu.memref_slice %arg6[%multiple_of3A_249] : memref<10000xi32, #tpu.memory_space<vmem>> -> memref<80xi32, #tpu.memory_space<vmem>>
      %dma_wait3A_251 = arith.constant 0 : i32
      %dma_wait3A_252 = arith.constant 0 : i32
      %dma_wait3A_253 = tpu.memref_slice %arg8[%dma_wait3A_251, %dma_wait3A_252] : memref<10240x128xf32, #tpu.memory_space<vmem_shared>> -> memref<10240x128xf32, #tpu.memory_space<vmem_shared>>
      tpu.wait_indirect_dma semaphore(%arg9 : memref<!tpu.dma_semaphore, #tpu.memory_space<semaphore_mem>>) src(%arg7 : memref<80x128xf32, #tpu.memory_space<vmem>>) dst(%dma_wait3A_253 : memref<10240x128xf32, #tpu.memory_space<vmem_shared>>)
      %add3A_254 = arith.constant 16 : i32
      %add3A_255 = arith.addi %scan3A_247, %add3A_254 : i32
      %mul3A_256 = arith.constant 80 : i32
      %mul3A_257 = arith.muli %add3A_255, %mul3A_256 : i32
      %multiple_of3A_258 = tpu.assume_multiple %mul3A_257, 8 : i32
      %dma_start3A_259 = tpu.memref_slice %arg6[%multiple_of3A_258] : memref<10000xi32, #tpu.memory_space<vmem>> -> memref<80xi32, #tpu.memory_space<vmem>>
      %dma_start3A_260 = arith.constant 0 : i32
      %dma_start3A_261 = arith.constant 0 : i32
      %dma_start3A_262 = tpu.memref_slice %arg8[%dma_start3A_260, %dma_start3A_261] : memref<10240x128xf32, #tpu.memory_space<vmem_shared>> -> memref<10240x128xf32, #tpu.memory_space<vmem_shared>>
      tpu.enqueue_indirect_dma source(%arg7 : memref<80x128xf32, #tpu.memory_space<vmem>>) target(%dma_start3A_262 : memref<10240x128xf32, #tpu.memory_space<vmem_shared>>) offsets(%dma_start3A_259 : memref<80xi32, #tpu.memory_space<vmem>>) semaphore(%arg9 : memref<!tpu.dma_semaphore, #tpu.memory_space<semaphore_mem>>) {add = true}
    }
    %scan3A_146 = arith.constant 109 : i32
    %multiple_of3A_147 = arith.constant 0 : i32
    %multiple_of3A_148 = tpu.assume_multiple %multiple_of3A_147, 8 : i32
    %dma_wait3A_149 = tpu.memref_slice %arg6[%multiple_of3A_148] : memref<10000xi32, #tpu.memory_space<vmem>> -> memref<80xi32, #tpu.memory_space<vmem>>
    %dma_wait3A_150 = arith.constant 0 : i32
    %dma_wait3A_151 = arith.constant 0 : i32
    %dma_wait3A_152 = tpu.memref_slice %arg8[%dma_wait3A_150, %dma_wait3A_151] : memref<10240x128xf32, #tpu.memory_space<vmem_shared>> -> memref<10240x128xf32, #tpu.memory_space<vmem_shared>>
    tpu.wait_indirect_dma semaphore(%arg9 : memref<!tpu.dma_semaphore, #tpu.memory_space<semaphore_mem>>) src(%arg7 : memref<80x128xf32, #tpu.memory_space<vmem>>) dst(%dma_wait3A_152 : memref<10240x128xf32, #tpu.memory_space<vmem_shared>>)
    %multiple_of3A_153 = arith.constant 0 : i32
    %multiple_of3A_154 = tpu.assume_multiple %multiple_of3A_153, 8 : i32
    %dma_wait3A_155 = tpu.memref_slice %arg6[%multiple_of3A_154] : memref<10000xi32, #tpu.memory_space<vmem>> -> memref<80xi32, #tpu.memory_space<vmem>>
    %dma_wait3A_156 = arith.constant 0 : i32
    %dma_wait3A_157 = arith.constant 0 : i32
    %dma_wait3A_158 = tpu.memref_slice %arg8[%dma_wait3A_156, %dma_wait3A_157] : memref<10240x128xf32, #tpu.memory_space<vmem_shared>> -> memref<10240x128xf32, #tpu.memory_space<vmem_shared>>
    tpu.wait_indirect_dma semaphore(%arg9 : memref<!tpu.dma_semaphore, #tpu.memory_space<semaphore_mem>>) src(%arg7 : memref<80x128xf32, #tpu.memory_space<vmem>>) dst(%dma_wait3A_158 : memref<10240x128xf32, #tpu.memory_space<vmem_shared>>)
    %multiple_of3A_159 = arith.constant 0 : i32
    %multiple_of3A_160 = tpu.assume_multiple %multiple_of3A_159, 8 : i32
    %dma_wait3A_161 = tpu.memref_slice %arg6[%multiple_of3A_160] : memref<10000xi32, #tpu.memory_space<vmem>> -> memref<80xi32, #tpu.memory_space<vmem>>
    %dma_wait3A_162 = arith.constant 0 : i32
    %dma_wait3A_163 = arith.constant 0 : i32
    %dma_wait3A_164 = tpu.memref_slice %arg8[%dma_wait3A_162, %dma_wait3A_163] : memref<10240x128xf32, #tpu.memory_space<vmem_shared>> -> memref<10240x128xf32, #tpu.memory_space<vmem_shared>>
    tpu.wait_indirect_dma semaphore(%arg9 : memref<!tpu.dma_semaphore, #tpu.memory_space<semaphore_mem>>) src(%arg7 : memref<80x128xf32, #tpu.memory_space<vmem>>) dst(%dma_wait3A_164 : memref<10240x128xf32, #tpu.memory_space<vmem_shared>>)
    %multiple_of3A_165 = arith.constant 0 : i32
    %multiple_of3A_166 = tpu.assume_multiple %multiple_of3A_165, 8 : i32
    %dma_wait3A_167 = tpu.memref_slice %arg6[%multiple_of3A_166] : memref<10000xi32, #tpu.memory_space<vmem>> -> memref<80xi32, #tpu.memory_space<vmem>>
    %dma_wait3A_168 = arith.constant 0 : i32
    %dma_wait3A_169 = arith.constant 0 : i32
    %dma_wait3A_170 = tpu.memref_slice %arg8[%dma_wait3A_168, %dma_wait3A_169] : memref<10240x128xf32, #tpu.memory_space<vmem_shared>> -> memref<10240x128xf32, #tpu.memory_space<vmem_shared>>
    tpu.wait_indirect_dma semaphore(%arg9 : memref<!tpu.dma_semaphore, #tpu.memory_space<semaphore_mem>>) src(%arg7 : memref<80x128xf32, #tpu.memory_space<vmem>>) dst(%dma_wait3A_170 : memref<10240x128xf32, #tpu.memory_space<vmem_shared>>)
    %multiple_of3A_171 = arith.constant 0 : i32
    %multiple_of3A_172 = tpu.assume_multiple %multiple_of3A_171, 8 : i32
    %dma_wait3A_173 = tpu.memref_slice %arg6[%multiple_of3A_172] : memref<10000xi32, #tpu.memory_space<vmem>> -> memref<80xi32, #tpu.memory_space<vmem>>
    %dma_wait3A_174 = arith.constant 0 : i32
    %dma_wait3A_175 = arith.constant 0 : i32
    %dma_wait3A_176 = tpu.memref_slice %arg8[%dma_wait3A_174, %dma_wait3A_175] : memref<10240x128xf32, #tpu.memory_space<vmem_shared>> -> memref<10240x128xf32, #tpu.memory_space<vmem_shared>>
    tpu.wait_indirect_dma semaphore(%arg9 : memref<!tpu.dma_semaphore, #tpu.memory_space<semaphore_mem>>) src(%arg7 : memref<80x128xf32, #tpu.memory_space<vmem>>) dst(%dma_wait3A_176 : memref<10240x128xf32, #tpu.memory_space<vmem_shared>>)
    %multiple_of3A_177 = arith.constant 0 : i32
    %multiple_of3A_178 = tpu.assume_multiple %multiple_of3A_177, 8 : i32
    %dma_wait3A_179 = tpu.memref_slice %arg6[%multiple_of3A_178] : memref<10000xi32, #tpu.memory_space<vmem>> -> memref<80xi32, #tpu.memory_space<vmem>>
    %dma_wait3A_180 = arith.constant 0 : i32
    %dma_wait3A_181 = arith.constant 0 : i32
    %dma_wait3A_182 = tpu.memref_slice %arg8[%dma_wait3A_180, %dma_wait3A_181] : memref<10240x128xf32, #tpu.memory_space<vmem_shared>> -> memref<10240x128xf32, #tpu.memory_space<vmem_shared>>
    tpu.wait_indirect_dma semaphore(%arg9 : memref<!tpu.dma_semaphore, #tpu.memory_space<semaphore_mem>>) src(%arg7 : memref<80x128xf32, #tpu.memory_space<vmem>>) dst(%dma_wait3A_182 : memref<10240x128xf32, #tpu.memory_space<vmem_shared>>)
    %multiple_of3A_183 = arith.constant 0 : i32
    %multiple_of3A_184 = tpu.assume_multiple %multiple_of3A_183, 8 : i32
    %dma_wait3A_185 = tpu.memref_slice %arg6[%multiple_of3A_184] : memref<10000xi32, #tpu.memory_space<vmem>> -> memref<80xi32, #tpu.memory_space<vmem>>
    %dma_wait3A_186 = arith.constant 0 : i32
    %dma_wait3A_187 = arith.constant 0 : i32
    %dma_wait3A_188 = tpu.memref_slice %arg8[%dma_wait3A_186, %dma_wait3A_187] : memref<10240x128xf32, #tpu.memory_space<vmem_shared>> -> memref<10240x128xf32, #tpu.memory_space<vmem_shared>>
    tpu.wait_indirect_dma semaphore(%arg9 : memref<!tpu.dma_semaphore, #tpu.memory_space<semaphore_mem>>) src(%arg7 : memref<80x128xf32, #tpu.memory_space<vmem>>) dst(%dma_wait3A_188 : memref<10240x128xf32, #tpu.memory_space<vmem_shared>>)
    %multiple_of3A_189 = arith.constant 0 : i32
    %multiple_of3A_190 = tpu.assume_multiple %multiple_of3A_189, 8 : i32
    %dma_wait3A_191 = tpu.memref_slice %arg6[%multiple_of3A_190] : memref<10000xi32, #tpu.memory_space<vmem>> -> memref<80xi32, #tpu.memory_space<vmem>>
    %dma_wait3A_192 = arith.constant 0 : i32
    %dma_wait3A_193 = arith.constant 0 : i32
    %dma_wait3A_194 = tpu.memref_slice %arg8[%dma_wait3A_192, %dma_wait3A_193] : memref<10240x128xf32, #tpu.memory_space<vmem_shared>> -> memref<10240x128xf32, #tpu.memory_space<vmem_shared>>
    tpu.wait_indirect_dma semaphore(%arg9 : memref<!tpu.dma_semaphore, #tpu.memory_space<semaphore_mem>>) src(%arg7 : memref<80x128xf32, #tpu.memory_space<vmem>>) dst(%dma_wait3A_194 : memref<10240x128xf32, #tpu.memory_space<vmem_shared>>)
    %multiple_of3A_195 = arith.constant 0 : i32
    %multiple_of3A_196 = tpu.assume_multiple %multiple_of3A_195, 8 : i32
    %dma_wait3A_197 = tpu.memref_slice %arg6[%multiple_of3A_196] : memref<10000xi32, #tpu.memory_space<vmem>> -> memref<80xi32, #tpu.memory_space<vmem>>
    %dma_wait3A_198 = arith.constant 0 : i32
    %dma_wait3A_199 = arith.constant 0 : i32
    %dma_wait3A_200 = tpu.memref_slice %arg8[%dma_wait3A_198, %dma_wait3A_199] : memref<10240x128xf32, #tpu.memory_space<vmem_shared>> -> memref<10240x128xf32, #tpu.memory_space<vmem_shared>>
    tpu.wait_indirect_dma semaphore(%arg9 : memref<!tpu.dma_semaphore, #tpu.memory_space<semaphore_mem>>) src(%arg7 : memref<80x128xf32, #tpu.memory_space<vmem>>) dst(%dma_wait3A_200 : memref<10240x128xf32, #tpu.memory_space<vmem_shared>>)
    %multiple_of3A_201 = arith.constant 0 : i32
    %multiple_of3A_202 = tpu.assume_multiple %multiple_of3A_201, 8 : i32
    %dma_wait3A_203 = tpu.memref_slice %arg6[%multiple_of3A_202] : memref<10000xi32, #tpu.memory_space<vmem>> -> memref<80xi32, #tpu.memory_space<vmem>>
    %dma_wait3A_204 = arith.constant 0 : i32
    %dma_wait3A_205 = arith.constant 0 : i32
    %dma_wait3A_206 = tpu.memref_slice %arg8[%dma_wait3A_204, %dma_wait3A_205] : memref<10240x128xf32, #tpu.memory_space<vmem_shared>> -> memref<10240x128xf32, #tpu.memory_space<vmem_shared>>
    tpu.wait_indirect_dma semaphore(%arg9 : memref<!tpu.dma_semaphore, #tpu.memory_space<semaphore_mem>>) src(%arg7 : memref<80x128xf32, #tpu.memory_space<vmem>>) dst(%dma_wait3A_206 : memref<10240x128xf32, #tpu.memory_space<vmem_shared>>)
    %multiple_of3A_207 = arith.constant 0 : i32
    %multiple_of3A_208 = tpu.assume_multiple %multiple_of3A_207, 8 : i32
    %dma_wait3A_209 = tpu.memref_slice %arg6[%multiple_of3A_208] : memref<10000xi32, #tpu.memory_space<vmem>> -> memref<80xi32, #tpu.memory_space<vmem>>
    %dma_wait3A_210 = arith.constant 0 : i32
    %dma_wait3A_211 = arith.constant 0 : i32
    %dma_wait3A_212 = tpu.memref_slice %arg8[%dma_wait3A_210, %dma_wait3A_211] : memref<10240x128xf32, #tpu.memory_space<vmem_shared>> -> memref<10240x128xf32, #tpu.memory_space<vmem_shared>>
    tpu.wait_indirect_dma semaphore(%arg9 : memref<!tpu.dma_semaphore, #tpu.memory_space<semaphore_mem>>) src(%arg7 : memref<80x128xf32, #tpu.memory_space<vmem>>) dst(%dma_wait3A_212 : memref<10240x128xf32, #tpu.memory_space<vmem_shared>>)
    %multiple_of3A_213 = arith.constant 0 : i32
    %multiple_of3A_214 = tpu.assume_multiple %multiple_of3A_213, 8 : i32
    %dma_wait3A_215 = tpu.memref_slice %arg6[%multiple_of3A_214] : memref<10000xi32, #tpu.memory_space<vmem>> -> memref<80xi32, #tpu.memory_space<vmem>>
    %dma_wait3A_216 = arith.constant 0 : i32
    %dma_wait3A_217 = arith.constant 0 : i32
    %dma_wait3A_218 = tpu.memref_slice %arg8[%dma_wait3A_216, %dma_wait3A_217] : memref<10240x128xf32, #tpu.memory_space<vmem_shared>> -> memref<10240x128xf32, #tpu.memory_space<vmem_shared>>
    tpu.wait_indirect_dma semaphore(%arg9 : memref<!tpu.dma_semaphore, #tpu.memory_space<semaphore_mem>>) src(%arg7 : memref<80x128xf32, #tpu.memory_space<vmem>>) dst(%dma_wait3A_218 : memref<10240x128xf32, #tpu.memory_space<vmem_shared>>)
    %multiple_of3A_219 = arith.constant 0 : i32
    %multiple_of3A_220 = tpu.assume_multiple %multiple_of3A_219, 8 : i32
    %dma_wait3A_221 = tpu.memref_slice %arg6[%multiple_of3A_220] : memref<10000xi32, #tpu.memory_space<vmem>> -> memref<80xi32, #tpu.memory_space<vmem>>
    %dma_wait3A_222 = arith.constant 0 : i32
    %dma_wait3A_223 = arith.constant 0 : i32
    %dma_wait3A_224 = tpu.memref_slice %arg8[%dma_wait3A_222, %dma_wait3A_223] : memref<10240x128xf32, #tpu.memory_space<vmem_shared>> -> memref<10240x128xf32, #tpu.memory_space<vmem_shared>>
    tpu.wait_indirect_dma semaphore(%arg9 : memref<!tpu.dma_semaphore, #tpu.memory_space<semaphore_mem>>) src(%arg7 : memref<80x128xf32, #tpu.memory_space<vmem>>) dst(%dma_wait3A_224 : memref<10240x128xf32, #tpu.memory_space<vmem_shared>>)
    %multiple_of3A_225 = arith.constant 0 : i32
    %multiple_of3A_226 = tpu.assume_multiple %multiple_of3A_225, 8 : i32
    %dma_wait3A_227 = tpu.memref_slice %arg6[%multiple_of3A_226] : memref<10000xi32, #tpu.memory_space<vmem>> -> memref<80xi32, #tpu.memory_space<vmem>>
    %dma_wait3A_228 = arith.constant 0 : i32
    %dma_wait3A_229 = arith.constant 0 : i32
    %dma_wait3A_230 = tpu.memref_slice %arg8[%dma_wait3A_228, %dma_wait3A_229] : memref<10240x128xf32, #tpu.memory_space<vmem_shared>> -> memref<10240x128xf32, #tpu.memory_space<vmem_shared>>
    tpu.wait_indirect_dma semaphore(%arg9 : memref<!tpu.dma_semaphore, #tpu.memory_space<semaphore_mem>>) src(%arg7 : memref<80x128xf32, #tpu.memory_space<vmem>>) dst(%dma_wait3A_230 : memref<10240x128xf32, #tpu.memory_space<vmem_shared>>)
    %multiple_of3A_231 = arith.constant 0 : i32
    %multiple_of3A_232 = tpu.assume_multiple %multiple_of3A_231, 8 : i32
    %dma_wait3A_233 = tpu.memref_slice %arg6[%multiple_of3A_232] : memref<10000xi32, #tpu.memory_space<vmem>> -> memref<80xi32, #tpu.memory_space<vmem>>
    %dma_wait3A_234 = arith.constant 0 : i32
    %dma_wait3A_235 = arith.constant 0 : i32
    %dma_wait3A_236 = tpu.memref_slice %arg8[%dma_wait3A_234, %dma_wait3A_235] : memref<10240x128xf32, #tpu.memory_space<vmem_shared>> -> memref<10240x128xf32, #tpu.memory_space<vmem_shared>>
    tpu.wait_indirect_dma semaphore(%arg9 : memref<!tpu.dma_semaphore, #tpu.memory_space<semaphore_mem>>) src(%arg7 : memref<80x128xf32, #tpu.memory_space<vmem>>) dst(%dma_wait3A_236 : memref<10240x128xf32, #tpu.memory_space<vmem_shared>>)
    %multiple_of3A_237 = arith.constant 0 : i32
    %multiple_of3A_238 = tpu.assume_multiple %multiple_of3A_237, 8 : i32
    %dma_wait3A_239 = tpu.memref_slice %arg6[%multiple_of3A_238] : memref<10000xi32, #tpu.memory_space<vmem>> -> memref<80xi32, #tpu.memory_space<vmem>>
    %dma_wait3A_240 = arith.constant 0 : i32
    %dma_wait3A_241 = arith.constant 0 : i32
    %dma_wait3A_242 = tpu.memref_slice %arg8[%dma_wait3A_240, %dma_wait3A_241] : memref<10240x128xf32, #tpu.memory_space<vmem_shared>> -> memref<10240x128xf32, #tpu.memory_space<vmem_shared>>
    tpu.wait_indirect_dma semaphore(%arg9 : memref<!tpu.dma_semaphore, #tpu.memory_space<semaphore_mem>>) src(%arg7 : memref<80x128xf32, #tpu.memory_space<vmem>>) dst(%dma_wait3A_242 : memref<10240x128xf32, #tpu.memory_space<vmem_shared>>)
    %barrier3A_243 = arith.constant 0 : index
    tpu.barrier barrier_id(%barrier3A_243)
    %mul3A_244 = arith.constant 10240 : i32
    %mul3A_245 = arith.muli %arg0, %mul3A_244 : i32
    %add3A_246 = arith.addi %mul3A_245, %mul3A_5 : i32
    "tpu.region"() ({
      %run_scoped3A = tpu.sem_alloc : memref<!tpu.dma_semaphore, #tpu.memory_space<semaphore_mem>>
      %dma_start3A_247 = arith.constant 0 : i32
      %dma_start3A_248 = tpu.memref_slice %arg5[%add3A_246, %dma_start3A_247] : memref<20480x128xf32, #tpu.memory_space<hbm>> -> memref<640x128xf32, #tpu.memory_space<hbm>>
      %dma_start3A_249 = arith.constant 0 : i32
      %dma_start3A_250 = tpu.memref_slice %arg8[%mul3A_5, %dma_start3A_249] : memref<10240x128xf32, #tpu.memory_space<vmem_shared>> -> memref<640x128xf32, #tpu.memory_space<vmem_shared>>
      tpu.enqueue_dma source(%dma_start3A_250 : memref<640x128xf32, #tpu.memory_space<vmem_shared>>) target(%dma_start3A_248 : memref<640x128xf32, #tpu.memory_space<hbm>>) target_semaphore(%run_scoped3A : memref<!tpu.dma_semaphore, #tpu.memory_space<semaphore_mem>>)
      %dma_wait3A_251 = arith.constant 0 : i32
      %dma_wait3A_252 = tpu.memref_slice %arg5[%add3A_246, %dma_wait3A_251] : memref<20480x128xf32, #tpu.memory_space<hbm>> -> memref<640x128xf32, #tpu.memory_space<hbm>>
      %dma_wait3A_253 = arith.constant 0 : i32
      %dma_wait3A_254 = tpu.memref_slice %arg8[%mul3A_5, %dma_wait3A_253] : memref<10240x128xf32, #tpu.memory_space<vmem_shared>> -> memref<640x128xf32, #tpu.memory_space<vmem_shared>>
      tpu.wait_dma2 semaphore(%run_scoped3A : memref<!tpu.dma_semaphore, #tpu.memory_space<semaphore_mem>>) src(%dma_wait3A_254 : memref<640x128xf32, #tpu.memory_space<vmem_shared>>) dst(%dma_wait3A_252 : memref<640x128xf32, #tpu.memory_space<hbm>>)
      tpu.yield
    }) : () -> ()
    return
  }
}

#map = affine_map<(d0, d1) -> (0, 0)>
#map1 = affine_map<(d0, d1) -> (0)>
module attributes {stable_mosaic.version = 14 : i64} {
  func.func @agg(%arg0: i32, %arg1: i32, %arg2: memref<10000x128xf32, #tpu.memory_space<hbm>>, %arg3: memref<320000xi32, #tpu.memory_space<hbm>>, %arg4: memref<320000xi32, #tpu.memory_space<hbm>>, %arg5: memref<128x128xf32, #tpu.memory_space<hbm>>, %arg6: memref<20480x128xf32, #tpu.memory_space<hbm>>, %arg7: memref<10000xi32, #tpu.memory_space<vmem>>, %arg8: memref<10000xi32, #tpu.memory_space<vmem>>, %arg9: memref<80x128xf32, #tpu.memory_space<vmem>>, %arg10: memref<80x128xf32, #tpu.memory_space<vmem>>, %arg11: memref<10240x128xf32, #tpu.memory_space<vmem_shared>>, %arg12: memref<!tpu.dma_semaphore, #tpu.memory_space<semaphore_mem>>, %arg13: memref<!tpu.dma_semaphore, #tpu.memory_space<semaphore_mem>>, %arg14: memref<!tpu.dma_semaphore, #tpu.memory_space<semaphore_mem>>, %arg15: memref<!tpu.dma_semaphore, #tpu.memory_space<semaphore_mem>>, %arg16: memref<!tpu.dma_semaphore, #tpu.memory_space<semaphore_mem>>, %arg17: memref<!tpu.dma_semaphore, #tpu.memory_space<semaphore_mem>>) attributes {dimension_semantics = [#tpu.dimension_semantics<core_parallel>, #tpu.dimension_semantics<subcore_parallel>], iteration_bounds = array<i64: 2, 16>, scalar_prefetch = 0 : i64, scratch_operands = 11 : i64, tpu.core_type = #tpu.core_type<sc_vector_subcore>, window_params = [{transform_indices = #map}, {transform_indices = #map1}, {transform_indices = #map1}, {transform_indices = #map}, {transform_indices = #map}]} {
    %mul3A = arith.constant 16 : i32
    %mul3A_0 = arith.muli %arg0, %mul3A : i32
    %add3A = arith.addi %mul3A_0, %arg1 : i32
    %mul3A_1 = arith.constant 10000 : i32
    %mul3A_2 = arith.muli %add3A, %mul3A_1 : i32
    %dma_start3A = tpu.memref_slice %arg3[%mul3A_2] : memref<320000xi32, #tpu.memory_space<hbm>> -> memref<10000xi32, #tpu.memory_space<hbm>>
    %dma_start3A_3 = tpu.memref_slice %arg3[%mul3A_2] : memref<320000xi32, #tpu.memory_space<hbm>> -> memref<10000xi32, #tpu.memory_space<hbm>>
    tpu.enqueue_dma source(%dma_start3A_3 : memref<10000xi32, #tpu.memory_space<hbm>>) target(%arg7 : memref<10000xi32, #tpu.memory_space<vmem>>) target_semaphore(%arg16 : memref<!tpu.dma_semaphore, #tpu.memory_space<semaphore_mem>>)
    %dma_start3A_4 = tpu.memref_slice %arg4[%mul3A_2] : memref<320000xi32, #tpu.memory_space<hbm>> -> memref<10000xi32, #tpu.memory_space<hbm>>
    %dma_start3A_5 = tpu.memref_slice %arg4[%mul3A_2] : memref<320000xi32, #tpu.memory_space<hbm>> -> memref<10000xi32, #tpu.memory_space<hbm>>
    tpu.enqueue_dma source(%dma_start3A_5 : memref<10000xi32, #tpu.memory_space<hbm>>) target(%arg8 : memref<10000xi32, #tpu.memory_space<vmem>>) target_semaphore(%arg16 : memref<!tpu.dma_semaphore, #tpu.memory_space<semaphore_mem>>)
    %mul3A_6 = arith.constant 640 : i32
    %mul3A_7 = arith.muli %arg1, %mul3A_6 : i32
    %add3A_8 = arith.constant 0 : i32
    %add3A_9 = arith.addi %mul3A_7, %add3A_8 : i32
    %dma_start3A_10 = arith.constant 0 : i32
    %dma_start3A_11 = tpu.memref_slice %arg11[%add3A_9, %dma_start3A_10] : memref<10240x128xf32, #tpu.memory_space<vmem_shared>> -> memref<128x128xf32, #tpu.memory_space<vmem_shared>>
    tpu.enqueue_dma source(%arg5 : memref<128x128xf32, #tpu.memory_space<hbm>>) target(%dma_start3A_11 : memref<128x128xf32, #tpu.memory_space<vmem_shared>>) target_semaphore(%arg17 : memref<!tpu.dma_semaphore, #tpu.memory_space<semaphore_mem>>)
    %add3A_12 = arith.constant 128 : i32
    %add3A_13 = arith.addi %mul3A_7, %add3A_12 : i32
    %dma_start3A_14 = arith.constant 0 : i32
    %dma_start3A_15 = tpu.memref_slice %arg11[%add3A_13, %dma_start3A_14] : memref<10240x128xf32, #tpu.memory_space<vmem_shared>> -> memref<128x128xf32, #tpu.memory_space<vmem_shared>>
    tpu.enqueue_dma source(%arg5 : memref<128x128xf32, #tpu.memory_space<hbm>>) target(%dma_start3A_15 : memref<128x128xf32, #tpu.memory_space<vmem_shared>>) target_semaphore(%arg17 : memref<!tpu.dma_semaphore, #tpu.memory_space<semaphore_mem>>)
    %add3A_16 = arith.constant 256 : i32
    %add3A_17 = arith.addi %mul3A_7, %add3A_16 : i32
    %dma_start3A_18 = arith.constant 0 : i32
    %dma_start3A_19 = tpu.memref_slice %arg11[%add3A_17, %dma_start3A_18] : memref<10240x128xf32, #tpu.memory_space<vmem_shared>> -> memref<128x128xf32, #tpu.memory_space<vmem_shared>>
    tpu.enqueue_dma source(%arg5 : memref<128x128xf32, #tpu.memory_space<hbm>>) target(%dma_start3A_19 : memref<128x128xf32, #tpu.memory_space<vmem_shared>>) target_semaphore(%arg17 : memref<!tpu.dma_semaphore, #tpu.memory_space<semaphore_mem>>)
    %add3A_20 = arith.constant 384 : i32
    %add3A_21 = arith.addi %mul3A_7, %add3A_20 : i32
    %dma_start3A_22 = arith.constant 0 : i32
    %dma_start3A_23 = tpu.memref_slice %arg11[%add3A_21, %dma_start3A_22] : memref<10240x128xf32, #tpu.memory_space<vmem_shared>> -> memref<128x128xf32, #tpu.memory_space<vmem_shared>>
    tpu.enqueue_dma source(%arg5 : memref<128x128xf32, #tpu.memory_space<hbm>>) target(%dma_start3A_23 : memref<128x128xf32, #tpu.memory_space<vmem_shared>>) target_semaphore(%arg17 : memref<!tpu.dma_semaphore, #tpu.memory_space<semaphore_mem>>)
    %add3A_24 = arith.constant 512 : i32
    %add3A_25 = arith.addi %mul3A_7, %add3A_24 : i32
    %dma_start3A_26 = arith.constant 0 : i32
    %dma_start3A_27 = tpu.memref_slice %arg11[%add3A_25, %dma_start3A_26] : memref<10240x128xf32, #tpu.memory_space<vmem_shared>> -> memref<128x128xf32, #tpu.memory_space<vmem_shared>>
    tpu.enqueue_dma source(%arg5 : memref<128x128xf32, #tpu.memory_space<hbm>>) target(%dma_start3A_27 : memref<128x128xf32, #tpu.memory_space<vmem_shared>>) target_semaphore(%arg17 : memref<!tpu.dma_semaphore, #tpu.memory_space<semaphore_mem>>)
    %dma_wait3A = tpu.memref_slice %arg3[%mul3A_2] : memref<320000xi32, #tpu.memory_space<hbm>> -> memref<10000xi32, #tpu.memory_space<hbm>>
    %dma_wait3A_28 = tpu.memref_slice %arg3[%mul3A_2] : memref<320000xi32, #tpu.memory_space<hbm>> -> memref<10000xi32, #tpu.memory_space<hbm>>
    tpu.wait_dma2 semaphore(%arg16 : memref<!tpu.dma_semaphore, #tpu.memory_space<semaphore_mem>>) src(%dma_wait3A_28 : memref<10000xi32, #tpu.memory_space<hbm>>) dst(%arg7 : memref<10000xi32, #tpu.memory_space<vmem>>)
    %dma_wait3A_29 = tpu.memref_slice %arg4[%mul3A_2] : memref<320000xi32, #tpu.memory_space<hbm>> -> memref<10000xi32, #tpu.memory_space<hbm>>
    %dma_wait3A_30 = tpu.memref_slice %arg4[%mul3A_2] : memref<320000xi32, #tpu.memory_space<hbm>> -> memref<10000xi32, #tpu.memory_space<hbm>>
    tpu.wait_dma2 semaphore(%arg16 : memref<!tpu.dma_semaphore, #tpu.memory_space<semaphore_mem>>) src(%dma_wait3A_30 : memref<10000xi32, #tpu.memory_space<hbm>>) dst(%arg8 : memref<10000xi32, #tpu.memory_space<vmem>>)
    %multiple_of3A = arith.constant 0 : i32
    %multiple_of3A_31 = tpu.assume_multiple %multiple_of3A, 8 : i32
    %dma_start3A_32 = tpu.memref_slice %arg7[%multiple_of3A_31] : memref<10000xi32, #tpu.memory_space<vmem>> -> memref<80xi32, #tpu.memory_space<vmem>>
    %dma_start3A_33 = arith.constant 0 : i32
    %dma_start3A_34 = arith.constant 0 : i32
    %dma_start3A_35 = tpu.memref_slice %arg2[%dma_start3A_33, %dma_start3A_34] : memref<10000x128xf32, #tpu.memory_space<hbm>> -> memref<10000x128xf32, #tpu.memory_space<hbm>>
    tpu.enqueue_indirect_dma source(%dma_start3A_35 : memref<10000x128xf32, #tpu.memory_space<hbm>>) target(%arg9 : memref<80x128xf32, #tpu.memory_space<vmem>>) offsets(%dma_start3A_32 : memref<80xi32, #tpu.memory_space<vmem>>) semaphore(%arg12 : memref<!tpu.dma_semaphore, #tpu.memory_space<semaphore_mem>>)
    %add3A_36 = arith.constant 0 : i32
    %add3A_37 = arith.addi %mul3A_7, %add3A_36 : i32
    %dma_wait3A_38 = arith.constant 0 : i32
    %dma_wait3A_39 = tpu.memref_slice %arg11[%add3A_37, %dma_wait3A_38] : memref<10240x128xf32, #tpu.memory_space<vmem_shared>> -> memref<128x128xf32, #tpu.memory_space<vmem_shared>>
    tpu.wait_dma2 semaphore(%arg17 : memref<!tpu.dma_semaphore, #tpu.memory_space<semaphore_mem>>) src(%arg5 : memref<128x128xf32, #tpu.memory_space<hbm>>) dst(%dma_wait3A_39 : memref<128x128xf32, #tpu.memory_space<vmem_shared>>)
    %add3A_40 = arith.constant 128 : i32
    %add3A_41 = arith.addi %mul3A_7, %add3A_40 : i32
    %dma_wait3A_42 = arith.constant 0 : i32
    %dma_wait3A_43 = tpu.memref_slice %arg11[%add3A_41, %dma_wait3A_42] : memref<10240x128xf32, #tpu.memory_space<vmem_shared>> -> memref<128x128xf32, #tpu.memory_space<vmem_shared>>
    tpu.wait_dma2 semaphore(%arg17 : memref<!tpu.dma_semaphore, #tpu.memory_space<semaphore_mem>>) src(%arg5 : memref<128x128xf32, #tpu.memory_space<hbm>>) dst(%dma_wait3A_43 : memref<128x128xf32, #tpu.memory_space<vmem_shared>>)
    %add3A_44 = arith.constant 256 : i32
    %add3A_45 = arith.addi %mul3A_7, %add3A_44 : i32
    %dma_wait3A_46 = arith.constant 0 : i32
    %dma_wait3A_47 = tpu.memref_slice %arg11[%add3A_45, %dma_wait3A_46] : memref<10240x128xf32, #tpu.memory_space<vmem_shared>> -> memref<128x128xf32, #tpu.memory_space<vmem_shared>>
    tpu.wait_dma2 semaphore(%arg17 : memref<!tpu.dma_semaphore, #tpu.memory_space<semaphore_mem>>) src(%arg5 : memref<128x128xf32, #tpu.memory_space<hbm>>) dst(%dma_wait3A_47 : memref<128x128xf32, #tpu.memory_space<vmem_shared>>)
    %add3A_48 = arith.constant 384 : i32
    %add3A_49 = arith.addi %mul3A_7, %add3A_48 : i32
    %dma_wait3A_50 = arith.constant 0 : i32
    %dma_wait3A_51 = tpu.memref_slice %arg11[%add3A_49, %dma_wait3A_50] : memref<10240x128xf32, #tpu.memory_space<vmem_shared>> -> memref<128x128xf32, #tpu.memory_space<vmem_shared>>
    tpu.wait_dma2 semaphore(%arg17 : memref<!tpu.dma_semaphore, #tpu.memory_space<semaphore_mem>>) src(%arg5 : memref<128x128xf32, #tpu.memory_space<hbm>>) dst(%dma_wait3A_51 : memref<128x128xf32, #tpu.memory_space<vmem_shared>>)
    %add3A_52 = arith.constant 512 : i32
    %add3A_53 = arith.addi %mul3A_7, %add3A_52 : i32
    %dma_wait3A_54 = arith.constant 0 : i32
    %dma_wait3A_55 = tpu.memref_slice %arg11[%add3A_53, %dma_wait3A_54] : memref<10240x128xf32, #tpu.memory_space<vmem_shared>> -> memref<128x128xf32, #tpu.memory_space<vmem_shared>>
    tpu.wait_dma2 semaphore(%arg17 : memref<!tpu.dma_semaphore, #tpu.memory_space<semaphore_mem>>) src(%arg5 : memref<128x128xf32, #tpu.memory_space<hbm>>) dst(%dma_wait3A_55 : memref<128x128xf32, #tpu.memory_space<vmem_shared>>)
    %barrier3A = arith.constant 0 : index
    tpu.barrier barrier_id(%barrier3A)
    %scan3A = arith.constant 0 : i32
    %scan3A_56 = arith.constant 0 : i32
    %scan3A_57 = arith.constant 62 : i32
    %scan3A_58 = arith.addi %scan3A_56, %scan3A_57 : i32
    %scan3A_59 = arith.constant 1 : i32
    scf.for %scan3A_73 = %scan3A_56 to %scan3A_58 step %scan3A_59  : i32 {
      %mul3A_74 = arith.constant 2 : i32
      %mul3A_75 = arith.muli %mul3A_74, %scan3A_73 : i32
      %add3A_76 = arith.constant 1 : i32
      %add3A_77 = arith.addi %mul3A_75, %add3A_76 : i32
      %mul3A_78 = arith.constant 80 : i32
      %mul3A_79 = arith.muli %add3A_77, %mul3A_78 : i32
      %multiple_of3A_80 = tpu.assume_multiple %mul3A_79, 8 : i32
      %dma_start3A_81 = tpu.memref_slice %arg7[%multiple_of3A_80] : memref<10000xi32, #tpu.memory_space<vmem>> -> memref<80xi32, #tpu.memory_space<vmem>>
      %dma_start3A_82 = arith.constant 0 : i32
      %dma_start3A_83 = arith.constant 0 : i32
      %dma_start3A_84 = tpu.memref_slice %arg2[%dma_start3A_82, %dma_start3A_83] : memref<10000x128xf32, #tpu.memory_space<hbm>> -> memref<10000x128xf32, #tpu.memory_space<hbm>>
      tpu.enqueue_indirect_dma source(%dma_start3A_84 : memref<10000x128xf32, #tpu.memory_space<hbm>>) target(%arg10 : memref<80x128xf32, #tpu.memory_space<vmem>>) offsets(%dma_start3A_81 : memref<80xi32, #tpu.memory_space<vmem>>) semaphore(%arg13 : memref<!tpu.dma_semaphore, #tpu.memory_space<semaphore_mem>>)
      %mul3A_85 = arith.constant 80 : i32
      %mul3A_86 = arith.muli %mul3A_75, %mul3A_85 : i32
      %multiple_of3A_87 = tpu.assume_multiple %mul3A_86, 8 : i32
      %dma_wait3A_88 = tpu.memref_slice %arg7[%multiple_of3A_87] : memref<10000xi32, #tpu.memory_space<vmem>> -> memref<80xi32, #tpu.memory_space<vmem>>
      %dma_wait3A_89 = arith.constant 0 : i32
      %dma_wait3A_90 = arith.constant 0 : i32
      %dma_wait3A_91 = tpu.memref_slice %arg2[%dma_wait3A_89, %dma_wait3A_90] : memref<10000x128xf32, #tpu.memory_space<hbm>> -> memref<10000x128xf32, #tpu.memory_space<hbm>>
      tpu.wait_indirect_dma semaphore(%arg12 : memref<!tpu.dma_semaphore, #tpu.memory_space<semaphore_mem>>) src(%dma_wait3A_91 : memref<10000x128xf32, #tpu.memory_space<hbm>>) dst(%arg9 : memref<80x128xf32, #tpu.memory_space<vmem>>)
      %mul3A_92 = arith.constant 80 : i32
      %mul3A_93 = arith.muli %mul3A_75, %mul3A_92 : i32
      %multiple_of3A_94 = tpu.assume_multiple %mul3A_93, 8 : i32
      %dma_start3A_95 = tpu.memref_slice %arg8[%multiple_of3A_94] : memref<10000xi32, #tpu.memory_space<vmem>> -> memref<80xi32, #tpu.memory_space<vmem>>
      %dma_start3A_96 = arith.constant 0 : i32
      %dma_start3A_97 = arith.constant 0 : i32
      %dma_start3A_98 = tpu.memref_slice %arg11[%dma_start3A_96, %dma_start3A_97] : memref<10240x128xf32, #tpu.memory_space<vmem_shared>> -> memref<10240x128xf32, #tpu.memory_space<vmem_shared>>
      tpu.enqueue_indirect_dma source(%arg9 : memref<80x128xf32, #tpu.memory_space<vmem>>) target(%dma_start3A_98 : memref<10240x128xf32, #tpu.memory_space<vmem_shared>>) offsets(%dma_start3A_95 : memref<80xi32, #tpu.memory_space<vmem>>) semaphore(%arg14 : memref<!tpu.dma_semaphore, #tpu.memory_space<semaphore_mem>>) {add = true}
      %mul3A_99 = arith.constant 80 : i32
      %mul3A_100 = arith.muli %mul3A_75, %mul3A_99 : i32
      %multiple_of3A_101 = tpu.assume_multiple %mul3A_100, 8 : i32
      %dma_wait3A_102 = tpu.memref_slice %arg8[%multiple_of3A_101] : memref<10000xi32, #tpu.memory_space<vmem>> -> memref<80xi32, #tpu.memory_space<vmem>>
      %dma_wait3A_103 = arith.constant 0 : i32
      %dma_wait3A_104 = arith.constant 0 : i32
      %dma_wait3A_105 = tpu.memref_slice %arg11[%dma_wait3A_103, %dma_wait3A_104] : memref<10240x128xf32, #tpu.memory_space<vmem_shared>> -> memref<10240x128xf32, #tpu.memory_space<vmem_shared>>
      tpu.wait_indirect_dma semaphore(%arg14 : memref<!tpu.dma_semaphore, #tpu.memory_space<semaphore_mem>>) src(%arg9 : memref<80x128xf32, #tpu.memory_space<vmem>>) dst(%dma_wait3A_105 : memref<10240x128xf32, #tpu.memory_space<vmem_shared>>)
      %add3A_106 = arith.constant 2 : i32
      %add3A_107 = arith.addi %mul3A_75, %add3A_106 : i32
      %mul3A_108 = arith.constant 80 : i32
      %mul3A_109 = arith.muli %add3A_107, %mul3A_108 : i32
      %multiple_of3A_110 = tpu.assume_multiple %mul3A_109, 8 : i32
      %dma_start3A_111 = tpu.memref_slice %arg7[%multiple_of3A_110] : memref<10000xi32, #tpu.memory_space<vmem>> -> memref<80xi32, #tpu.memory_space<vmem>>
      %dma_start3A_112 = arith.constant 0 : i32
      %dma_start3A_113 = arith.constant 0 : i32
      %dma_start3A_114 = tpu.memref_slice %arg2[%dma_start3A_112, %dma_start3A_113] : memref<10000x128xf32, #tpu.memory_space<hbm>> -> memref<10000x128xf32, #tpu.memory_space<hbm>>
      tpu.enqueue_indirect_dma source(%dma_start3A_114 : memref<10000x128xf32, #tpu.memory_space<hbm>>) target(%arg9 : memref<80x128xf32, #tpu.memory_space<vmem>>) offsets(%dma_start3A_111 : memref<80xi32, #tpu.memory_space<vmem>>) semaphore(%arg12 : memref<!tpu.dma_semaphore, #tpu.memory_space<semaphore_mem>>)
      %add3A_115 = arith.constant 1 : i32
      %add3A_116 = arith.addi %mul3A_75, %add3A_115 : i32
      %mul3A_117 = arith.constant 80 : i32
      %mul3A_118 = arith.muli %add3A_116, %mul3A_117 : i32
      %multiple_of3A_119 = tpu.assume_multiple %mul3A_118, 8 : i32
      %dma_wait3A_120 = tpu.memref_slice %arg7[%multiple_of3A_119] : memref<10000xi32, #tpu.memory_space<vmem>> -> memref<80xi32, #tpu.memory_space<vmem>>
      %dma_wait3A_121 = arith.constant 0 : i32
      %dma_wait3A_122 = arith.constant 0 : i32
      %dma_wait3A_123 = tpu.memref_slice %arg2[%dma_wait3A_121, %dma_wait3A_122] : memref<10000x128xf32, #tpu.memory_space<hbm>> -> memref<10000x128xf32, #tpu.memory_space<hbm>>
      tpu.wait_indirect_dma semaphore(%arg13 : memref<!tpu.dma_semaphore, #tpu.memory_space<semaphore_mem>>) src(%dma_wait3A_123 : memref<10000x128xf32, #tpu.memory_space<hbm>>) dst(%arg10 : memref<80x128xf32, #tpu.memory_space<vmem>>)
      %add3A_124 = arith.constant 1 : i32
      %add3A_125 = arith.addi %mul3A_75, %add3A_124 : i32
      %mul3A_126 = arith.constant 80 : i32
      %mul3A_127 = arith.muli %add3A_125, %mul3A_126 : i32
      %multiple_of3A_128 = tpu.assume_multiple %mul3A_127, 8 : i32
      %dma_start3A_129 = tpu.memref_slice %arg8[%multiple_of3A_128] : memref<10000xi32, #tpu.memory_space<vmem>> -> memref<80xi32, #tpu.memory_space<vmem>>
      %dma_start3A_130 = arith.constant 0 : i32
      %dma_start3A_131 = arith.constant 0 : i32
      %dma_start3A_132 = tpu.memref_slice %arg11[%dma_start3A_130, %dma_start3A_131] : memref<10240x128xf32, #tpu.memory_space<vmem_shared>> -> memref<10240x128xf32, #tpu.memory_space<vmem_shared>>
      tpu.enqueue_indirect_dma source(%arg10 : memref<80x128xf32, #tpu.memory_space<vmem>>) target(%dma_start3A_132 : memref<10240x128xf32, #tpu.memory_space<vmem_shared>>) offsets(%dma_start3A_129 : memref<80xi32, #tpu.memory_space<vmem>>) semaphore(%arg15 : memref<!tpu.dma_semaphore, #tpu.memory_space<semaphore_mem>>) {add = true}
      %add3A_133 = arith.constant 1 : i32
      %add3A_134 = arith.addi %mul3A_75, %add3A_133 : i32
      %mul3A_135 = arith.constant 80 : i32
      %mul3A_136 = arith.muli %add3A_134, %mul3A_135 : i32
      %multiple_of3A_137 = tpu.assume_multiple %mul3A_136, 8 : i32
      %dma_wait3A_138 = tpu.memref_slice %arg8[%multiple_of3A_137] : memref<10000xi32, #tpu.memory_space<vmem>> -> memref<80xi32, #tpu.memory_space<vmem>>
      %dma_wait3A_139 = arith.constant 0 : i32
      %dma_wait3A_140 = arith.constant 0 : i32
      %dma_wait3A_141 = tpu.memref_slice %arg11[%dma_wait3A_139, %dma_wait3A_140] : memref<10240x128xf32, #tpu.memory_space<vmem_shared>> -> memref<10240x128xf32, #tpu.memory_space<vmem_shared>>
      tpu.wait_indirect_dma semaphore(%arg15 : memref<!tpu.dma_semaphore, #tpu.memory_space<semaphore_mem>>) src(%arg10 : memref<80x128xf32, #tpu.memory_space<vmem>>) dst(%dma_wait3A_141 : memref<10240x128xf32, #tpu.memory_space<vmem_shared>>)
    }
    %scan3A_60 = arith.constant 62 : i32
    %multiple_of3A_61 = arith.constant 9920 : i32
    %multiple_of3A_62 = tpu.assume_multiple %multiple_of3A_61, 8 : i32
    %dma_wait3A_63 = tpu.memref_slice %arg7[%multiple_of3A_62] : memref<10000xi32, #tpu.memory_space<vmem>> -> memref<80xi32, #tpu.memory_space<vmem>>
    %dma_wait3A_64 = arith.constant 0 : i32
    %dma_wait3A_65 = arith.constant 0 : i32
    %dma_wait3A_66 = tpu.memref_slice %arg2[%dma_wait3A_64, %dma_wait3A_65] : memref<10000x128xf32, #tpu.memory_space<hbm>> -> memref<10000x128xf32, #tpu.memory_space<hbm>>
    tpu.wait_indirect_dma semaphore(%arg12 : memref<!tpu.dma_semaphore, #tpu.memory_space<semaphore_mem>>) src(%dma_wait3A_66 : memref<10000x128xf32, #tpu.memory_space<hbm>>) dst(%arg9 : memref<80x128xf32, #tpu.memory_space<vmem>>)
    %multiple_of3A_67 = arith.constant 9920 : i32
    %multiple_of3A_68 = tpu.assume_multiple %multiple_of3A_67, 8 : i32
    "tpu.region"() ({
      %run_scoped3A = tpu.sem_alloc : memref<!tpu.dma_semaphore, #tpu.memory_space<semaphore_mem>>
      %dma_start3A_73 = tpu.memref_slice %arg8[%multiple_of3A_68] : memref<10000xi32, #tpu.memory_space<vmem>> -> memref<80xi32, #tpu.memory_space<vmem>>
      %dma_start3A_74 = arith.constant 0 : i32
      %dma_start3A_75 = arith.constant 0 : i32
      %dma_start3A_76 = tpu.memref_slice %arg11[%dma_start3A_74, %dma_start3A_75] : memref<10240x128xf32, #tpu.memory_space<vmem_shared>> -> memref<10240x128xf32, #tpu.memory_space<vmem_shared>>
      tpu.enqueue_indirect_dma source(%arg9 : memref<80x128xf32, #tpu.memory_space<vmem>>) target(%dma_start3A_76 : memref<10240x128xf32, #tpu.memory_space<vmem_shared>>) offsets(%dma_start3A_73 : memref<80xi32, #tpu.memory_space<vmem>>) semaphore(%run_scoped3A : memref<!tpu.dma_semaphore, #tpu.memory_space<semaphore_mem>>) {add = true}
      %dma_wait3A_77 = tpu.memref_slice %arg8[%multiple_of3A_68] : memref<10000xi32, #tpu.memory_space<vmem>> -> memref<80xi32, #tpu.memory_space<vmem>>
      %dma_wait3A_78 = arith.constant 0 : i32
      %dma_wait3A_79 = arith.constant 0 : i32
      %dma_wait3A_80 = tpu.memref_slice %arg11[%dma_wait3A_78, %dma_wait3A_79] : memref<10240x128xf32, #tpu.memory_space<vmem_shared>> -> memref<10240x128xf32, #tpu.memory_space<vmem_shared>>
      tpu.wait_indirect_dma semaphore(%run_scoped3A : memref<!tpu.dma_semaphore, #tpu.memory_space<semaphore_mem>>) src(%arg9 : memref<80x128xf32, #tpu.memory_space<vmem>>) dst(%dma_wait3A_80 : memref<10240x128xf32, #tpu.memory_space<vmem_shared>>)
      tpu.yield
    }) : () -> ()
    %barrier3A_69 = arith.constant 0 : index
    tpu.barrier barrier_id(%barrier3A_69)
    %mul3A_70 = arith.constant 10240 : i32
    %mul3A_71 = arith.muli %arg0, %mul3A_70 : i32
    %add3A_72 = arith.addi %mul3A_71, %mul3A_7 : i32
    "tpu.region"() ({
      %run_scoped3A = tpu.sem_alloc : memref<!tpu.dma_semaphore, #tpu.memory_space<semaphore_mem>>
      %dma_start3A_73 = arith.constant 0 : i32
      %dma_start3A_74 = tpu.memref_slice %arg6[%add3A_72, %dma_start3A_73] : memref<20480x128xf32, #tpu.memory_space<hbm>> -> memref<640x128xf32, #tpu.memory_space<hbm>>
      %dma_start3A_75 = arith.constant 0 : i32
      %dma_start3A_76 = tpu.memref_slice %arg11[%mul3A_7, %dma_start3A_75] : memref<10240x128xf32, #tpu.memory_space<vmem_shared>> -> memref<640x128xf32, #tpu.memory_space<vmem_shared>>
      tpu.enqueue_dma source(%dma_start3A_76 : memref<640x128xf32, #tpu.memory_space<vmem_shared>>) target(%dma_start3A_74 : memref<640x128xf32, #tpu.memory_space<hbm>>) target_semaphore(%run_scoped3A : memref<!tpu.dma_semaphore, #tpu.memory_space<semaphore_mem>>)
      %dma_wait3A_77 = arith.constant 0 : i32
      %dma_wait3A_78 = tpu.memref_slice %arg6[%add3A_72, %dma_wait3A_77] : memref<20480x128xf32, #tpu.memory_space<hbm>> -> memref<640x128xf32, #tpu.memory_space<hbm>>
      %dma_wait3A_79 = arith.constant 0 : i32
      %dma_wait3A_80 = tpu.memref_slice %arg11[%mul3A_7, %dma_wait3A_79] : memref<10240x128xf32, #tpu.memory_space<vmem_shared>> -> memref<640x128xf32, #tpu.memory_space<vmem_shared>>
      tpu.wait_dma2 semaphore(%run_scoped3A : memref<!tpu.dma_semaphore, #tpu.memory_space<semaphore_mem>>) src(%dma_wait3A_80 : memref<640x128xf32, #tpu.memory_space<vmem_shared>>) dst(%dma_wait3A_78 : memref<640x128xf32, #tpu.memory_space<hbm>>)
      tpu.yield
    }) : () -> ()
    return
  }
}

#map = affine_map<(d0, d1) -> (0, 0)>
#map1 = affine_map<(d0, d1) -> (0)>
module attributes {stable_mosaic.version = 14 : i64} {
  func.func @agg(%arg0: i32, %arg1: i32, %arg2: memref<10000x128xf32, #tpu.memory_space<hbm>>, %arg3: memref<320000xi32, #tpu.memory_space<hbm>>, %arg4: memref<320000xi32, #tpu.memory_space<hbm>>, %arg5: memref<128x128xf32, #tpu.memory_space<hbm>>, %arg6: memref<20480x128xf32, #tpu.memory_space<hbm>>, %arg7: memref<10000xi32, #tpu.memory_space<vmem>>, %arg8: memref<10000xi32, #tpu.memory_space<vmem>>, %arg9: memref<80x128xf32, #tpu.memory_space<vmem>>, %arg10: memref<80x128xf32, #tpu.memory_space<vmem>>, %arg11: memref<10240x128xf32, #tpu.memory_space<vmem_shared>>, %arg12: memref<!tpu.dma_semaphore, #tpu.memory_space<semaphore_mem>>, %arg13: memref<!tpu.dma_semaphore, #tpu.memory_space<semaphore_mem>>, %arg14: memref<!tpu.dma_semaphore, #tpu.memory_space<semaphore_mem>>, %arg15: memref<!tpu.dma_semaphore, #tpu.memory_space<semaphore_mem>>, %arg16: memref<!tpu.dma_semaphore, #tpu.memory_space<semaphore_mem>>, %arg17: memref<!tpu.dma_semaphore, #tpu.memory_space<semaphore_mem>>) attributes {dimension_semantics = [#tpu.dimension_semantics<core_parallel>, #tpu.dimension_semantics<subcore_parallel>], iteration_bounds = array<i64: 2, 16>, scalar_prefetch = 0 : i64, scratch_operands = 11 : i64, tpu.core_type = #tpu.core_type<sc_vector_subcore>, window_params = [{transform_indices = #map}, {transform_indices = #map1}, {transform_indices = #map1}, {transform_indices = #map}, {transform_indices = #map}]} {
    %mul3A = arith.constant 16 : i32
    %mul3A_0 = arith.muli %arg0, %mul3A : i32
    %add3A = arith.addi %mul3A_0, %arg1 : i32
    %mul3A_1 = arith.constant 10000 : i32
    %mul3A_2 = arith.muli %add3A, %mul3A_1 : i32
    %dma_start3A = tpu.memref_slice %arg3[%mul3A_2] : memref<320000xi32, #tpu.memory_space<hbm>> -> memref<10000xi32, #tpu.memory_space<hbm>>
    %dma_start3A_3 = tpu.memref_slice %arg3[%mul3A_2] : memref<320000xi32, #tpu.memory_space<hbm>> -> memref<10000xi32, #tpu.memory_space<hbm>>
    tpu.enqueue_dma source(%dma_start3A_3 : memref<10000xi32, #tpu.memory_space<hbm>>) target(%arg7 : memref<10000xi32, #tpu.memory_space<vmem>>) target_semaphore(%arg16 : memref<!tpu.dma_semaphore, #tpu.memory_space<semaphore_mem>>)
    %dma_start3A_4 = tpu.memref_slice %arg4[%mul3A_2] : memref<320000xi32, #tpu.memory_space<hbm>> -> memref<10000xi32, #tpu.memory_space<hbm>>
    %dma_start3A_5 = tpu.memref_slice %arg4[%mul3A_2] : memref<320000xi32, #tpu.memory_space<hbm>> -> memref<10000xi32, #tpu.memory_space<hbm>>
    tpu.enqueue_dma source(%dma_start3A_5 : memref<10000xi32, #tpu.memory_space<hbm>>) target(%arg8 : memref<10000xi32, #tpu.memory_space<vmem>>) target_semaphore(%arg16 : memref<!tpu.dma_semaphore, #tpu.memory_space<semaphore_mem>>)
    %mul3A_6 = arith.constant 640 : i32
    %mul3A_7 = arith.muli %arg1, %mul3A_6 : i32
    %add3A_8 = arith.constant 0 : i32
    %add3A_9 = arith.addi %mul3A_7, %add3A_8 : i32
    %dma_start3A_10 = arith.constant 0 : i32
    %dma_start3A_11 = tpu.memref_slice %arg11[%add3A_9, %dma_start3A_10] : memref<10240x128xf32, #tpu.memory_space<vmem_shared>> -> memref<128x128xf32, #tpu.memory_space<vmem_shared>>
    tpu.enqueue_dma source(%arg5 : memref<128x128xf32, #tpu.memory_space<hbm>>) target(%dma_start3A_11 : memref<128x128xf32, #tpu.memory_space<vmem_shared>>) target_semaphore(%arg17 : memref<!tpu.dma_semaphore, #tpu.memory_space<semaphore_mem>>)
    %add3A_12 = arith.constant 128 : i32
    %add3A_13 = arith.addi %mul3A_7, %add3A_12 : i32
    %dma_start3A_14 = arith.constant 0 : i32
    %dma_start3A_15 = tpu.memref_slice %arg11[%add3A_13, %dma_start3A_14] : memref<10240x128xf32, #tpu.memory_space<vmem_shared>> -> memref<128x128xf32, #tpu.memory_space<vmem_shared>>
    tpu.enqueue_dma source(%arg5 : memref<128x128xf32, #tpu.memory_space<hbm>>) target(%dma_start3A_15 : memref<128x128xf32, #tpu.memory_space<vmem_shared>>) target_semaphore(%arg17 : memref<!tpu.dma_semaphore, #tpu.memory_space<semaphore_mem>>)
    %add3A_16 = arith.constant 256 : i32
    %add3A_17 = arith.addi %mul3A_7, %add3A_16 : i32
    %dma_start3A_18 = arith.constant 0 : i32
    %dma_start3A_19 = tpu.memref_slice %arg11[%add3A_17, %dma_start3A_18] : memref<10240x128xf32, #tpu.memory_space<vmem_shared>> -> memref<128x128xf32, #tpu.memory_space<vmem_shared>>
    tpu.enqueue_dma source(%arg5 : memref<128x128xf32, #tpu.memory_space<hbm>>) target(%dma_start3A_19 : memref<128x128xf32, #tpu.memory_space<vmem_shared>>) target_semaphore(%arg17 : memref<!tpu.dma_semaphore, #tpu.memory_space<semaphore_mem>>)
    %add3A_20 = arith.constant 384 : i32
    %add3A_21 = arith.addi %mul3A_7, %add3A_20 : i32
    %dma_start3A_22 = arith.constant 0 : i32
    %dma_start3A_23 = tpu.memref_slice %arg11[%add3A_21, %dma_start3A_22] : memref<10240x128xf32, #tpu.memory_space<vmem_shared>> -> memref<128x128xf32, #tpu.memory_space<vmem_shared>>
    tpu.enqueue_dma source(%arg5 : memref<128x128xf32, #tpu.memory_space<hbm>>) target(%dma_start3A_23 : memref<128x128xf32, #tpu.memory_space<vmem_shared>>) target_semaphore(%arg17 : memref<!tpu.dma_semaphore, #tpu.memory_space<semaphore_mem>>)
    %add3A_24 = arith.constant 512 : i32
    %add3A_25 = arith.addi %mul3A_7, %add3A_24 : i32
    %dma_start3A_26 = arith.constant 0 : i32
    %dma_start3A_27 = tpu.memref_slice %arg11[%add3A_25, %dma_start3A_26] : memref<10240x128xf32, #tpu.memory_space<vmem_shared>> -> memref<128x128xf32, #tpu.memory_space<vmem_shared>>
    tpu.enqueue_dma source(%arg5 : memref<128x128xf32, #tpu.memory_space<hbm>>) target(%dma_start3A_27 : memref<128x128xf32, #tpu.memory_space<vmem_shared>>) target_semaphore(%arg17 : memref<!tpu.dma_semaphore, #tpu.memory_space<semaphore_mem>>)
    %dma_wait3A = tpu.memref_slice %arg3[%mul3A_2] : memref<320000xi32, #tpu.memory_space<hbm>> -> memref<10000xi32, #tpu.memory_space<hbm>>
    %dma_wait3A_28 = tpu.memref_slice %arg3[%mul3A_2] : memref<320000xi32, #tpu.memory_space<hbm>> -> memref<10000xi32, #tpu.memory_space<hbm>>
    tpu.wait_dma2 semaphore(%arg16 : memref<!tpu.dma_semaphore, #tpu.memory_space<semaphore_mem>>) src(%dma_wait3A_28 : memref<10000xi32, #tpu.memory_space<hbm>>) dst(%arg7 : memref<10000xi32, #tpu.memory_space<vmem>>)
    %dma_wait3A_29 = tpu.memref_slice %arg4[%mul3A_2] : memref<320000xi32, #tpu.memory_space<hbm>> -> memref<10000xi32, #tpu.memory_space<hbm>>
    %dma_wait3A_30 = tpu.memref_slice %arg4[%mul3A_2] : memref<320000xi32, #tpu.memory_space<hbm>> -> memref<10000xi32, #tpu.memory_space<hbm>>
    tpu.wait_dma2 semaphore(%arg16 : memref<!tpu.dma_semaphore, #tpu.memory_space<semaphore_mem>>) src(%dma_wait3A_30 : memref<10000xi32, #tpu.memory_space<hbm>>) dst(%arg8 : memref<10000xi32, #tpu.memory_space<vmem>>)
    %multiple_of3A = arith.constant 0 : i32
    %multiple_of3A_31 = tpu.assume_multiple %multiple_of3A, 8 : i32
    %dma_start3A_32 = tpu.memref_slice %arg7[%multiple_of3A_31] : memref<10000xi32, #tpu.memory_space<vmem>> -> memref<80xi32, #tpu.memory_space<vmem>>
    %dma_start3A_33 = arith.constant 0 : i32
    %dma_start3A_34 = arith.constant 0 : i32
    %dma_start3A_35 = tpu.memref_slice %arg2[%dma_start3A_33, %dma_start3A_34] : memref<10000x128xf32, #tpu.memory_space<hbm>> -> memref<10000x128xf32, #tpu.memory_space<hbm>>
    tpu.enqueue_indirect_dma source(%dma_start3A_35 : memref<10000x128xf32, #tpu.memory_space<hbm>>) target(%arg9 : memref<80x128xf32, #tpu.memory_space<vmem>>) offsets(%dma_start3A_32 : memref<80xi32, #tpu.memory_space<vmem>>) semaphore(%arg12 : memref<!tpu.dma_semaphore, #tpu.memory_space<semaphore_mem>>)
    %add3A_36 = arith.constant 0 : i32
    %add3A_37 = arith.addi %mul3A_7, %add3A_36 : i32
    %dma_wait3A_38 = arith.constant 0 : i32
    %dma_wait3A_39 = tpu.memref_slice %arg11[%add3A_37, %dma_wait3A_38] : memref<10240x128xf32, #tpu.memory_space<vmem_shared>> -> memref<128x128xf32, #tpu.memory_space<vmem_shared>>
    tpu.wait_dma2 semaphore(%arg17 : memref<!tpu.dma_semaphore, #tpu.memory_space<semaphore_mem>>) src(%arg5 : memref<128x128xf32, #tpu.memory_space<hbm>>) dst(%dma_wait3A_39 : memref<128x128xf32, #tpu.memory_space<vmem_shared>>)
    %add3A_40 = arith.constant 128 : i32
    %add3A_41 = arith.addi %mul3A_7, %add3A_40 : i32
    %dma_wait3A_42 = arith.constant 0 : i32
    %dma_wait3A_43 = tpu.memref_slice %arg11[%add3A_41, %dma_wait3A_42] : memref<10240x128xf32, #tpu.memory_space<vmem_shared>> -> memref<128x128xf32, #tpu.memory_space<vmem_shared>>
    tpu.wait_dma2 semaphore(%arg17 : memref<!tpu.dma_semaphore, #tpu.memory_space<semaphore_mem>>) src(%arg5 : memref<128x128xf32, #tpu.memory_space<hbm>>) dst(%dma_wait3A_43 : memref<128x128xf32, #tpu.memory_space<vmem_shared>>)
    %add3A_44 = arith.constant 256 : i32
    %add3A_45 = arith.addi %mul3A_7, %add3A_44 : i32
    %dma_wait3A_46 = arith.constant 0 : i32
    %dma_wait3A_47 = tpu.memref_slice %arg11[%add3A_45, %dma_wait3A_46] : memref<10240x128xf32, #tpu.memory_space<vmem_shared>> -> memref<128x128xf32, #tpu.memory_space<vmem_shared>>
    tpu.wait_dma2 semaphore(%arg17 : memref<!tpu.dma_semaphore, #tpu.memory_space<semaphore_mem>>) src(%arg5 : memref<128x128xf32, #tpu.memory_space<hbm>>) dst(%dma_wait3A_47 : memref<128x128xf32, #tpu.memory_space<vmem_shared>>)
    %add3A_48 = arith.constant 384 : i32
    %add3A_49 = arith.addi %mul3A_7, %add3A_48 : i32
    %dma_wait3A_50 = arith.constant 0 : i32
    %dma_wait3A_51 = tpu.memref_slice %arg11[%add3A_49, %dma_wait3A_50] : memref<10240x128xf32, #tpu.memory_space<vmem_shared>> -> memref<128x128xf32, #tpu.memory_space<vmem_shared>>
    tpu.wait_dma2 semaphore(%arg17 : memref<!tpu.dma_semaphore, #tpu.memory_space<semaphore_mem>>) src(%arg5 : memref<128x128xf32, #tpu.memory_space<hbm>>) dst(%dma_wait3A_51 : memref<128x128xf32, #tpu.memory_space<vmem_shared>>)
    %add3A_52 = arith.constant 512 : i32
    %add3A_53 = arith.addi %mul3A_7, %add3A_52 : i32
    %dma_wait3A_54 = arith.constant 0 : i32
    %dma_wait3A_55 = tpu.memref_slice %arg11[%add3A_53, %dma_wait3A_54] : memref<10240x128xf32, #tpu.memory_space<vmem_shared>> -> memref<128x128xf32, #tpu.memory_space<vmem_shared>>
    tpu.wait_dma2 semaphore(%arg17 : memref<!tpu.dma_semaphore, #tpu.memory_space<semaphore_mem>>) src(%arg5 : memref<128x128xf32, #tpu.memory_space<hbm>>) dst(%dma_wait3A_55 : memref<128x128xf32, #tpu.memory_space<vmem_shared>>)
    %barrier3A = arith.constant 0 : index
    tpu.barrier barrier_id(%barrier3A)
    %scan3A = arith.constant 0 : i32
    %scan3A_56 = arith.constant 0 : i32
    %scan3A_57 = arith.constant 62 : i32
    %scan3A_58 = arith.addi %scan3A_56, %scan3A_57 : i32
    %scan3A_59 = arith.constant 1 : i32
    scf.for %scan3A_73 = %scan3A_56 to %scan3A_58 step %scan3A_59  : i32 {
      %mul3A_74 = arith.constant 2 : i32
      %mul3A_75 = arith.muli %mul3A_74, %scan3A_73 : i32
      %add3A_76 = arith.constant 1 : i32
      %add3A_77 = arith.addi %mul3A_75, %add3A_76 : i32
      %mul3A_78 = arith.constant 80 : i32
      %mul3A_79 = arith.muli %add3A_77, %mul3A_78 : i32
      %multiple_of3A_80 = tpu.assume_multiple %mul3A_79, 8 : i32
      %dma_start3A_81 = tpu.memref_slice %arg7[%multiple_of3A_80] : memref<10000xi32, #tpu.memory_space<vmem>> -> memref<80xi32, #tpu.memory_space<vmem>>
      %dma_start3A_82 = arith.constant 0 : i32
      %dma_start3A_83 = arith.constant 0 : i32
      %dma_start3A_84 = tpu.memref_slice %arg2[%dma_start3A_82, %dma_start3A_83] : memref<10000x128xf32, #tpu.memory_space<hbm>> -> memref<10000x128xf32, #tpu.memory_space<hbm>>
      tpu.enqueue_indirect_dma source(%dma_start3A_84 : memref<10000x128xf32, #tpu.memory_space<hbm>>) target(%arg10 : memref<80x128xf32, #tpu.memory_space<vmem>>) offsets(%dma_start3A_81 : memref<80xi32, #tpu.memory_space<vmem>>) semaphore(%arg13 : memref<!tpu.dma_semaphore, #tpu.memory_space<semaphore_mem>>)
      %mul3A_85 = arith.constant 80 : i32
      %mul3A_86 = arith.muli %mul3A_75, %mul3A_85 : i32
      %multiple_of3A_87 = tpu.assume_multiple %mul3A_86, 8 : i32
      %dma_wait3A_88 = tpu.memref_slice %arg7[%multiple_of3A_87] : memref<10000xi32, #tpu.memory_space<vmem>> -> memref<80xi32, #tpu.memory_space<vmem>>
      %dma_wait3A_89 = arith.constant 0 : i32
      %dma_wait3A_90 = arith.constant 0 : i32
      %dma_wait3A_91 = tpu.memref_slice %arg2[%dma_wait3A_89, %dma_wait3A_90] : memref<10000x128xf32, #tpu.memory_space<hbm>> -> memref<10000x128xf32, #tpu.memory_space<hbm>>
      tpu.wait_indirect_dma semaphore(%arg12 : memref<!tpu.dma_semaphore, #tpu.memory_space<semaphore_mem>>) src(%dma_wait3A_91 : memref<10000x128xf32, #tpu.memory_space<hbm>>) dst(%arg9 : memref<80x128xf32, #tpu.memory_space<vmem>>)
      %mul3A_92 = arith.constant 80 : i32
      %mul3A_93 = arith.muli %mul3A_75, %mul3A_92 : i32
      %multiple_of3A_94 = tpu.assume_multiple %mul3A_93, 8 : i32
      %dma_start3A_95 = tpu.memref_slice %arg8[%multiple_of3A_94] : memref<10000xi32, #tpu.memory_space<vmem>> -> memref<80xi32, #tpu.memory_space<vmem>>
      %dma_start3A_96 = arith.constant 0 : i32
      %dma_start3A_97 = arith.constant 0 : i32
      %dma_start3A_98 = tpu.memref_slice %arg11[%dma_start3A_96, %dma_start3A_97] : memref<10240x128xf32, #tpu.memory_space<vmem_shared>> -> memref<10240x128xf32, #tpu.memory_space<vmem_shared>>
      tpu.enqueue_indirect_dma source(%arg9 : memref<80x128xf32, #tpu.memory_space<vmem>>) target(%dma_start3A_98 : memref<10240x128xf32, #tpu.memory_space<vmem_shared>>) offsets(%dma_start3A_95 : memref<80xi32, #tpu.memory_space<vmem>>) semaphore(%arg14 : memref<!tpu.dma_semaphore, #tpu.memory_space<semaphore_mem>>) {add = true}
      %mul3A_99 = arith.constant 80 : i32
      %mul3A_100 = arith.muli %mul3A_75, %mul3A_99 : i32
      %multiple_of3A_101 = tpu.assume_multiple %mul3A_100, 8 : i32
      %dma_wait3A_102 = tpu.memref_slice %arg8[%multiple_of3A_101] : memref<10000xi32, #tpu.memory_space<vmem>> -> memref<80xi32, #tpu.memory_space<vmem>>
      %dma_wait3A_103 = arith.constant 0 : i32
      %dma_wait3A_104 = arith.constant 0 : i32
      %dma_wait3A_105 = tpu.memref_slice %arg11[%dma_wait3A_103, %dma_wait3A_104] : memref<10240x128xf32, #tpu.memory_space<vmem_shared>> -> memref<10240x128xf32, #tpu.memory_space<vmem_shared>>
      tpu.wait_indirect_dma semaphore(%arg14 : memref<!tpu.dma_semaphore, #tpu.memory_space<semaphore_mem>>) src(%arg9 : memref<80x128xf32, #tpu.memory_space<vmem>>) dst(%dma_wait3A_105 : memref<10240x128xf32, #tpu.memory_space<vmem_shared>>)
      %add3A_106 = arith.constant 2 : i32
      %add3A_107 = arith.addi %mul3A_75, %add3A_106 : i32
      %mul3A_108 = arith.constant 80 : i32
      %mul3A_109 = arith.muli %add3A_107, %mul3A_108 : i32
      %multiple_of3A_110 = tpu.assume_multiple %mul3A_109, 8 : i32
      %dma_start3A_111 = tpu.memref_slice %arg7[%multiple_of3A_110] : memref<10000xi32, #tpu.memory_space<vmem>> -> memref<80xi32, #tpu.memory_space<vmem>>
      %dma_start3A_112 = arith.constant 0 : i32
      %dma_start3A_113 = arith.constant 0 : i32
      %dma_start3A_114 = tpu.memref_slice %arg2[%dma_start3A_112, %dma_start3A_113] : memref<10000x128xf32, #tpu.memory_space<hbm>> -> memref<10000x128xf32, #tpu.memory_space<hbm>>
      tpu.enqueue_indirect_dma source(%dma_start3A_114 : memref<10000x128xf32, #tpu.memory_space<hbm>>) target(%arg9 : memref<80x128xf32, #tpu.memory_space<vmem>>) offsets(%dma_start3A_111 : memref<80xi32, #tpu.memory_space<vmem>>) semaphore(%arg12 : memref<!tpu.dma_semaphore, #tpu.memory_space<semaphore_mem>>)
      %add3A_115 = arith.constant 1 : i32
      %add3A_116 = arith.addi %mul3A_75, %add3A_115 : i32
      %mul3A_117 = arith.constant 80 : i32
      %mul3A_118 = arith.muli %add3A_116, %mul3A_117 : i32
      %multiple_of3A_119 = tpu.assume_multiple %mul3A_118, 8 : i32
      %dma_wait3A_120 = tpu.memref_slice %arg7[%multiple_of3A_119] : memref<10000xi32, #tpu.memory_space<vmem>> -> memref<80xi32, #tpu.memory_space<vmem>>
      %dma_wait3A_121 = arith.constant 0 : i32
      %dma_wait3A_122 = arith.constant 0 : i32
      %dma_wait3A_123 = tpu.memref_slice %arg2[%dma_wait3A_121, %dma_wait3A_122] : memref<10000x128xf32, #tpu.memory_space<hbm>> -> memref<10000x128xf32, #tpu.memory_space<hbm>>
      tpu.wait_indirect_dma semaphore(%arg13 : memref<!tpu.dma_semaphore, #tpu.memory_space<semaphore_mem>>) src(%dma_wait3A_123 : memref<10000x128xf32, #tpu.memory_space<hbm>>) dst(%arg10 : memref<80x128xf32, #tpu.memory_space<vmem>>)
      %add3A_124 = arith.constant 1 : i32
      %add3A_125 = arith.addi %mul3A_75, %add3A_124 : i32
      %mul3A_126 = arith.constant 80 : i32
      %mul3A_127 = arith.muli %add3A_125, %mul3A_126 : i32
      %multiple_of3A_128 = tpu.assume_multiple %mul3A_127, 8 : i32
      %dma_start3A_129 = tpu.memref_slice %arg8[%multiple_of3A_128] : memref<10000xi32, #tpu.memory_space<vmem>> -> memref<80xi32, #tpu.memory_space<vmem>>
      %dma_start3A_130 = arith.constant 0 : i32
      %dma_start3A_131 = arith.constant 0 : i32
      %dma_start3A_132 = tpu.memref_slice %arg11[%dma_start3A_130, %dma_start3A_131] : memref<10240x128xf32, #tpu.memory_space<vmem_shared>> -> memref<10240x128xf32, #tpu.memory_space<vmem_shared>>
      tpu.enqueue_indirect_dma source(%arg10 : memref<80x128xf32, #tpu.memory_space<vmem>>) target(%dma_start3A_132 : memref<10240x128xf32, #tpu.memory_space<vmem_shared>>) offsets(%dma_start3A_129 : memref<80xi32, #tpu.memory_space<vmem>>) semaphore(%arg15 : memref<!tpu.dma_semaphore, #tpu.memory_space<semaphore_mem>>) {add = true}
      %add3A_133 = arith.constant 1 : i32
      %add3A_134 = arith.addi %mul3A_75, %add3A_133 : i32
      %mul3A_135 = arith.constant 80 : i32
      %mul3A_136 = arith.muli %add3A_134, %mul3A_135 : i32
      %multiple_of3A_137 = tpu.assume_multiple %mul3A_136, 8 : i32
      %dma_wait3A_138 = tpu.memref_slice %arg8[%multiple_of3A_137] : memref<10000xi32, #tpu.memory_space<vmem>> -> memref<80xi32, #tpu.memory_space<vmem>>
      %dma_wait3A_139 = arith.constant 0 : i32
      %dma_wait3A_140 = arith.constant 0 : i32
      %dma_wait3A_141 = tpu.memref_slice %arg11[%dma_wait3A_139, %dma_wait3A_140] : memref<10240x128xf32, #tpu.memory_space<vmem_shared>> -> memref<10240x128xf32, #tpu.memory_space<vmem_shared>>
      tpu.wait_indirect_dma semaphore(%arg15 : memref<!tpu.dma_semaphore, #tpu.memory_space<semaphore_mem>>) src(%arg10 : memref<80x128xf32, #tpu.memory_space<vmem>>) dst(%dma_wait3A_141 : memref<10240x128xf32, #tpu.memory_space<vmem_shared>>)
    }
    %scan3A_60 = arith.constant 62 : i32
    %multiple_of3A_61 = arith.constant 9920 : i32
    %multiple_of3A_62 = tpu.assume_multiple %multiple_of3A_61, 8 : i32
    %dma_wait3A_63 = tpu.memref_slice %arg7[%multiple_of3A_62] : memref<10000xi32, #tpu.memory_space<vmem>> -> memref<80xi32, #tpu.memory_space<vmem>>
    %dma_wait3A_64 = arith.constant 0 : i32
    %dma_wait3A_65 = arith.constant 0 : i32
    %dma_wait3A_66 = tpu.memref_slice %arg2[%dma_wait3A_64, %dma_wait3A_65] : memref<10000x128xf32, #tpu.memory_space<hbm>> -> memref<10000x128xf32, #tpu.memory_space<hbm>>
    tpu.wait_indirect_dma semaphore(%arg12 : memref<!tpu.dma_semaphore, #tpu.memory_space<semaphore_mem>>) src(%dma_wait3A_66 : memref<10000x128xf32, #tpu.memory_space<hbm>>) dst(%arg9 : memref<80x128xf32, #tpu.memory_space<vmem>>)
    %multiple_of3A_67 = arith.constant 9920 : i32
    %multiple_of3A_68 = tpu.assume_multiple %multiple_of3A_67, 8 : i32
    "tpu.region"() ({
      %run_scoped3A = tpu.sem_alloc : memref<!tpu.dma_semaphore, #tpu.memory_space<semaphore_mem>>
      %dma_start3A_73 = tpu.memref_slice %arg8[%multiple_of3A_68] : memref<10000xi32, #tpu.memory_space<vmem>> -> memref<80xi32, #tpu.memory_space<vmem>>
      %dma_start3A_74 = arith.constant 0 : i32
      %dma_start3A_75 = arith.constant 0 : i32
      %dma_start3A_76 = tpu.memref_slice %arg11[%dma_start3A_74, %dma_start3A_75] : memref<10240x128xf32, #tpu.memory_space<vmem_shared>> -> memref<10240x128xf32, #tpu.memory_space<vmem_shared>>
      tpu.enqueue_indirect_dma source(%arg9 : memref<80x128xf32, #tpu.memory_space<vmem>>) target(%dma_start3A_76 : memref<10240x128xf32, #tpu.memory_space<vmem_shared>>) offsets(%dma_start3A_73 : memref<80xi32, #tpu.memory_space<vmem>>) semaphore(%run_scoped3A : memref<!tpu.dma_semaphore, #tpu.memory_space<semaphore_mem>>) {add = true}
      %dma_wait3A_77 = tpu.memref_slice %arg8[%multiple_of3A_68] : memref<10000xi32, #tpu.memory_space<vmem>> -> memref<80xi32, #tpu.memory_space<vmem>>
      %dma_wait3A_78 = arith.constant 0 : i32
      %dma_wait3A_79 = arith.constant 0 : i32
      %dma_wait3A_80 = tpu.memref_slice %arg11[%dma_wait3A_78, %dma_wait3A_79] : memref<10240x128xf32, #tpu.memory_space<vmem_shared>> -> memref<10240x128xf32, #tpu.memory_space<vmem_shared>>
      tpu.wait_indirect_dma semaphore(%run_scoped3A : memref<!tpu.dma_semaphore, #tpu.memory_space<semaphore_mem>>) src(%arg9 : memref<80x128xf32, #tpu.memory_space<vmem>>) dst(%dma_wait3A_80 : memref<10240x128xf32, #tpu.memory_space<vmem_shared>>)
      tpu.yield
    }) : () -> ()
    %barrier3A_69 = arith.constant 0 : index
    tpu.barrier barrier_id(%barrier3A_69)
    %mul3A_70 = arith.constant 10240 : i32
    %mul3A_71 = arith.muli %arg0, %mul3A_70 : i32
    %add3A_72 = arith.addi %mul3A_71, %mul3A_7 : i32
    "tpu.region"() ({
      %run_scoped3A = tpu.sem_alloc : memref<!tpu.dma_semaphore, #tpu.memory_space<semaphore_mem>>
      %dma_start3A_73 = arith.constant 0 : i32
      %dma_start3A_74 = tpu.memref_slice %arg6[%add3A_72, %dma_start3A_73] : memref<20480x128xf32, #tpu.memory_space<hbm>> -> memref<640x128xf32, #tpu.memory_space<hbm>>
      %dma_start3A_75 = arith.constant 0 : i32
      %dma_start3A_76 = tpu.memref_slice %arg11[%mul3A_7, %dma_start3A_75] : memref<10240x128xf32, #tpu.memory_space<vmem_shared>> -> memref<640x128xf32, #tpu.memory_space<vmem_shared>>
      tpu.enqueue_dma source(%dma_start3A_76 : memref<640x128xf32, #tpu.memory_space<vmem_shared>>) target(%dma_start3A_74 : memref<640x128xf32, #tpu.memory_space<hbm>>) target_semaphore(%run_scoped3A : memref<!tpu.dma_semaphore, #tpu.memory_space<semaphore_mem>>)
      %dma_wait3A_77 = arith.constant 0 : i32
      %dma_wait3A_78 = tpu.memref_slice %arg6[%add3A_72, %dma_wait3A_77] : memref<20480x128xf32, #tpu.memory_space<hbm>> -> memref<640x128xf32, #tpu.memory_space<hbm>>
      %dma_wait3A_79 = arith.constant 0 : i32
      %dma_wait3A_80 = tpu.memref_slice %arg11[%mul3A_7, %dma_wait3A_79] : memref<10240x128xf32, #tpu.memory_space<vmem_shared>> -> memref<640x128xf32, #tpu.memory_space<vmem_shared>>
      tpu.wait_dma2 semaphore(%run_scoped3A : memref<!tpu.dma_semaphore, #tpu.memory_space<semaphore_mem>>) src(%dma_wait3A_80 : memref<640x128xf32, #tpu.memory_space<vmem_shared>>) dst(%dma_wait3A_78 : memref<640x128xf32, #tpu.memory_space<hbm>>)
      tpu.yield
    }) : () -> ()
    return
  }
}

#map = affine_map<(d0, d1) -> (0, 0)>
#map1 = affine_map<(d0, d1) -> (0)>
module attributes {stable_mosaic.version = 14 : i64} {
  func.func @agg(%arg0: i32, %arg1: i32, %arg2: memref<10000x128xf32, #tpu.memory_space<hbm>>, %arg3: memref<320000xi32, #tpu.memory_space<hbm>>, %arg4: memref<320000xi32, #tpu.memory_space<hbm>>, %arg5: memref<128x128xf32, #tpu.memory_space<hbm>>, %arg6: memref<20480x128xf32, #tpu.memory_space<hbm>>, %arg7: memref<10000xi32, #tpu.memory_space<vmem>>, %arg8: memref<10000xi32, #tpu.memory_space<vmem>>, %arg9: memref<80x128xf32, #tpu.memory_space<vmem>>, %arg10: memref<80x128xf32, #tpu.memory_space<vmem>>, %arg11: memref<10240x128xf32, #tpu.memory_space<vmem_shared>>, %arg12: memref<!tpu.dma_semaphore, #tpu.memory_space<semaphore_mem>>, %arg13: memref<!tpu.dma_semaphore, #tpu.memory_space<semaphore_mem>>, %arg14: memref<!tpu.dma_semaphore, #tpu.memory_space<semaphore_mem>>, %arg15: memref<!tpu.dma_semaphore, #tpu.memory_space<semaphore_mem>>, %arg16: memref<!tpu.dma_semaphore, #tpu.memory_space<semaphore_mem>>, %arg17: memref<!tpu.dma_semaphore, #tpu.memory_space<semaphore_mem>>) attributes {dimension_semantics = [#tpu.dimension_semantics<core_parallel>, #tpu.dimension_semantics<subcore_parallel>], iteration_bounds = array<i64: 2, 16>, scalar_prefetch = 0 : i64, scratch_operands = 11 : i64, tpu.core_type = #tpu.core_type<sc_vector_subcore>, window_params = [{transform_indices = #map}, {transform_indices = #map1}, {transform_indices = #map1}, {transform_indices = #map}, {transform_indices = #map}]} {
    %mul3A = arith.constant 16 : i32
    %mul3A_0 = arith.muli %arg0, %mul3A : i32
    %add3A = arith.addi %mul3A_0, %arg1 : i32
    %mul3A_1 = arith.constant 10000 : i32
    %mul3A_2 = arith.muli %add3A, %mul3A_1 : i32
    %dma_start3A = tpu.memref_slice %arg3[%mul3A_2] : memref<320000xi32, #tpu.memory_space<hbm>> -> memref<10000xi32, #tpu.memory_space<hbm>>
    %dma_start3A_3 = tpu.memref_slice %arg3[%mul3A_2] : memref<320000xi32, #tpu.memory_space<hbm>> -> memref<10000xi32, #tpu.memory_space<hbm>>
    tpu.enqueue_dma source(%dma_start3A_3 : memref<10000xi32, #tpu.memory_space<hbm>>) target(%arg7 : memref<10000xi32, #tpu.memory_space<vmem>>) target_semaphore(%arg16 : memref<!tpu.dma_semaphore, #tpu.memory_space<semaphore_mem>>)
    %dma_start3A_4 = tpu.memref_slice %arg4[%mul3A_2] : memref<320000xi32, #tpu.memory_space<hbm>> -> memref<10000xi32, #tpu.memory_space<hbm>>
    %dma_start3A_5 = tpu.memref_slice %arg4[%mul3A_2] : memref<320000xi32, #tpu.memory_space<hbm>> -> memref<10000xi32, #tpu.memory_space<hbm>>
    tpu.enqueue_dma source(%dma_start3A_5 : memref<10000xi32, #tpu.memory_space<hbm>>) target(%arg8 : memref<10000xi32, #tpu.memory_space<vmem>>) target_semaphore(%arg16 : memref<!tpu.dma_semaphore, #tpu.memory_space<semaphore_mem>>)
    %mul3A_6 = arith.constant 640 : i32
    %mul3A_7 = arith.muli %arg1, %mul3A_6 : i32
    %add3A_8 = arith.constant 0 : i32
    %add3A_9 = arith.addi %mul3A_7, %add3A_8 : i32
    %dma_start3A_10 = arith.constant 0 : i32
    %dma_start3A_11 = tpu.memref_slice %arg11[%add3A_9, %dma_start3A_10] : memref<10240x128xf32, #tpu.memory_space<vmem_shared>> -> memref<128x128xf32, #tpu.memory_space<vmem_shared>>
    tpu.enqueue_dma source(%arg5 : memref<128x128xf32, #tpu.memory_space<hbm>>) target(%dma_start3A_11 : memref<128x128xf32, #tpu.memory_space<vmem_shared>>) target_semaphore(%arg17 : memref<!tpu.dma_semaphore, #tpu.memory_space<semaphore_mem>>)
    %add3A_12 = arith.constant 128 : i32
    %add3A_13 = arith.addi %mul3A_7, %add3A_12 : i32
    %dma_start3A_14 = arith.constant 0 : i32
    %dma_start3A_15 = tpu.memref_slice %arg11[%add3A_13, %dma_start3A_14] : memref<10240x128xf32, #tpu.memory_space<vmem_shared>> -> memref<128x128xf32, #tpu.memory_space<vmem_shared>>
    tpu.enqueue_dma source(%arg5 : memref<128x128xf32, #tpu.memory_space<hbm>>) target(%dma_start3A_15 : memref<128x128xf32, #tpu.memory_space<vmem_shared>>) target_semaphore(%arg17 : memref<!tpu.dma_semaphore, #tpu.memory_space<semaphore_mem>>)
    %add3A_16 = arith.constant 256 : i32
    %add3A_17 = arith.addi %mul3A_7, %add3A_16 : i32
    %dma_start3A_18 = arith.constant 0 : i32
    %dma_start3A_19 = tpu.memref_slice %arg11[%add3A_17, %dma_start3A_18] : memref<10240x128xf32, #tpu.memory_space<vmem_shared>> -> memref<128x128xf32, #tpu.memory_space<vmem_shared>>
    tpu.enqueue_dma source(%arg5 : memref<128x128xf32, #tpu.memory_space<hbm>>) target(%dma_start3A_19 : memref<128x128xf32, #tpu.memory_space<vmem_shared>>) target_semaphore(%arg17 : memref<!tpu.dma_semaphore, #tpu.memory_space<semaphore_mem>>)
    %add3A_20 = arith.constant 384 : i32
    %add3A_21 = arith.addi %mul3A_7, %add3A_20 : i32
    %dma_start3A_22 = arith.constant 0 : i32
    %dma_start3A_23 = tpu.memref_slice %arg11[%add3A_21, %dma_start3A_22] : memref<10240x128xf32, #tpu.memory_space<vmem_shared>> -> memref<128x128xf32, #tpu.memory_space<vmem_shared>>
    tpu.enqueue_dma source(%arg5 : memref<128x128xf32, #tpu.memory_space<hbm>>) target(%dma_start3A_23 : memref<128x128xf32, #tpu.memory_space<vmem_shared>>) target_semaphore(%arg17 : memref<!tpu.dma_semaphore, #tpu.memory_space<semaphore_mem>>)
    %add3A_24 = arith.constant 512 : i32
    %add3A_25 = arith.addi %mul3A_7, %add3A_24 : i32
    %dma_start3A_26 = arith.constant 0 : i32
    %dma_start3A_27 = tpu.memref_slice %arg11[%add3A_25, %dma_start3A_26] : memref<10240x128xf32, #tpu.memory_space<vmem_shared>> -> memref<128x128xf32, #tpu.memory_space<vmem_shared>>
    tpu.enqueue_dma source(%arg5 : memref<128x128xf32, #tpu.memory_space<hbm>>) target(%dma_start3A_27 : memref<128x128xf32, #tpu.memory_space<vmem_shared>>) target_semaphore(%arg17 : memref<!tpu.dma_semaphore, #tpu.memory_space<semaphore_mem>>)
    %dma_wait3A = tpu.memref_slice %arg3[%mul3A_2] : memref<320000xi32, #tpu.memory_space<hbm>> -> memref<10000xi32, #tpu.memory_space<hbm>>
    %dma_wait3A_28 = tpu.memref_slice %arg3[%mul3A_2] : memref<320000xi32, #tpu.memory_space<hbm>> -> memref<10000xi32, #tpu.memory_space<hbm>>
    tpu.wait_dma2 semaphore(%arg16 : memref<!tpu.dma_semaphore, #tpu.memory_space<semaphore_mem>>) src(%dma_wait3A_28 : memref<10000xi32, #tpu.memory_space<hbm>>) dst(%arg7 : memref<10000xi32, #tpu.memory_space<vmem>>)
    %dma_wait3A_29 = tpu.memref_slice %arg4[%mul3A_2] : memref<320000xi32, #tpu.memory_space<hbm>> -> memref<10000xi32, #tpu.memory_space<hbm>>
    %dma_wait3A_30 = tpu.memref_slice %arg4[%mul3A_2] : memref<320000xi32, #tpu.memory_space<hbm>> -> memref<10000xi32, #tpu.memory_space<hbm>>
    tpu.wait_dma2 semaphore(%arg16 : memref<!tpu.dma_semaphore, #tpu.memory_space<semaphore_mem>>) src(%dma_wait3A_30 : memref<10000xi32, #tpu.memory_space<hbm>>) dst(%arg8 : memref<10000xi32, #tpu.memory_space<vmem>>)
    %multiple_of3A = arith.constant 0 : i32
    %multiple_of3A_31 = tpu.assume_multiple %multiple_of3A, 8 : i32
    %dma_start3A_32 = tpu.memref_slice %arg7[%multiple_of3A_31] : memref<10000xi32, #tpu.memory_space<vmem>> -> memref<80xi32, #tpu.memory_space<vmem>>
    %dma_start3A_33 = arith.constant 0 : i32
    %dma_start3A_34 = arith.constant 0 : i32
    %dma_start3A_35 = tpu.memref_slice %arg2[%dma_start3A_33, %dma_start3A_34] : memref<10000x128xf32, #tpu.memory_space<hbm>> -> memref<10000x128xf32, #tpu.memory_space<hbm>>
    tpu.enqueue_indirect_dma source(%dma_start3A_35 : memref<10000x128xf32, #tpu.memory_space<hbm>>) target(%arg9 : memref<80x128xf32, #tpu.memory_space<vmem>>) offsets(%dma_start3A_32 : memref<80xi32, #tpu.memory_space<vmem>>) semaphore(%arg12 : memref<!tpu.dma_semaphore, #tpu.memory_space<semaphore_mem>>)
    %add3A_36 = arith.constant 0 : i32
    %add3A_37 = arith.addi %mul3A_7, %add3A_36 : i32
    %dma_wait3A_38 = arith.constant 0 : i32
    %dma_wait3A_39 = tpu.memref_slice %arg11[%add3A_37, %dma_wait3A_38] : memref<10240x128xf32, #tpu.memory_space<vmem_shared>> -> memref<128x128xf32, #tpu.memory_space<vmem_shared>>
    tpu.wait_dma2 semaphore(%arg17 : memref<!tpu.dma_semaphore, #tpu.memory_space<semaphore_mem>>) src(%arg5 : memref<128x128xf32, #tpu.memory_space<hbm>>) dst(%dma_wait3A_39 : memref<128x128xf32, #tpu.memory_space<vmem_shared>>)
    %add3A_40 = arith.constant 128 : i32
    %add3A_41 = arith.addi %mul3A_7, %add3A_40 : i32
    %dma_wait3A_42 = arith.constant 0 : i32
    %dma_wait3A_43 = tpu.memref_slice %arg11[%add3A_41, %dma_wait3A_42] : memref<10240x128xf32, #tpu.memory_space<vmem_shared>> -> memref<128x128xf32, #tpu.memory_space<vmem_shared>>
    tpu.wait_dma2 semaphore(%arg17 : memref<!tpu.dma_semaphore, #tpu.memory_space<semaphore_mem>>) src(%arg5 : memref<128x128xf32, #tpu.memory_space<hbm>>) dst(%dma_wait3A_43 : memref<128x128xf32, #tpu.memory_space<vmem_shared>>)
    %add3A_44 = arith.constant 256 : i32
    %add3A_45 = arith.addi %mul3A_7, %add3A_44 : i32
    %dma_wait3A_46 = arith.constant 0 : i32
    %dma_wait3A_47 = tpu.memref_slice %arg11[%add3A_45, %dma_wait3A_46] : memref<10240x128xf32, #tpu.memory_space<vmem_shared>> -> memref<128x128xf32, #tpu.memory_space<vmem_shared>>
    tpu.wait_dma2 semaphore(%arg17 : memref<!tpu.dma_semaphore, #tpu.memory_space<semaphore_mem>>) src(%arg5 : memref<128x128xf32, #tpu.memory_space<hbm>>) dst(%dma_wait3A_47 : memref<128x128xf32, #tpu.memory_space<vmem_shared>>)
    %add3A_48 = arith.constant 384 : i32
    %add3A_49 = arith.addi %mul3A_7, %add3A_48 : i32
    %dma_wait3A_50 = arith.constant 0 : i32
    %dma_wait3A_51 = tpu.memref_slice %arg11[%add3A_49, %dma_wait3A_50] : memref<10240x128xf32, #tpu.memory_space<vmem_shared>> -> memref<128x128xf32, #tpu.memory_space<vmem_shared>>
    tpu.wait_dma2 semaphore(%arg17 : memref<!tpu.dma_semaphore, #tpu.memory_space<semaphore_mem>>) src(%arg5 : memref<128x128xf32, #tpu.memory_space<hbm>>) dst(%dma_wait3A_51 : memref<128x128xf32, #tpu.memory_space<vmem_shared>>)
    %add3A_52 = arith.constant 512 : i32
    %add3A_53 = arith.addi %mul3A_7, %add3A_52 : i32
    %dma_wait3A_54 = arith.constant 0 : i32
    %dma_wait3A_55 = tpu.memref_slice %arg11[%add3A_53, %dma_wait3A_54] : memref<10240x128xf32, #tpu.memory_space<vmem_shared>> -> memref<128x128xf32, #tpu.memory_space<vmem_shared>>
    tpu.wait_dma2 semaphore(%arg17 : memref<!tpu.dma_semaphore, #tpu.memory_space<semaphore_mem>>) src(%arg5 : memref<128x128xf32, #tpu.memory_space<hbm>>) dst(%dma_wait3A_55 : memref<128x128xf32, #tpu.memory_space<vmem_shared>>)
    %barrier3A = arith.constant 0 : index
    tpu.barrier barrier_id(%barrier3A)
    %scan3A = arith.constant 0 : i32
    %scan3A_56 = arith.constant 0 : i32
    %scan3A_57 = arith.constant 62 : i32
    %scan3A_58 = arith.addi %scan3A_56, %scan3A_57 : i32
    %scan3A_59 = arith.constant 1 : i32
    scf.for %scan3A_73 = %scan3A_56 to %scan3A_58 step %scan3A_59  : i32 {
      %mul3A_74 = arith.constant 2 : i32
      %mul3A_75 = arith.muli %mul3A_74, %scan3A_73 : i32
      %add3A_76 = arith.constant 1 : i32
      %add3A_77 = arith.addi %mul3A_75, %add3A_76 : i32
      %mul3A_78 = arith.constant 80 : i32
      %mul3A_79 = arith.muli %add3A_77, %mul3A_78 : i32
      %multiple_of3A_80 = tpu.assume_multiple %mul3A_79, 8 : i32
      %dma_start3A_81 = tpu.memref_slice %arg7[%multiple_of3A_80] : memref<10000xi32, #tpu.memory_space<vmem>> -> memref<80xi32, #tpu.memory_space<vmem>>
      %dma_start3A_82 = arith.constant 0 : i32
      %dma_start3A_83 = arith.constant 0 : i32
      %dma_start3A_84 = tpu.memref_slice %arg2[%dma_start3A_82, %dma_start3A_83] : memref<10000x128xf32, #tpu.memory_space<hbm>> -> memref<10000x128xf32, #tpu.memory_space<hbm>>
      tpu.enqueue_indirect_dma source(%dma_start3A_84 : memref<10000x128xf32, #tpu.memory_space<hbm>>) target(%arg10 : memref<80x128xf32, #tpu.memory_space<vmem>>) offsets(%dma_start3A_81 : memref<80xi32, #tpu.memory_space<vmem>>) semaphore(%arg13 : memref<!tpu.dma_semaphore, #tpu.memory_space<semaphore_mem>>)
      %mul3A_85 = arith.constant 80 : i32
      %mul3A_86 = arith.muli %mul3A_75, %mul3A_85 : i32
      %multiple_of3A_87 = tpu.assume_multiple %mul3A_86, 8 : i32
      %dma_wait3A_88 = tpu.memref_slice %arg7[%multiple_of3A_87] : memref<10000xi32, #tpu.memory_space<vmem>> -> memref<80xi32, #tpu.memory_space<vmem>>
      %dma_wait3A_89 = arith.constant 0 : i32
      %dma_wait3A_90 = arith.constant 0 : i32
      %dma_wait3A_91 = tpu.memref_slice %arg2[%dma_wait3A_89, %dma_wait3A_90] : memref<10000x128xf32, #tpu.memory_space<hbm>> -> memref<10000x128xf32, #tpu.memory_space<hbm>>
      tpu.wait_indirect_dma semaphore(%arg12 : memref<!tpu.dma_semaphore, #tpu.memory_space<semaphore_mem>>) src(%dma_wait3A_91 : memref<10000x128xf32, #tpu.memory_space<hbm>>) dst(%arg9 : memref<80x128xf32, #tpu.memory_space<vmem>>)
      %mul3A_92 = arith.constant 80 : i32
      %mul3A_93 = arith.muli %mul3A_75, %mul3A_92 : i32
      %multiple_of3A_94 = tpu.assume_multiple %mul3A_93, 8 : i32
      %dma_start3A_95 = tpu.memref_slice %arg8[%multiple_of3A_94] : memref<10000xi32, #tpu.memory_space<vmem>> -> memref<80xi32, #tpu.memory_space<vmem>>
      %dma_start3A_96 = arith.constant 0 : i32
      %dma_start3A_97 = arith.constant 0 : i32
      %dma_start3A_98 = tpu.memref_slice %arg11[%dma_start3A_96, %dma_start3A_97] : memref<10240x128xf32, #tpu.memory_space<vmem_shared>> -> memref<10240x128xf32, #tpu.memory_space<vmem_shared>>
      tpu.enqueue_indirect_dma source(%arg9 : memref<80x128xf32, #tpu.memory_space<vmem>>) target(%dma_start3A_98 : memref<10240x128xf32, #tpu.memory_space<vmem_shared>>) offsets(%dma_start3A_95 : memref<80xi32, #tpu.memory_space<vmem>>) semaphore(%arg14 : memref<!tpu.dma_semaphore, #tpu.memory_space<semaphore_mem>>) {add = true}
      %mul3A_99 = arith.constant 80 : i32
      %mul3A_100 = arith.muli %mul3A_75, %mul3A_99 : i32
      %multiple_of3A_101 = tpu.assume_multiple %mul3A_100, 8 : i32
      %dma_wait3A_102 = tpu.memref_slice %arg8[%multiple_of3A_101] : memref<10000xi32, #tpu.memory_space<vmem>> -> memref<80xi32, #tpu.memory_space<vmem>>
      %dma_wait3A_103 = arith.constant 0 : i32
      %dma_wait3A_104 = arith.constant 0 : i32
      %dma_wait3A_105 = tpu.memref_slice %arg11[%dma_wait3A_103, %dma_wait3A_104] : memref<10240x128xf32, #tpu.memory_space<vmem_shared>> -> memref<10240x128xf32, #tpu.memory_space<vmem_shared>>
      tpu.wait_indirect_dma semaphore(%arg14 : memref<!tpu.dma_semaphore, #tpu.memory_space<semaphore_mem>>) src(%arg9 : memref<80x128xf32, #tpu.memory_space<vmem>>) dst(%dma_wait3A_105 : memref<10240x128xf32, #tpu.memory_space<vmem_shared>>)
      %add3A_106 = arith.constant 2 : i32
      %add3A_107 = arith.addi %mul3A_75, %add3A_106 : i32
      %mul3A_108 = arith.constant 80 : i32
      %mul3A_109 = arith.muli %add3A_107, %mul3A_108 : i32
      %multiple_of3A_110 = tpu.assume_multiple %mul3A_109, 8 : i32
      %dma_start3A_111 = tpu.memref_slice %arg7[%multiple_of3A_110] : memref<10000xi32, #tpu.memory_space<vmem>> -> memref<80xi32, #tpu.memory_space<vmem>>
      %dma_start3A_112 = arith.constant 0 : i32
      %dma_start3A_113 = arith.constant 0 : i32
      %dma_start3A_114 = tpu.memref_slice %arg2[%dma_start3A_112, %dma_start3A_113] : memref<10000x128xf32, #tpu.memory_space<hbm>> -> memref<10000x128xf32, #tpu.memory_space<hbm>>
      tpu.enqueue_indirect_dma source(%dma_start3A_114 : memref<10000x128xf32, #tpu.memory_space<hbm>>) target(%arg9 : memref<80x128xf32, #tpu.memory_space<vmem>>) offsets(%dma_start3A_111 : memref<80xi32, #tpu.memory_space<vmem>>) semaphore(%arg12 : memref<!tpu.dma_semaphore, #tpu.memory_space<semaphore_mem>>)
      %add3A_115 = arith.constant 1 : i32
      %add3A_116 = arith.addi %mul3A_75, %add3A_115 : i32
      %mul3A_117 = arith.constant 80 : i32
      %mul3A_118 = arith.muli %add3A_116, %mul3A_117 : i32
      %multiple_of3A_119 = tpu.assume_multiple %mul3A_118, 8 : i32
      %dma_wait3A_120 = tpu.memref_slice %arg7[%multiple_of3A_119] : memref<10000xi32, #tpu.memory_space<vmem>> -> memref<80xi32, #tpu.memory_space<vmem>>
      %dma_wait3A_121 = arith.constant 0 : i32
      %dma_wait3A_122 = arith.constant 0 : i32
      %dma_wait3A_123 = tpu.memref_slice %arg2[%dma_wait3A_121, %dma_wait3A_122] : memref<10000x128xf32, #tpu.memory_space<hbm>> -> memref<10000x128xf32, #tpu.memory_space<hbm>>
      tpu.wait_indirect_dma semaphore(%arg13 : memref<!tpu.dma_semaphore, #tpu.memory_space<semaphore_mem>>) src(%dma_wait3A_123 : memref<10000x128xf32, #tpu.memory_space<hbm>>) dst(%arg10 : memref<80x128xf32, #tpu.memory_space<vmem>>)
      %add3A_124 = arith.constant 1 : i32
      %add3A_125 = arith.addi %mul3A_75, %add3A_124 : i32
      %mul3A_126 = arith.constant 80 : i32
      %mul3A_127 = arith.muli %add3A_125, %mul3A_126 : i32
      %multiple_of3A_128 = tpu.assume_multiple %mul3A_127, 8 : i32
      %dma_start3A_129 = tpu.memref_slice %arg8[%multiple_of3A_128] : memref<10000xi32, #tpu.memory_space<vmem>> -> memref<80xi32, #tpu.memory_space<vmem>>
      %dma_start3A_130 = arith.constant 0 : i32
      %dma_start3A_131 = arith.constant 0 : i32
      %dma_start3A_132 = tpu.memref_slice %arg11[%dma_start3A_130, %dma_start3A_131] : memref<10240x128xf32, #tpu.memory_space<vmem_shared>> -> memref<10240x128xf32, #tpu.memory_space<vmem_shared>>
      tpu.enqueue_indirect_dma source(%arg10 : memref<80x128xf32, #tpu.memory_space<vmem>>) target(%dma_start3A_132 : memref<10240x128xf32, #tpu.memory_space<vmem_shared>>) offsets(%dma_start3A_129 : memref<80xi32, #tpu.memory_space<vmem>>) semaphore(%arg15 : memref<!tpu.dma_semaphore, #tpu.memory_space<semaphore_mem>>) {add = true}
      %add3A_133 = arith.constant 1 : i32
      %add3A_134 = arith.addi %mul3A_75, %add3A_133 : i32
      %mul3A_135 = arith.constant 80 : i32
      %mul3A_136 = arith.muli %add3A_134, %mul3A_135 : i32
      %multiple_of3A_137 = tpu.assume_multiple %mul3A_136, 8 : i32
      %dma_wait3A_138 = tpu.memref_slice %arg8[%multiple_of3A_137] : memref<10000xi32, #tpu.memory_space<vmem>> -> memref<80xi32, #tpu.memory_space<vmem>>
      %dma_wait3A_139 = arith.constant 0 : i32
      %dma_wait3A_140 = arith.constant 0 : i32
      %dma_wait3A_141 = tpu.memref_slice %arg11[%dma_wait3A_139, %dma_wait3A_140] : memref<10240x128xf32, #tpu.memory_space<vmem_shared>> -> memref<10240x128xf32, #tpu.memory_space<vmem_shared>>
      tpu.wait_indirect_dma semaphore(%arg15 : memref<!tpu.dma_semaphore, #tpu.memory_space<semaphore_mem>>) src(%arg10 : memref<80x128xf32, #tpu.memory_space<vmem>>) dst(%dma_wait3A_141 : memref<10240x128xf32, #tpu.memory_space<vmem_shared>>)
    }
    %scan3A_60 = arith.constant 62 : i32
    %multiple_of3A_61 = arith.constant 9920 : i32
    %multiple_of3A_62 = tpu.assume_multiple %multiple_of3A_61, 8 : i32
    %dma_wait3A_63 = tpu.memref_slice %arg7[%multiple_of3A_62] : memref<10000xi32, #tpu.memory_space<vmem>> -> memref<80xi32, #tpu.memory_space<vmem>>
    %dma_wait3A_64 = arith.constant 0 : i32
    %dma_wait3A_65 = arith.constant 0 : i32
    %dma_wait3A_66 = tpu.memref_slice %arg2[%dma_wait3A_64, %dma_wait3A_65] : memref<10000x128xf32, #tpu.memory_space<hbm>> -> memref<10000x128xf32, #tpu.memory_space<hbm>>
    tpu.wait_indirect_dma semaphore(%arg12 : memref<!tpu.dma_semaphore, #tpu.memory_space<semaphore_mem>>) src(%dma_wait3A_66 : memref<10000x128xf32, #tpu.memory_space<hbm>>) dst(%arg9 : memref<80x128xf32, #tpu.memory_space<vmem>>)
    %multiple_of3A_67 = arith.constant 9920 : i32
    %multiple_of3A_68 = tpu.assume_multiple %multiple_of3A_67, 8 : i32
    "tpu.region"() ({
      %run_scoped3A = tpu.sem_alloc : memref<!tpu.dma_semaphore, #tpu.memory_space<semaphore_mem>>
      %dma_start3A_73 = tpu.memref_slice %arg8[%multiple_of3A_68] : memref<10000xi32, #tpu.memory_space<vmem>> -> memref<80xi32, #tpu.memory_space<vmem>>
      %dma_start3A_74 = arith.constant 0 : i32
      %dma_start3A_75 = arith.constant 0 : i32
      %dma_start3A_76 = tpu.memref_slice %arg11[%dma_start3A_74, %dma_start3A_75] : memref<10240x128xf32, #tpu.memory_space<vmem_shared>> -> memref<10240x128xf32, #tpu.memory_space<vmem_shared>>
      tpu.enqueue_indirect_dma source(%arg9 : memref<80x128xf32, #tpu.memory_space<vmem>>) target(%dma_start3A_76 : memref<10240x128xf32, #tpu.memory_space<vmem_shared>>) offsets(%dma_start3A_73 : memref<80xi32, #tpu.memory_space<vmem>>) semaphore(%run_scoped3A : memref<!tpu.dma_semaphore, #tpu.memory_space<semaphore_mem>>) {add = true}
      %dma_wait3A_77 = tpu.memref_slice %arg8[%multiple_of3A_68] : memref<10000xi32, #tpu.memory_space<vmem>> -> memref<80xi32, #tpu.memory_space<vmem>>
      %dma_wait3A_78 = arith.constant 0 : i32
      %dma_wait3A_79 = arith.constant 0 : i32
      %dma_wait3A_80 = tpu.memref_slice %arg11[%dma_wait3A_78, %dma_wait3A_79] : memref<10240x128xf32, #tpu.memory_space<vmem_shared>> -> memref<10240x128xf32, #tpu.memory_space<vmem_shared>>
      tpu.wait_indirect_dma semaphore(%run_scoped3A : memref<!tpu.dma_semaphore, #tpu.memory_space<semaphore_mem>>) src(%arg9 : memref<80x128xf32, #tpu.memory_space<vmem>>) dst(%dma_wait3A_80 : memref<10240x128xf32, #tpu.memory_space<vmem_shared>>)
      tpu.yield
    }) : () -> ()
    %barrier3A_69 = arith.constant 0 : index
    tpu.barrier barrier_id(%barrier3A_69)
    %mul3A_70 = arith.constant 10240 : i32
    %mul3A_71 = arith.muli %arg0, %mul3A_70 : i32
    %add3A_72 = arith.addi %mul3A_71, %mul3A_7 : i32
    "tpu.region"() ({
      %run_scoped3A = tpu.sem_alloc : memref<!tpu.dma_semaphore, #tpu.memory_space<semaphore_mem>>
      %dma_start3A_73 = arith.constant 0 : i32
      %dma_start3A_74 = tpu.memref_slice %arg6[%add3A_72, %dma_start3A_73] : memref<20480x128xf32, #tpu.memory_space<hbm>> -> memref<640x128xf32, #tpu.memory_space<hbm>>
      %dma_start3A_75 = arith.constant 0 : i32
      %dma_start3A_76 = tpu.memref_slice %arg11[%mul3A_7, %dma_start3A_75] : memref<10240x128xf32, #tpu.memory_space<vmem_shared>> -> memref<640x128xf32, #tpu.memory_space<vmem_shared>>
      tpu.enqueue_dma source(%dma_start3A_76 : memref<640x128xf32, #tpu.memory_space<vmem_shared>>) target(%dma_start3A_74 : memref<640x128xf32, #tpu.memory_space<hbm>>) target_semaphore(%run_scoped3A : memref<!tpu.dma_semaphore, #tpu.memory_space<semaphore_mem>>)
      %dma_wait3A_77 = arith.constant 0 : i32
      %dma_wait3A_78 = tpu.memref_slice %arg6[%add3A_72, %dma_wait3A_77] : memref<20480x128xf32, #tpu.memory_space<hbm>> -> memref<640x128xf32, #tpu.memory_space<hbm>>
      %dma_wait3A_79 = arith.constant 0 : i32
      %dma_wait3A_80 = tpu.memref_slice %arg11[%mul3A_7, %dma_wait3A_79] : memref<10240x128xf32, #tpu.memory_space<vmem_shared>> -> memref<640x128xf32, #tpu.memory_space<vmem_shared>>
      tpu.wait_dma2 semaphore(%run_scoped3A : memref<!tpu.dma_semaphore, #tpu.memory_space<semaphore_mem>>) src(%dma_wait3A_80 : memref<640x128xf32, #tpu.memory_space<vmem_shared>>) dst(%dma_wait3A_78 : memref<640x128xf32, #tpu.memory_space<hbm>>)
      tpu.yield
    }) : () -> ()
    return
  }
}

module attributes {stable_mosaic.version = 14 : i64} {
  func.func @_stage_in_body(%arg0: i32, %arg1: memref<1000x128xf32, #tpu.memory_space<vmem>>, %arg2: memref<1000x8xf32, #tpu.memory_space<vmem>>, %arg3: memref<1000x8xf32, #tpu.memory_space<vmem>>, %arg4: memref<128x128xf32, #tpu.memory_space<vmem>>, %arg5: memref<1000x128xf32, #tpu.memory_space<vmem>>) attributes {dimension_semantics = [#tpu.dimension_semantics<arbitrary>], iteration_bounds = array<i64: 10>, scalar_prefetch = 0 : i64, scratch_operands = 0 : i64, tpu.core_type = #tpu.core_type<tc>, window_params = [{transform_indices = @transform_0, window_bounds = array<i64: 1000, 128>}, {transform_indices = @transform_1, window_bounds = array<i64: 1000, 8>}, {transform_indices = @transform_2, window_bounds = array<i64: 1000, 8>}, {pipeline_mode = #tpu.pipeline_mode<synchronous>, transform_indices = @transform_3, window_bounds = array<i64: 128, 128>}, {transform_indices = @transform_4, window_bounds = array<i64: 1000, 128>}]} {
    %get3A = arith.constant 0 : index
    %get3A_0 = arith.constant 0 : index
    %get3A_1 = vector.load %arg2[%get3A, %get3A_0] : memref<1000x8xf32, #tpu.memory_space<vmem>>, vector<1000x8xf32>
    %get3A_2 = arith.constant 0 : index
    %get3A_3 = arith.constant 0 : index
    %get3A_4 = vector.load %arg3[%get3A_2, %get3A_3] : memref<1000x8xf32, #tpu.memory_space<vmem>>, vector<1000x8xf32>
    %slice3A = vector.extract_strided_slice %get3A_1 {offsets = [0, 0], sizes = [1000, 1], strides = [1, 1]} : vector<1000x8xf32> to vector<1000x1xf32>
    %slice3A_5 = vector.extract_strided_slice %get3A_4 {offsets = [0, 0], sizes = [1000, 1], strides = [1, 1]} : vector<1000x8xf32> to vector<1000x1xf32>
    %add3A = arith.addf %slice3A, %slice3A_5 : vector<1000x1xf32>
    %add3A_6 = arith.constant 1.000000e+00 : f32
    %add3A_7 = vector.broadcast %add3A_6 : f32 to vector<1000x1xf32>
    %add3A_8 = arith.addf %add3A, %add3A_7 : vector<1000x1xf32>
    %rsqrt3A = math.rsqrt %add3A_8 : vector<1000x1xf32>
    %get3A_9 = arith.constant 0 : index
    %get3A_10 = arith.constant 0 : index
    %get3A_11 = vector.load %arg1[%get3A_9, %get3A_10] : memref<1000x128xf32, #tpu.memory_space<vmem>>, vector<1000x128xf32>
    %get3A_12 = arith.constant 0 : index
    %get3A_13 = arith.constant 0 : index
    %get3A_14 = vector.load %arg4[%get3A_12, %get3A_13] : memref<128x128xf32, #tpu.memory_space<vmem>>, vector<128x128xf32>
    %dot_general3A = arith.constant dense<0.000000e+00> : vector<1000x128xf32>
    %dot_general3A_15 = tpu.matmul %get3A_11, %get3A_14, %dot_general3A {dimension_numbers = #tpu.dot_dimension_numbers<[1], [0], [0], [1], [0, 0, 1, 1], [], []>, transpose_lhs_hint = false} : vector<1000x128xf32>, vector<128x128xf32>, vector<1000x128xf32> -> vector<1000x128xf32>
    %mul3A = vector.broadcast %rsqrt3A : vector<1000x1xf32> to vector<1000x128xf32>
    %mul3A_16 = arith.mulf %dot_general3A_15, %mul3A : vector<1000x128xf32>
    %swap3A = arith.constant 0 : index
    %swap3A_17 = arith.constant 0 : index
    %swap3A_18 = vector.load %arg5[%swap3A, %swap3A_17] : memref<1000x128xf32, #tpu.memory_space<vmem>>, vector<1000x128xf32>
    tpu.vector_store %arg5[%swap3A, %swap3A_17], %mul3A_16 {strides = array<i32>} : memref<1000x128xf32, #tpu.memory_space<vmem>>, vector<1000x128xf32>,
    return
  }
  func.func @transform_0(%arg0: i32) -> (i32, i32) {
    %c0_i32 = arith.constant 0 : i32
    %c0_i32_0 = arith.constant 0 : i32
    return %arg0, %c0_i32 : i32, i32
  }
  func.func @transform_1(%arg0: i32) -> (i32, i32) {
    %c0_i32 = arith.constant 0 : i32
    %c0_i32_0 = arith.constant 0 : i32
    return %arg0, %c0_i32 : i32, i32
  }
  func.func @transform_2(%arg0: i32) -> (i32, i32) {
    %c0_i32 = arith.constant 0 : i32
    %c0_i32_0 = arith.constant 0 : i32
    return %arg0, %c0_i32 : i32, i32
  }
  func.func @transform_3(%arg0: i32) -> (i32, i32) {
    %c0_i32 = arith.constant 0 : i32
    %c0_i32_0 = arith.constant 0 : i32
    %c0_i32_1 = arith.constant 0 : i32
    return %c0_i32, %c0_i32_0 : i32, i32
  }
  func.func @transform_4(%arg0: i32) -> (i32, i32) {
    %c0_i32 = arith.constant 0 : i32
    %c0_i32_0 = arith.constant 0 : i32
    return %arg0, %c0_i32 : i32, i32
  }
}

module attributes {stable_mosaic.version = 14 : i64} {
  func.func @_stage_mid_body(%arg0: i32, %arg1: memref<1000x128xf32, #tpu.memory_space<vmem>>, %arg2: memref<1000x128xf32, #tpu.memory_space<vmem>>, %arg3: memref<1000x128xf32, #tpu.memory_space<vmem>>, %arg4: memref<1000x8xf32, #tpu.memory_space<vmem>>, %arg5: memref<1000x8xf32, #tpu.memory_space<vmem>>, %arg6: memref<1x128xf32, #tpu.memory_space<vmem>>, %arg7: memref<128x128xf32, #tpu.memory_space<vmem>>, %arg8: memref<1000x128xf32, #tpu.memory_space<vmem>>) attributes {dimension_semantics = [#tpu.dimension_semantics<arbitrary>], iteration_bounds = array<i64: 10>, scalar_prefetch = 0 : i64, scratch_operands = 0 : i64, tpu.core_type = #tpu.core_type<tc>, window_params = [{transform_indices = @transform_0, window_bounds = array<i64: 1000, 128>}, {transform_indices = @transform_1, window_bounds = array<i64: 1000, 128>}, {transform_indices = @transform_2, window_bounds = array<i64: 1000, 128>}, {transform_indices = @transform_3, window_bounds = array<i64: 1000, 8>}, {transform_indices = @transform_4, window_bounds = array<i64: 1000, 8>}, {pipeline_mode = #tpu.pipeline_mode<synchronous>, transform_indices = @transform_5, window_bounds = array<i64: 1, 128>}, {pipeline_mode = #tpu.pipeline_mode<synchronous>, transform_indices = @transform_6, window_bounds = array<i64: 128, 128>}, {transform_indices = @transform_7, window_bounds = array<i64: 1000, 128>}]} {
    %get3A = arith.constant 0 : index
    %get3A_0 = arith.constant 0 : index
    %get3A_1 = vector.load %arg4[%get3A, %get3A_0] : memref<1000x8xf32, #tpu.memory_space<vmem>>, vector<1000x8xf32>
    %get3A_2 = arith.constant 0 : index
    %get3A_3 = arith.constant 0 : index
    %get3A_4 = vector.load %arg5[%get3A_2, %get3A_3] : memref<1000x8xf32, #tpu.memory_space<vmem>>, vector<1000x8xf32>
    %slice3A = vector.extract_strided_slice %get3A_1 {offsets = [0, 0], sizes = [1000, 1], strides = [1, 1]} : vector<1000x8xf32> to vector<1000x1xf32>
    %slice3A_5 = vector.extract_strided_slice %get3A_4 {offsets = [0, 0], sizes = [1000, 1], strides = [1, 1]} : vector<1000x8xf32> to vector<1000x1xf32>
    %add3A = arith.addf %slice3A, %slice3A_5 : vector<1000x1xf32>
    %add3A_6 = arith.constant 1.000000e+00 : f32
    %add3A_7 = vector.broadcast %add3A_6 : f32 to vector<1000x1xf32>
    %add3A_8 = arith.addf %add3A, %add3A_7 : vector<1000x1xf32>
    %rsqrt3A = math.rsqrt %add3A_8 : vector<1000x1xf32>
    %get3A_9 = arith.constant 0 : index
    %get3A_10 = arith.constant 0 : index
    %get3A_11 = vector.load %arg1[%get3A_9, %get3A_10] : memref<1000x128xf32, #tpu.memory_space<vmem>>, vector<1000x128xf32>
    %get3A_12 = arith.constant 0 : index
    %get3A_13 = arith.constant 0 : index
    %get3A_14 = vector.load %arg2[%get3A_12, %get3A_13] : memref<1000x128xf32, #tpu.memory_space<vmem>>, vector<1000x128xf32>
    %add3A_15 = arith.addf %get3A_11, %get3A_14 : vector<1000x128xf32>
    %get3A_16 = arith.constant 0 : index
    %get3A_17 = arith.constant 0 : index
    %get3A_18 = vector.load %arg3[%get3A_16, %get3A_17] : memref<1000x128xf32, #tpu.memory_space<vmem>>, vector<1000x128xf32>
    %add3A_19 = arith.addf %add3A_15, %get3A_18 : vector<1000x128xf32>
    %mul3A = vector.broadcast %rsqrt3A : vector<1000x1xf32> to vector<1000x128xf32>
    %mul3A_20 = arith.mulf %mul3A, %add3A_19 : vector<1000x128xf32>
    %get3A_21 = arith.constant 0 : index
    %get3A_22 = arith.constant 0 : index
    %get3A_23 = vector.load %arg6[%get3A_21, %get3A_22] : memref<1x128xf32, #tpu.memory_space<vmem>>, vector<1x128xf32>
    %add3A_24 = vector.broadcast %get3A_23 : vector<1x128xf32> to vector<1000x128xf32>
    %add3A_25 = arith.addf %mul3A_20, %add3A_24 : vector<1000x128xf32>
    %ge3A = arith.constant 0.000000e+00 : f32
    %ge3A_26 = vector.broadcast %ge3A : f32 to vector<1000x128xf32>
    %ge3A_27 = arith.cmpf oge, %add3A_25, %ge3A_26 : vector<1000x128xf32>
    %mul3A_28 = arith.constant 0.00999999977 : f32
    %mul3A_29 = vector.broadcast %mul3A_28 : f32 to vector<1000x128xf32>
    %mul3A_30 = arith.mulf %mul3A_29, %add3A_25 : vector<1000x128xf32>
    %select_n3A = arith.select %ge3A_27, %add3A_25, %mul3A_30 : vector<1000x128xi1>, vector<1000x128xf32>
    %get3A_31 = arith.constant 0 : index
    %get3A_32 = arith.constant 0 : index
    %get3A_33 = vector.load %arg7[%get3A_31, %get3A_32] : memref<128x128xf32, #tpu.memory_space<vmem>>, vector<128x128xf32>
    %dot_general3A = arith.constant dense<0.000000e+00> : vector<1000x128xf32>
    %dot_general3A_34 = tpu.matmul %select_n3A, %get3A_33, %dot_general3A {dimension_numbers = #tpu.dot_dimension_numbers<[1], [0], [0], [1], [0, 0, 1, 1], [], []>, transpose_lhs_hint = false} : vector<1000x128xf32>, vector<128x128xf32>, vector<1000x128xf32> -> vector<1000x128xf32>
    %mul3A_35 = vector.broadcast %rsqrt3A : vector<1000x1xf32> to vector<1000x128xf32>
    %mul3A_36 = arith.mulf %dot_general3A_34, %mul3A_35 : vector<1000x128xf32>
    %swap3A = arith.constant 0 : index
    %swap3A_37 = arith.constant 0 : index
    %swap3A_38 = vector.load %arg8[%swap3A, %swap3A_37] : memref<1000x128xf32, #tpu.memory_space<vmem>>, vector<1000x128xf32>
    tpu.vector_store %arg8[%swap3A, %swap3A_37], %mul3A_36 {strides = array<i32>} : memref<1000x128xf32, #tpu.memory_space<vmem>>, vector<1000x128xf32>,
    return
  }
  func.func @transform_0(%arg0: i32) -> (i32, i32) {
    %c0_i32 = arith.constant 0 : i32
    %c0_i32_0 = arith.constant 0 : i32
    return %arg0, %c0_i32 : i32, i32
  }
  func.func @transform_1(%arg0: i32) -> (i32, i32) {
    %c0_i32 = arith.constant 0 : i32
    %c0_i32_0 = arith.constant 0 : i32
    return %arg0, %c0_i32 : i32, i32
  }
  func.func @transform_2(%arg0: i32) -> (i32, i32) {
    %c0_i32 = arith.constant 0 : i32
    %c0_i32_0 = arith.constant 0 : i32
    return %arg0, %c0_i32 : i32, i32
  }
  func.func @transform_3(%arg0: i32) -> (i32, i32) {
    %c0_i32 = arith.constant 0 : i32
    %c0_i32_0 = arith.constant 0 : i32
    return %arg0, %c0_i32 : i32, i32
  }
  func.func @transform_4(%arg0: i32) -> (i32, i32) {
    %c0_i32 = arith.constant 0 : i32
    %c0_i32_0 = arith.constant 0 : i32
    return %arg0, %c0_i32 : i32, i32
  }
  func.func @transform_5(%arg0: i32) -> (i32, i32) {
    %c0_i32 = arith.constant 0 : i32
    %c0_i32_0 = arith.constant 0 : i32
    %c0_i32_1 = arith.constant 0 : i32
    return %c0_i32, %c0_i32_0 : i32, i32
  }
  func.func @transform_6(%arg0: i32) -> (i32, i32) {
    %c0_i32 = arith.constant 0 : i32
    %c0_i32_0 = arith.constant 0 : i32
    %c0_i32_1 = arith.constant 0 : i32
    return %c0_i32, %c0_i32_0 : i32, i32
  }
  func.func @transform_7(%arg0: i32) -> (i32, i32) {
    %c0_i32 = arith.constant 0 : i32
    %c0_i32_0 = arith.constant 0 : i32
    return %arg0, %c0_i32 : i32, i32
  }
}

module attributes {stable_mosaic.version = 14 : i64} {
  func.func @_stage_act_body(%arg0: i32, %arg1: memref<1000x128xf32, #tpu.memory_space<vmem>>, %arg2: memref<1000x128xf32, #tpu.memory_space<vmem>>, %arg3: memref<1000x128xf32, #tpu.memory_space<vmem>>, %arg4: memref<1000x8xf32, #tpu.memory_space<vmem>>, %arg5: memref<1000x8xf32, #tpu.memory_space<vmem>>, %arg6: memref<1x128xf32, #tpu.memory_space<vmem>>, %arg7: memref<1000x128xf32, #tpu.memory_space<vmem>>) attributes {dimension_semantics = [#tpu.dimension_semantics<arbitrary>], iteration_bounds = array<i64: 10>, scalar_prefetch = 0 : i64, scratch_operands = 0 : i64, tpu.core_type = #tpu.core_type<tc>, window_params = [{transform_indices = @transform_0, window_bounds = array<i64: 1000, 128>}, {transform_indices = @transform_1, window_bounds = array<i64: 1000, 128>}, {transform_indices = @transform_2, window_bounds = array<i64: 1000, 128>}, {transform_indices = @transform_3, window_bounds = array<i64: 1000, 8>}, {transform_indices = @transform_4, window_bounds = array<i64: 1000, 8>}, {pipeline_mode = #tpu.pipeline_mode<synchronous>, transform_indices = @transform_5, window_bounds = array<i64: 1, 128>}, {transform_indices = @transform_6, window_bounds = array<i64: 1000, 128>}]} {
    %get3A = arith.constant 0 : index
    %get3A_0 = arith.constant 0 : index
    %get3A_1 = vector.load %arg4[%get3A, %get3A_0] : memref<1000x8xf32, #tpu.memory_space<vmem>>, vector<1000x8xf32>
    %get3A_2 = arith.constant 0 : index
    %get3A_3 = arith.constant 0 : index
    %get3A_4 = vector.load %arg5[%get3A_2, %get3A_3] : memref<1000x8xf32, #tpu.memory_space<vmem>>, vector<1000x8xf32>
    %slice3A = vector.extract_strided_slice %get3A_1 {offsets = [0, 0], sizes = [1000, 1], strides = [1, 1]} : vector<1000x8xf32> to vector<1000x1xf32>
    %slice3A_5 = vector.extract_strided_slice %get3A_4 {offsets = [0, 0], sizes = [1000, 1], strides = [1, 1]} : vector<1000x8xf32> to vector<1000x1xf32>
    %add3A = arith.addf %slice3A, %slice3A_5 : vector<1000x1xf32>
    %add3A_6 = arith.constant 1.000000e+00 : f32
    %add3A_7 = vector.broadcast %add3A_6 : f32 to vector<1000x1xf32>
    %add3A_8 = arith.addf %add3A, %add3A_7 : vector<1000x1xf32>
    %rsqrt3A = math.rsqrt %add3A_8 : vector<1000x1xf32>
    %get3A_9 = arith.constant 0 : index
    %get3A_10 = arith.constant 0 : index
    %get3A_11 = vector.load %arg1[%get3A_9, %get3A_10] : memref<1000x128xf32, #tpu.memory_space<vmem>>, vector<1000x128xf32>
    %get3A_12 = arith.constant 0 : index
    %get3A_13 = arith.constant 0 : index
    %get3A_14 = vector.load %arg2[%get3A_12, %get3A_13] : memref<1000x128xf32, #tpu.memory_space<vmem>>, vector<1000x128xf32>
    %add3A_15 = arith.addf %get3A_11, %get3A_14 : vector<1000x128xf32>
    %get3A_16 = arith.constant 0 : index
    %get3A_17 = arith.constant 0 : index
    %get3A_18 = vector.load %arg3[%get3A_16, %get3A_17] : memref<1000x128xf32, #tpu.memory_space<vmem>>, vector<1000x128xf32>
    %add3A_19 = arith.addf %add3A_15, %get3A_18 : vector<1000x128xf32>
    %mul3A = vector.broadcast %rsqrt3A : vector<1000x1xf32> to vector<1000x128xf32>
    %mul3A_20 = arith.mulf %mul3A, %add3A_19 : vector<1000x128xf32>
    %get3A_21 = arith.constant 0 : index
    %get3A_22 = arith.constant 0 : index
    %get3A_23 = vector.load %arg6[%get3A_21, %get3A_22] : memref<1x128xf32, #tpu.memory_space<vmem>>, vector<1x128xf32>
    %add3A_24 = vector.broadcast %get3A_23 : vector<1x128xf32> to vector<1000x128xf32>
    %add3A_25 = arith.addf %mul3A_20, %add3A_24 : vector<1000x128xf32>
    %ge3A = arith.constant 0.000000e+00 : f32
    %ge3A_26 = vector.broadcast %ge3A : f32 to vector<1000x128xf32>
    %ge3A_27 = arith.cmpf oge, %add3A_25, %ge3A_26 : vector<1000x128xf32>
    %mul3A_28 = arith.constant 0.00999999977 : f32
    %mul3A_29 = vector.broadcast %mul3A_28 : f32 to vector<1000x128xf32>
    %mul3A_30 = arith.mulf %mul3A_29, %add3A_25 : vector<1000x128xf32>
    %select_n3A = arith.select %ge3A_27, %add3A_25, %mul3A_30 : vector<1000x128xi1>, vector<1000x128xf32>
    %mul3A_31 = vector.broadcast %rsqrt3A : vector<1000x1xf32> to vector<1000x128xf32>
    %mul3A_32 = arith.mulf %select_n3A, %mul3A_31 : vector<1000x128xf32>
    %swap3A = arith.constant 0 : index
    %swap3A_33 = arith.constant 0 : index
    %swap3A_34 = vector.load %arg7[%swap3A, %swap3A_33] : memref<1000x128xf32, #tpu.memory_space<vmem>>, vector<1000x128xf32>
    tpu.vector_store %arg7[%swap3A, %swap3A_33], %mul3A_32 {strides = array<i32>} : memref<1000x128xf32, #tpu.memory_space<vmem>>, vector<1000x128xf32>,
    return
  }
  func.func @transform_0(%arg0: i32) -> (i32, i32) {
    %c0_i32 = arith.constant 0 : i32
    %c0_i32_0 = arith.constant 0 : i32
    return %arg0, %c0_i32 : i32, i32
  }
  func.func @transform_1(%arg0: i32) -> (i32, i32) {
    %c0_i32 = arith.constant 0 : i32
    %c0_i32_0 = arith.constant 0 : i32
    return %arg0, %c0_i32 : i32, i32
  }
  func.func @transform_2(%arg0: i32) -> (i32, i32) {
    %c0_i32 = arith.constant 0 : i32
    %c0_i32_0 = arith.constant 0 : i32
    return %arg0, %c0_i32 : i32, i32
  }
  func.func @transform_3(%arg0: i32) -> (i32, i32) {
    %c0_i32 = arith.constant 0 : i32
    %c0_i32_0 = arith.constant 0 : i32
    return %arg0, %c0_i32 : i32, i32
  }
  func.func @transform_4(%arg0: i32) -> (i32, i32) {
    %c0_i32 = arith.constant 0 : i32
    %c0_i32_0 = arith.constant 0 : i32
    return %arg0, %c0_i32 : i32, i32
  }
  func.func @transform_5(%arg0: i32) -> (i32, i32) {
    %c0_i32 = arith.constant 0 : i32
    %c0_i32_0 = arith.constant 0 : i32
    %c0_i32_1 = arith.constant 0 : i32
    return %c0_i32, %c0_i32_0 : i32, i32
  }
  func.func @transform_6(%arg0: i32) -> (i32, i32) {
    %c0_i32 = arith.constant 0 : i32
    %c0_i32_0 = arith.constant 0 : i32
    return %arg0, %c0_i32 : i32, i32
  }
}

module attributes {stable_mosaic.version = 14 : i64} {
  func.func @_stage_out_body(%arg0: i32, %arg1: memref<1000x128xf32, #tpu.memory_space<vmem>>, %arg2: memref<1000x128xf32, #tpu.memory_space<vmem>>, %arg3: memref<1000x128xf32, #tpu.memory_space<vmem>>, %arg4: memref<1000x8xf32, #tpu.memory_space<vmem>>, %arg5: memref<1000x8xf32, #tpu.memory_space<vmem>>, %arg6: memref<1x40xf32, #tpu.memory_space<vmem>>, %arg7: memref<128x40xf32, #tpu.memory_space<vmem>>, %arg8: memref<1000x40xf32, #tpu.memory_space<vmem>>) attributes {dimension_semantics = [#tpu.dimension_semantics<arbitrary>], iteration_bounds = array<i64: 10>, scalar_prefetch = 0 : i64, scratch_operands = 0 : i64, tpu.core_type = #tpu.core_type<tc>, window_params = [{transform_indices = @transform_0, window_bounds = array<i64: 1000, 128>}, {transform_indices = @transform_1, window_bounds = array<i64: 1000, 128>}, {transform_indices = @transform_2, window_bounds = array<i64: 1000, 128>}, {transform_indices = @transform_3, window_bounds = array<i64: 1000, 8>}, {transform_indices = @transform_4, window_bounds = array<i64: 1000, 8>}, {pipeline_mode = #tpu.pipeline_mode<synchronous>, transform_indices = @transform_5, window_bounds = array<i64: 1, 40>}, {pipeline_mode = #tpu.pipeline_mode<synchronous>, transform_indices = @transform_6, window_bounds = array<i64: 128, 40>}, {transform_indices = @transform_7, window_bounds = array<i64: 1000, 40>}]} {
    %get3A = arith.constant 0 : index
    %get3A_0 = arith.constant 0 : index
    %get3A_1 = vector.load %arg4[%get3A, %get3A_0] : memref<1000x8xf32, #tpu.memory_space<vmem>>, vector<1000x8xf32>
    %get3A_2 = arith.constant 0 : index
    %get3A_3 = arith.constant 0 : index
    %get3A_4 = vector.load %arg5[%get3A_2, %get3A_3] : memref<1000x8xf32, #tpu.memory_space<vmem>>, vector<1000x8xf32>
    %slice3A = vector.extract_strided_slice %get3A_1 {offsets = [0, 0], sizes = [1000, 1], strides = [1, 1]} : vector<1000x8xf32> to vector<1000x1xf32>
    %slice3A_5 = vector.extract_strided_slice %get3A_4 {offsets = [0, 0], sizes = [1000, 1], strides = [1, 1]} : vector<1000x8xf32> to vector<1000x1xf32>
    %add3A = arith.addf %slice3A, %slice3A_5 : vector<1000x1xf32>
    %add3A_6 = arith.constant 1.000000e+00 : f32
    %add3A_7 = vector.broadcast %add3A_6 : f32 to vector<1000x1xf32>
    %add3A_8 = arith.addf %add3A, %add3A_7 : vector<1000x1xf32>
    %rsqrt3A = math.rsqrt %add3A_8 : vector<1000x1xf32>
    %get3A_9 = arith.constant 0 : index
    %get3A_10 = arith.constant 0 : index
    %get3A_11 = vector.load %arg1[%get3A_9, %get3A_10] : memref<1000x128xf32, #tpu.memory_space<vmem>>, vector<1000x128xf32>
    %get3A_12 = arith.constant 0 : index
    %get3A_13 = arith.constant 0 : index
    %get3A_14 = vector.load %arg2[%get3A_12, %get3A_13] : memref<1000x128xf32, #tpu.memory_space<vmem>>, vector<1000x128xf32>
    %add3A_15 = arith.addf %get3A_11, %get3A_14 : vector<1000x128xf32>
    %get3A_16 = arith.constant 0 : index
    %get3A_17 = arith.constant 0 : index
    %get3A_18 = vector.load %arg3[%get3A_16, %get3A_17] : memref<1000x128xf32, #tpu.memory_space<vmem>>, vector<1000x128xf32>
    %add3A_19 = arith.addf %add3A_15, %get3A_18 : vector<1000x128xf32>
    %mul3A = vector.broadcast %rsqrt3A : vector<1000x1xf32> to vector<1000x128xf32>
    %mul3A_20 = arith.mulf %mul3A, %add3A_19 : vector<1000x128xf32>
    %get3A_21 = arith.constant 0 : index
    %get3A_22 = arith.constant 0 : index
    %get3A_23 = vector.load %arg7[%get3A_21, %get3A_22] : memref<128x40xf32, #tpu.memory_space<vmem>>, vector<128x40xf32>
    %dot_general3A = arith.constant dense<0.000000e+00> : vector<1000x40xf32>
    %dot_general3A_24 = tpu.matmul %mul3A_20, %get3A_23, %dot_general3A {dimension_numbers = #tpu.dot_dimension_numbers<[1], [0], [0], [1], [0, 0, 1, 1], [], []>, transpose_lhs_hint = false} : vector<1000x128xf32>, vector<128x40xf32>, vector<1000x40xf32> -> vector<1000x40xf32>
    %get3A_25 = arith.constant 0 : index
    %get3A_26 = arith.constant 0 : index
    %get3A_27 = vector.load %arg6[%get3A_25, %get3A_26] : memref<1x40xf32, #tpu.memory_space<vmem>>, vector<1x40xf32>
    %add3A_28 = vector.broadcast %get3A_27 : vector<1x40xf32> to vector<1000x40xf32>
    %add3A_29 = arith.addf %dot_general3A_24, %add3A_28 : vector<1000x40xf32>
    %reduce_max3A = arith.constant dense<0xFF800000> : vector<1000xf32>
    %reduce_max3A_30 = vector.multi_reduction <maximumf>, %add3A_29, %reduce_max3A [1] : vector<1000x40xf32> to vector<1000xf32>
    %broadcast_in_dim3A = vector.shape_cast %reduce_max3A_30 : vector<1000xf32> to vector<1000x1xf32>
    %sub3A = vector.broadcast %broadcast_in_dim3A : vector<1000x1xf32> to vector<1000x40xf32>
    %sub3A_31 = arith.subf %add3A_29, %sub3A : vector<1000x40xf32>
    %exp3A = math.exp %sub3A_31 : vector<1000x40xf32>
    %reduce_sum3A = arith.constant dense<0.000000e+00> : vector<1000xf32>
    %reduce_sum3A_32 = vector.multi_reduction <add>, %exp3A, %reduce_sum3A [1] : vector<1000x40xf32> to vector<1000xf32>
    %broadcast_in_dim3A_33 = vector.shape_cast %reduce_sum3A_32 : vector<1000xf32> to vector<1000x1xf32>
    %log3A = math.log %broadcast_in_dim3A_33 : vector<1000x1xf32>
    %add3A_34 = arith.addf %log3A, %broadcast_in_dim3A : vector<1000x1xf32>
    %sub3A_35 = vector.broadcast %add3A_34 : vector<1000x1xf32> to vector<1000x40xf32>
    %sub3A_36 = arith.subf %add3A_29, %sub3A_35 : vector<1000x40xf32>
    %swap3A = arith.constant 0 : index
    %swap3A_37 = arith.constant 0 : index
    %swap3A_38 = vector.load %arg8[%swap3A, %swap3A_37] : memref<1000x40xf32, #tpu.memory_space<vmem>>, vector<1000x40xf32>
    tpu.vector_store %arg8[%swap3A, %swap3A_37], %sub3A_36 {strides = array<i32>} : memref<1000x40xf32, #tpu.memory_space<vmem>>, vector<1000x40xf32>,
    return
  }
  func.func @transform_0(%arg0: i32) -> (i32, i32) {
    %c0_i32 = arith.constant 0 : i32
    %c0_i32_0 = arith.constant 0 : i32
    return %arg0, %c0_i32 : i32, i32
  }
  func.func @transform_1(%arg0: i32) -> (i32, i32) {
    %c0_i32 = arith.constant 0 : i32
    %c0_i32_0 = arith.constant 0 : i32
    return %arg0, %c0_i32 : i32, i32
  }
  func.func @transform_2(%arg0: i32) -> (i32, i32) {
    %c0_i32 = arith.constant 0 : i32
    %c0_i32_0 = arith.constant 0 : i32
    return %arg0, %c0_i32 : i32, i32
  }
  func.func @transform_3(%arg0: i32) -> (i32, i32) {
    %c0_i32 = arith.constant 0 : i32
    %c0_i32_0 = arith.constant 0 : i32
    return %arg0, %c0_i32 : i32, i32
  }
  func.func @transform_4(%arg0: i32) -> (i32, i32) {
    %c0_i32 = arith.constant 0 : i32
    %c0_i32_0 = arith.constant 0 : i32
    return %arg0, %c0_i32 : i32, i32
  }
  func.func @transform_5(%arg0: i32) -> (i32, i32) {
    %c0_i32 = arith.constant 0 : i32
    %c0_i32_0 = arith.constant 0 : i32
    %c0_i32_1 = arith.constant 0 : i32
    return %c0_i32, %c0_i32_0 : i32, i32
  }
  func.func @transform_6(%arg0: i32) -> (i32, i32) {
    %c0_i32 = arith.constant 0 : i32
    %c0_i32_0 = arith.constant 0 : i32
    %c0_i32_1 = arith.constant 0 : i32
    return %c0_i32, %c0_i32_0 : i32, i32
  }
  func.func @transform_7(%arg0: i32) -> (i32, i32) {
    %c0_i32 = arith.constant 0 : i32
    %c0_i32_0 = arith.constant 0 : i32
    return %arg0, %c0_i32 : i32, i32
  }
}

</mosaic_0001>

<sc_bundles>
// kernel: kernel.10.cloned.1.call-start
scs
__scs_entry_jumppad:
0x0: {  	(pc) =	sbr.rel $0x88, $3  }
0x1: {  	(tag) =	ssettag $0x0;
	lr =	simm.s32 $0x1  }
0x2: {  	[smem:$0x3F99] =	sst lr;
	_ =	strace $0xD0000000  }
0x3: {  	_ = 	snop  }
0x4: {  	_ = 	snop  }
0x5: {  	_ = 	snop  }
0x6: {  	_ = 	snop  }
0x7: {  	_ = 	snop  }
__scs_overlays_trampoline_lowered:
0x8: {  	[smem:$0x3FA8] =	sst s0  }
0x9: {  	[smem:$0x3FA9] =	sst s1  }
0xa: {  	[smem:$0x3FAA] =	sst s2  }
0xb: {  	[smem:$0x3FAB] =	sst s3  }
0xc: {  	[smem:$0x3FAC] =	sst s4  }
0xd: {  	[smem:$0x3FAD] =	sst s5  }
0xe: {  	[smem:$0x3FAE] =	sst s6  }
0xf: {  	[smem:$0x3FAF] =	sst s7  }
0x10: {  	[smem:$0x3FB0] =	sst s8  }
0x11: {  	[smem:$0x3FB1] =	sst s9;
	s0 =	simm.s32 @!p0 $0x0  }
0x12: {  	s1 =	sld [smem:$0x3F97];
	s0 =	simm.s32 @p0 $0x1  }
0x13: {  	[smem:$0x3FB2] =	sst s0;
	s0 =	simm.s32 @!p1 $0x0  }
0x14: {  	s2 =	sld [smem:$0x3F96];
	s0 =	simm.s32 @p1 $0x1  }
0x15: {  	[smem:$0x3FB3] =	sst s0;
	s0 =	simm.s32 @!p2 $0x0  }
0x16: {  	s3 =	sld [smem:$0x3FDB];
	s0 =	simm.s32 @p2 $0x1  }
0x17: {  	s4 =	simm.s32 $0x1BF5;
	[smem:$0x3FB5] =	sst s0  }
0x18: {  	s0 =	sld [smem:$0x3F98];
	_ =	swait.ge [sflag:s4], $0x0  }
0x19: {  	s7 =	sld [smem:$0x3F99]  }
0x1a: {  	s8 =	sadd.s32 $0xFFFFE003, lr  }
0x1b: {  	s9 =	sadd.s32 $0xFFFFFEF7, lr;
	s5 =	simm.s32 $0xFFFFFFFF;
	p2 =	slt.u32 s8, $0xFFFFF086  }
0x1c: {  	p1 =	slt.u32 s9, $0xF7A;
	s5 =	simm.s32 @!p2 $0x0  }
0x1d: {  	s5 =	simm.s32 @p1 $0x1;
	p0 =	seq.s32 s7, s2  }
0x1e: {  	s7 =	smul.u32 @!p0 $0xF7A, s2;
	p2 =	seq.s32 @!p0 s5, $0x0  }
0x1f: {  	s9 =	smul.u32 $0xF7A, s1;
	s8 =	simm.s32 @!p0 $0x1BF5;
	p2 =	por !p2, p0  }
0x20: {  	[sflag:s8] =	ssyncset.s32 @!p0 $0xFFFFF086;
	s6 =	sadd.s32 @!p0 s3, s7;
	s7 =	simm.s32 @!p0 $0x108  }
0x21: {  	s3 =	sadd.s32 s3, s9;
	s6 =	sadd.s32 @!p0 $0x88, s6;
	s7 =	simm.s32 @p2 $0x1082  }
0x22: {  	[simem:s7], [sflag:s8] =	dma.local @!p0 [hbm:s6], $0xF7A  }
0x23: {  	s9 =	sor.u32 $0xD0000000, s2;
	s6 =	simm.s32 $0x108;
	_ =	swait.ge @!p0 [sflag:s8], $0x0  }
0x24: {  	s3 =	sadd.s32 $0x88, s3;
	s6 =	simm.s32 @!p1 $0x1082;
	[sflag:s4] =	ssyncset.s32 $0xFFFFF086  }
0x25: {  	[simem:s6], [sflag:s4] =	dma.local [hbm:s3], $0xF7A  }
0x26: {  	[smem:$0x3F99] =	sst s1;
	(tag) =	ssettag s2;
	_ =	strace s9  }
0x27: {  	s1 =	sld [smem:$0x3FA9]  }
0x28: {  	s2 =	sld [smem:$0x3FAA]  }
0x29: {  	s4 =	sld [smem:$0x3FAC]  }
0x2a: {  	p0 =	seq.s32 s5, $0x0;
	s5 =	sld [smem:$0x3FAD]  }
0x2b: {  	s6 =	sld [smem:$0x3FAE]  }
0x2c: {  	s7 =	sld [smem:$0x3FAF]  }
0x2d: {  	s3 =	simm.s32 $0x108;
	s8 =	sld [smem:$0x3FB0]  }
0x2e: {  	s3 =	simm.s32 @!p0 $0x1082;
	s9 =	sld [smem:$0x3FB1]  }
0x2f: {  	lr =	sadd.s32 s0, s3;
	s0 =	sld [smem:$0x3FA8]  }
0x30: {  	s3 =	sld [smem:$0x3FAB]  }
0x31: {  	[smem:$0x3FB4] =	sst s10  }
0x32: {  	s10 =	sld [smem:$0x3FB2];
	_ =	sdelay $0x3  }
0x33: {  	p0 =	seq.s32 s10, $0x1;
	s10 =	sld [smem:$0x3FB4];
	_ =	sdelay $0x3  }
0x34: {  	[smem:$0x3FB4] =	sst s10  }
0x35: {  	s10 =	sld [smem:$0x3FB3];
	_ =	sdelay $0x3  }
0x36: {  	p1 =	seq.s32 s10, $0x1;
	s10 =	sld [smem:$0x3FB4];
	_ =	sdelay $0x3  }
0x37: {  	[smem:$0x3FB4] =	sst s10  }
0x38: {  	s10 =	sld [smem:$0x3FB5]  }
0x39: {  	_ = 	snop;
	(pc) =	sbr.ind lr, $3  }
0x3a: {  	_ = 	snop  }
0x3b: {  	_ = 	snop  }
0x3c: {  	p2 =	seq.s32 s10, $0x1;
	s10 =	sld [smem:$0x3FB4]  }
0x3d: {  	_ =	shalt  }
0x3e: {  	_ =	shalt  }
0x3f: {  	_ =	shalt  }
0x40: {  	_ =	shalt  }
0x41: {  	_ =	shalt  }
0x42: {  	_ =	shalt  }
0x43: {  	_ =	shalt  }
0x44: {  	_ =	shalt  }
0x45: {  	_ =	shalt  }
0x46: {  	_ =	shalt  }
0x47: {  	_ =	shalt  }
0x48: {  	_ =	shalt  }
0x49: {  	_ =	shalt  }
0x4a: {  	_ =	shalt  }
0x4b: {  	_ =	shalt  }
0x4c: {  	_ =	shalt  }
0x4d: {  	_ =	shalt  }
0x4e: {  	_ =	shalt  }
0x4f: {  	_ =	shalt  }
0x50: {  	_ =	shalt  }
0x51: {  	_ =	shalt  }
0x52: {  	_ =	shalt  }
0x53: {  	_ =	shalt  }
0x54: {  	_ =	shalt  }
0x55: {  	_ =	shalt  }
0x56: {  	_ =	shalt  }
0x57: {  	_ =	shalt  }
0x58: {  	_ =	shalt  }
0x59: {  	_ =	shalt  }
0x5a: {  	_ =	shalt  }
0x5b: {  	_ =	shalt  }
0x5c: {  	_ =	shalt  }
0x5d: {  	_ =	shalt  }
0x5e: {  	_ =	shalt  }
0x5f: {  	_ =	shalt  }
0x60: {  	_ =	shalt  }
0x61: {  	_ =	shalt  }
0x62: {  	_ =	shalt  }
0x63: {  	_ =	shalt  }
0x64: {  	_ =	shalt  }
0x65: {  	_ =	shalt  }
0x66: {  	_ =	shalt  }
0x67: {  	_ =	shalt  }
0x68: {  	_ =	shalt  }
0x69: {  	_ =	shalt  }
0x6a: {  	_ =	shalt  }
0x6b: {  	_ =	shalt  }
0x6c: {  	_ =	shalt  }
0x6d: {  	_ =	shalt  }
0x6e: {  	_ =	shalt  }
0x6f: {  	_ =	shalt  }
0x70: {  	_ =	shalt  }
0x71: {  	_ =	shalt  }
0x72: {  	_ =	shalt  }
0x73: {  	_ =	shalt  }
0x74: {  	_ =	shalt  }
0x75: {  	_ =	shalt  }
0x76: {  	_ =	shalt  }
0x77: {  	_ =	shalt  }
0x78: {  	_ =	shalt  }
0x79: {  	_ =	shalt  }
0x7a: {  	_ =	shalt  }
0x7b: {  	_ =	shalt  }
0x7c: {  	_ =	shalt  }
0x7d: {  	_ =	shalt  }
0x7e: {  	_ =	shalt  }
0x7f: {  	_ =	shalt  }
0x80: {  	_ =	shalt  }
0x81: {  	_ =	shalt  }
0x82: {  	_ =	shalt  }
0x83: {  	_ =	shalt  }
0x84: {  	_ =	shalt  }
0x85: {  	_ =	shalt  }
0x86: {  	_ =	shalt  }
0x87: {  	_ =	shalt  }
.Lfunc_end0:
.L_simem_size_0:
called_computation_lowered:
.L_overlay_start_0:
0x88: {  	s2 =	sld [smem:$0x3FD9]  }
0x89: {  	s3 =	sld [smem:$0x3FFE];
	_ =	sdelay $0x1  }
0x8a: {  	s1 =	srdreg.scid  }
0x8b: {  	s0 =	sand.u32 $0x1, s1  }
0x8c: {  	s16 =	sshll.u32 s0, $0xA;
	s2 =	sadd.s32 s3, s2  }
0x8d: {  	s2 =	sadd.s32 s2, s16  }
0x8e: {  	[smem:$0x3FC0] =	sst s2  }
0x8f: {  	_ = 	snop  }
0x90: {  	(tm) =	ssettm $0x1  }
0x91: {  	s17 =	sld [smem:$0x3FFB];
	_ =	sdelay $0x3  }
0x92: {  	_ =	strace s17  }
0x93: {  	s2 =	sld [smem:$0x3FFC];
	_ =	sdelay $0x3  }
0x94: {  	_ =	strace s2  }
0x95: {  	s2 =	sld [smem:$0x3FFD];
	_ =	sdelay $0x3  }
0x96: {  	_ =	strace s2  }
0x97: {  	_ =	strace $0x8FFFFFFF  }
0x98: {  	s18 =	sld [smem:$0x3FDB];
	_ =	sdelay $0x1  }
0x99: {  	s19 =	simm.s32 $_scs_section_size  }
0x9a: {  	s4 =	simm.s32 $_size__tile_overlayer_lowered;
	s5 =	simm.s32 $_tile_overlayer_lowered  }
0x9b: {  	s22 =	simm.s32 $0x1BFF;
	s21 =	sshll.u32 s5, $0x1;
	s2 =	sadd.s32 s19, s18  }
0x9c: {  	s6 =	simm.s32 $0x0;
	s20 =	sshll.u32 s4, $0x1;
	s4 =	sadd.s32 s21, s2  }
0x9d: {  	[timem:s6], [sflag:s22] =	dma.local [hbm:s4], s20  }
0x9e: {  	_ =	swait.ge [sflag:s22], s20  }
0x9f: {  	s3 =	ssub.s32 $0x0, s20;
	[sflag:s22] =	ssyncset.done $0x0  }
0xa0: {  	[sflag:s22] =	ssyncadd.s32 s3;
	_ =	sdelay $0x1  }
0xa1: {  	s23 =	simm.s32 $0x1B8B  }
0xa2: {  	_ =	swait.ge [sflag:s23], $0x1  }
0xa3: {  	[sflag:s23] =	ssyncset.done $0x0  }
0xa4: {  	s25 =	simm.s32 $0x1B8E;
	s24 =	sld [smem:$0x3FFE];
	[sflag:s23] =	ssyncadd.s32 $0xFFFFFFFF  }
0xa5: {  	s26 =	simm.s32 $execute0_lowered;
	[smem:$0x3FD2] =	sst s25  }
0xa6: {  	s4 =	sshll.u32 s26, $0x1;
	_ =	strace $0x80000046;
	[dreg:$0x1] =	wrdreg $0xFFFFFFFF  }
0xa7: {  	s28 =	simm.s32 $_size_execute0_lowered;
	s2 =	sadd.s32 s2, s4;
	[dreg:$0x0] =	wrdreg $0x0  }
0xa8: {  	s4 =	sshll.u32 s28, $0x1;
	[dreg:$0x2] =	wrdreg s2  }
0xa9: {  	[dreg:$0x3] =	wrdreg s4  }
0xaa: {  	[dreg:$0x4] =	wrdreg $0xC0  }
0xab: {  	_ =	task [dreg:s6], $0x5FFFF  }
0xac: {  	[dreg:$0x1] =	wrdreg $0xFFFFFFFF  }
0xad: {  	[dreg:$0x0] =	wrdreg $0x60  }
0xae: {  	[dreg:$0x2] =	wrdreg s24  }
0xaf: {  	[dreg:$0x3] =	wrdreg $0x4F800  }
0xb0: {  	[dreg:$0x4] =	wrdreg $0x9  }
0xb1: {  	_ =	task.clear_ibuf [dreg:s6], $0x5FFFF;
	_ =	strace $0x90000046  }
0xb2: {  	s29 =	simm.s32 $0x9;
	_ =	strace $0x80000048  }
0xb3: {  	_ =	swait.ge [sflag:s29], $0x1  }
0xb4: {  	[sflag:s29] =	ssyncadd.s32 $0xFFFFFFFF  }
0xb5: {  	_ =	strace $0x90000048  }
0xb6: {  	_ =	sfence  }
0xb7: {  	s30 =	sld [smem:$0x0];
	_ =	sdelay $0x2  }
0xb8: {  	s31 =	sshll.u32 s1, $0xD;
	s1 =	sshrl.u32 s1, $0x2  }
0xb9: {  	s3 =	sand.u32 $0x4000, s31;
	s1 =	sadd.s32 s1, s30  }
0xba: {  	s0 =	sor.u32 s3, s0;
	s1 =	sshll.u32 s1, $0x11  }
0xbb: {  	s0 =	sor.u32 s1, s0  }
0xbc: {  	s0 =	sadd.s32 $0x8F2B, s0  }
0xbd: {  	[sflag:s0] =	ssyncadd.remote.s32 $0x1  }
0xbe: {  	_ =	sfence.sel $0xFFFF  }
0xbf: {  	[dreg:$0x0] =	wrdreg $0xFFFFFFFF;
	(pc) =	sbr.abs _section_cstart, $3  }
0xc0: {  	[dreg:$0x1] =	wrdreg $0xFFFFFFFF  }
0xc1: {  	_ =	task.clear_ibuf [dreg:s6], $0x2FFFF;
	_ =	strace $0x9FFFFFFF  }
0xc2: {  	(tm) =	ssettm $0x7FFFFFFF  }
0xc3: {  	_ =	shalt  }
tec
execute0_lowered:
.L_overlay_start_1:
0x0: {  	(tag) =	ssettag $0x1  }
0x1: {  	s0 =	srdreg.scid;
	s1 =	rddreg [dreg:$0x0]  }
0x2: {  	s10 =	stileid.u32;
	s2 =	rddreg [dreg:$0x1];
	s16 =	simm.s32 $0x2780  }
0x3: {  	s17 =	simm.s32 $0x4;
	s18 =	simm.s32 $0x2;
	s19 =	simm.s32 $0x3  }
0x4: {  	s20 =	simm.s32 $0x50;
	s28 =	simm.s32 $0x280;
	s29 =	simm.s32 $0x2D0  }
0x5: {  	s30 =	simm.s32 $0x320;
	s31 =	simm.s32 $0x370;
	s21 =	simm.s32 $0x460  }
0x6: {  	s22 =	simm.s32 $0x4B0;
	s23 =	simm.s32 $0x1;
	s6 =	smul.u32 $0x2800, s10  }
0x7: {  	s24 =	simm.s32 $0x0;
	s0 =	sand.u32 $0x1, s0;
	s9 =	smul.u32 $0x50000, s10  }
0x8: {  	s5 =	sadd.s32 $0xE400, s1;
	s3 =	sshll.u32 s0, $0x4;
	s8 =	smul.u32 $0x28000, s0  }
0x9: {  	s0 =	ssub.s32 $0x2, s0;
	s4 =	sor.u32 s10, s3;
	s3 =	simm.s32 $0x0  }
0xa: {  	s25 =	sshrl.u32 s0, $0x1;
	s26 =	sshrl.u32 s9, $0x2;
	s4 =	smul.u32 $0x4E2, s4  }
0xb: {  	[smem:$0x7FF] =	sst s3;
	s6 =	sadd.s32 s6, s8;
	s11 =	sadd.s32 s26, s2  }
0xc: {  	s0 =	ssub.s32 s0, s25;
	_ =	strace $0x80000047;
	s12 =	sadd.s32 $0x4000, s11  }
0xd: {  	s13 =	sadd.s32 $0x8000, s11;
	s14 =	sadd.s32 $0xC000, s11;
	s15 =	sadd.s32 $0x10000, s11  }
0xe: {  	s11 =	sshrl.u32 s11, $0x3;
	s7 =	sadd.s32 s4, s1;
	s4 =	sadd.s32 $0xEC00, s1  }
0xf: {  	s1 =	sadd.s32 s6, s1;
	s12 =	sshrl.u32 s12, $0x3;
	s13 =	sshrl.u32 s13, $0x3  }
0x10: {  	s14 =	sshrl.u32 s14, $0x3;
	s15 =	sshrl.u32 s15, $0x3;
	s6 =	sadd.s32 $0x4600, s7  }
0x11: {  	s7 =	sshll.u32 s10, $0x6;
	s9 =	sadd.s32 $0xF200, s1;
	s10 =	smax.u32 s0, $0x1  }
0x12: {  	s1 =	simm.s32 $0x3C0;
	s0 =	simm.s32 $0x410;
	s8 =	sor.u32 $0x1C03, s7  }
.LBB2_1:
0x13: {  	[tilespmem:s3], [sflag:$0x2] =	stream.linear.gather [hbm4b:s6+s3], $0x2710, $0x38;
	[tilespmem:$0x18F80] =	vst v63  }
0x14: {  	[spmem:s11], [sflag:s8] =	dma.local [hbm:s5], $0x800  }
0x15: {  	[spmem:s12], [sflag:s8] =	dma.local [hbm:s5], $0x800  }
0x16: {  	[spmem:s13], [sflag:s8] =	dma.local [hbm:s5], $0x800  }
0x17: {  	[spmem:s14], [sflag:s8] =	dma.local [hbm:s5], $0x800  }
0x18: {  	[spmem:s15], [sflag:s8] =	dma.local [hbm:s5], $0x800  }
0x19: {  	[tilespmem:s16], [sflag:$0x4] =	stream.linear.gather [hbm4b:s4+s3], $0x2800, $0x38;
	[tilespmem:$0x18F80] =	vst v63  }
0x1a: {  	_ =	swait.ge [sflag:s17], $0x2800  }
0x1b: {  	[sflag:s17] =	ssyncset.done $0x0  }
0x1c: {  	[sflag:s17] =	ssyncadd.s32 $0xFFFFD800  }
0x1d: {  	_ =	swait.ge [sflag:s18], $0x2710  }
0x1e: {  	[sflag:s18] =	ssyncset.done $0x0  }
0x1f: {  	[sflag:s18] =	ssyncadd.s32 $0xFFFFD8F0  }
0x20: {  	_ =	swait.ge [sflag:s19], $0x800  }
0x21: {  	[sflag:s19] =	ssyncset.done $0x0  }
0x22: {  	[sflag:s19] =	ssyncadd.s32 $0xFFFFF800  }
0x23: {  	_ =	swait.ge [sflag:s19], $0x800  }
0x24: {  	[sflag:s19] =	ssyncset.done $0x0  }
0x25: {  	[sflag:s19] =	ssyncadd.s32 $0xFFFFF800  }
0x26: {  	_ =	swait.ge [sflag:s19], $0x800  }
0x27: {  	[sflag:s19] =	ssyncset.done $0x0  }
0x28: {  	[sflag:s19] =	ssyncadd.s32 $0xFFFFF800  }
0x29: {  	_ =	swait.ge [sflag:s19], $0x800  }
0x2a: {  	[sflag:s19] =	ssyncset.done $0x0  }
0x2b: {  	[sflag:s19] =	ssyncadd.s32 $0xFFFFF800  }
0x2c: {  	_ =	swait.ge [sflag:s19], $0x800  }
0x2d: {  	[sflag:s19] =	ssyncset.done $0x0  }
0x2e: {  	[sflag:s19] =	ssyncadd.s32 $0xFFFFF800  }
0x2f: {  	[bflag:$0x0] =	sbarrier.arrive $0xFFFF  }
0x30: {  	[spmem:s2] =	stream.indirect.scatter.add.f32 [tilespmem:s16], [sflag:$0x1], $0x80, s3, s20, $0xb8;
	[tilespmem:$0x18F80] =	vst v63  }
0x31: {  	_ = 	snop  }
0x32: {  	[spmem:s2] =	stream.indirect.scatter.add.f32 [tilespmem:s16], [sflag:$0x1], $0x80, s20, s20, $0xb8;
	[tilespmem:$0x18F80] =	vst v63  }
0x33: {  	s25 =	simm.s32 $0xA0  }
0x34: {  	[spmem:s2] =	stream.indirect.scatter.add.f32 [tilespmem:s16], [sflag:$0x1], $0x80, s25, s20, $0xb8;
	[tilespmem:$0x18F80] =	vst v63  }
0x35: {  	s26 =	simm.s32 $0xF0  }
0x36: {  	[spmem:s2] =	stream.indirect.scatter.add.f32 [tilespmem:s16], [sflag:$0x1], $0x80, s26, s20, $0xb8;
	[tilespmem:$0x18F80] =	vst v63  }
0x37: {  	s26 =	simm.s32 $0x140  }
0x38: {  	[spmem:s2] =	stream.indirect.scatter.add.f32 [tilespmem:s16], [sflag:$0x1], $0x80, s26, s20, $0xb8;
	[tilespmem:$0x18F80] =	vst v63  }
0x39: {  	s26 =	simm.s32 $0x190  }
0x3a: {  	[spmem:s2] =	stream.indirect.scatter.add.f32 [tilespmem:s16], [sflag:$0x1], $0x80, s26, s20, $0xb8;
	[tilespmem:$0x18F80] =	vst v63  }
0x3b: {  	s26 =	simm.s32 $0x1E0  }
0x3c: {  	[spmem:s2] =	stream.indirect.scatter.add.f32 [tilespmem:s16], [sflag:$0x1], $0x80, s26, s20, $0xb8;
	[tilespmem:$0x18F80] =	vst v63  }
0x3d: {  	s26 =	simm.s32 $0x230  }
0x3e: {  	[spmem:s2] =	stream.indirect.scatter.add.f32 [tilespmem:s16], [sflag:$0x1], $0x80, s26, s20, $0xb8;
	[tilespmem:$0x18F80] =	vst v63  }
0x3f: {  	_ = 	snop  }
0x40: {  	[spmem:s2] =	stream.indirect.scatter.add.f32 [tilespmem:s16], [sflag:$0x1], $0x80, s28, s20, $0xb8;
	[tilespmem:$0x18F80] =	vst v63  }
0x41: {  	_ = 	snop  }
0x42: {  	[spmem:s2] =	stream.indirect.scatter.add.f32 [tilespmem:s16], [sflag:$0x1], $0x80, s29, s20, $0xb8;
	[tilespmem:$0x18F80] =	vst v63  }
0x43: {  	_ = 	snop  }
0x44: {  	[spmem:s2] =	stream.indirect.scatter.add.f32 [tilespmem:s16], [sflag:$0x1], $0x80, s30, s20, $0xb8;
	[tilespmem:$0x18F80] =	vst v63  }
0x45: {  	_ = 	snop  }
0x46: {  	[spmem:s2] =	stream.indirect.scatter.add.f32 [tilespmem:s16], [sflag:$0x1], $0x80, s31, s20, $0xb8;
	[tilespmem:$0x18F80] =	vst v63  }
0x47: {  	_ = 	snop  }
0x48: {  	[spmem:s2] =	stream.indirect.scatter.add.f32 [tilespmem:s16], [sflag:$0x1], $0x80, s1, s20, $0xb8;
	[tilespmem:$0x18F80] =	vst v63  }
0x49: {  	_ = 	snop  }
0x4a: {  	[spmem:s2] =	stream.indirect.scatter.add.f32 [tilespmem:s16], [sflag:$0x1], $0x80, s0, s20, $0xb8;
	[tilespmem:$0x18F80] =	vst v63  }
0x4b: {  	_ = 	snop  }
0x4c: {  	[spmem:s2] =	stream.indirect.scatter.add.f32 [tilespmem:s16], [sflag:$0x1], $0x80, s21, s20, $0xb8;
	[tilespmem:$0x18F80] =	vst v63  }
0x4d: {  	_ = 	snop  }
0x4e: {  	[spmem:s2] =	stream.indirect.scatter.add.f32 [tilespmem:s16], [sflag:$0x1], $0x80, s22, s20, $0xb8;
	[tilespmem:$0x18F80] =	vst v63  }
0x4f: {  	_ =	swait.ge [sflag:s23], $0x2800  }
0x50: {  	[sflag:s23] =	ssyncset.done $0x0  }
0x51: {  	s25 =	simm.s32 $0x1540;
	s26 =	simm.s32 $0x500;
	[sflag:s23] =	ssyncadd.s32 $0xFFFFD800  }
.LBB2_2:
0x52: {  	[spmem:s2] =	stream.indirect.scatter.add.f32 [tilespmem:s16], [sflag:$0x1], $0x80, s26, s20, $0xb8;
	[tilespmem:$0x18F80] =	vst v63  }
0x53: {  	s26 =	smov.u32 s25;
	p0 =	sne.s32 s25, $0x9B00  }
.Ltmp0:
0x54: {  	s25 =	sadd.s32 $0x140, s25;
	(pc) =	sbr.rel @p0 .LBB2_2-.Ltmp0, $4  }
0x55: {  	_ = 	snop  }
0x56: {  	_ =	swait.ge [sflag:s23], $0x2800  }
0x57: {  	[sflag:s23] =	ssyncset.done $0x0  }
0x58: {  	s26 =	sshra.s32 s26, $0x2;
	[sflag:s23] =	ssyncadd.s32 $0xFFFFD800  }
0x59: {  	[spmem:s2] =	stream.indirect.scatter.add.f32 [tilespmem:s16], [sflag:$0x1], $0x80, s26, s20, $0xb8;
	[tilespmem:$0x18F80] =	vst v63  }
0x5a: {  	_ =	swait.ge [sflag:s23], $0x2800  }
0x5b: {  	[sflag:s23] =	ssyncset.done $0x0  }
0x5c: {  	[sflag:s23] =	ssyncadd.s32 $0xFFFFD800  }
0x5d: {  	_ =	swait.ge [sflag:s23], $0x2800  }
0x5e: {  	[sflag:s23] =	ssyncset.done $0x0  }
0x5f: {  	[sflag:s23] =	ssyncadd.s32 $0xFFFFD800  }
0x60: {  	_ =	swait.ge [sflag:s23], $0x2800  }
0x61: {  	[sflag:s23] =	ssyncset.done $0x0  }
0x62: {  	[sflag:s23] =	ssyncadd.s32 $0xFFFFD800  }
0x63: {  	_ =	swait.ge [sflag:s23], $0x2800  }
0x64: {  	[sflag:s23] =	ssyncset.done $0x0  }
0x65: {  	[sflag:s23] =	ssyncadd.s32 $0xFFFFD800  }
0x66: {  	_ =	swait.ge [sflag:s23], $0x2800  }
0x67: {  	[sflag:s23] =	ssyncset.done $0x0  }
0x68: {  	[sflag:s23] =	ssyncadd.s32 $0xFFFFD800  }
0x69: {  	_ =	swait.ge [sflag:s23], $0x2800  }
0x6a: {  	[sflag:s23] =	ssyncset.done $0x0  }
0x6b: {  	[sflag:s23] =	ssyncadd.s32 $0xFFFFD800  }
0x6c: {  	_ =	swait.ge [sflag:s23], $0x2800  }
0x6d: {  	[sflag:s23] =	ssyncset.done $0x0  }
0x6e: {  	[sflag:s23] =	ssyncadd.s32 $0xFFFFD800  }
0x6f: {  	_ =	swait.ge [sflag:s23], $0x2800  }
0x70: {  	[sflag:s23] =	ssyncset.done $0x0  }
0x71: {  	[sflag:s23] =	ssyncadd.s32 $0xFFFFD800  }
0x72: {  	_ =	swait.ge [sflag:s23], $0x2800  }
0x73: {  	[sflag:s23] =	ssyncset.done $0x0  }
0x74: {  	[sflag:s23] =	ssyncadd.s32 $0xFFFFD800  }
0x75: {  	_ =	swait.ge [sflag:s23], $0x2800  }
0x76: {  	[sflag:s23] =	ssyncset.done $0x0  }
0x77: {  	[sflag:s23] =	ssyncadd.s32 $0xFFFFD800  }
0x78: {  	_ =	swait.ge [sflag:s23], $0x2800  }
0x79: {  	[sflag:s23] =	ssyncset.done $0x0  }
0x7a: {  	[sflag:s23] =	ssyncadd.s32 $0xFFFFD800  }
0x7b: {  	_ =	swait.ge [sflag:s23], $0x2800  }
0x7c: {  	[sflag:s23] =	ssyncset.done $0x0  }
0x7d: {  	[sflag:s23] =	ssyncadd.s32 $0xFFFFD800  }
0x7e: {  	_ =	swait.ge [sflag:s23], $0x2800  }
0x7f: {  	[sflag:s23] =	ssyncset.done $0x0  }
0x80: {  	[sflag:s23] =	ssyncadd.s32 $0xFFFFD800  }
0x81: {  	_ =	swait.ge [sflag:s23], $0x2800  }
0x82: {  	[sflag:s23] =	ssyncset.done $0x0  }
0x83: {  	[sflag:s23] =	ssyncadd.s32 $0xFFFFD800  }
0x84: {  	_ =	swait.ge [sflag:s23], $0x2800  }
0x85: {  	[sflag:s23] =	ssyncset.done $0x0  }
0x86: {  	[sflag:s23] =	ssyncadd.s32 $0xFFFFD800  }
0x87: {  	_ =	swait.ge [sflag:s23], $0x2800  }
0x88: {  	s24 =	sadd.s32 $0x1, s24;
	[sflag:s23] =	ssyncset.done $0x0  }
0x89: {  	p0 =	sne.s32 s24, s10;
	[sflag:s23] =	ssyncadd.s32 $0xFFFFD800  }
.Ltmp1:
0x8a: {  	s25 =	sor.u32 $0x1C04, s7;
	[bflag:$0x0] =	sbarrier.arrive $0xFFFF;
	(pc) =	sbr.rel @p0 .LBB2_1-.Ltmp1, $4  }
0x8b: {  	[hbm:s9], [sflag:s25] =	dma.local [spmem:s11], $0x2800  }
0x8c: {  	_ =	swait.ge [sflag:s17], $0x2800  }
0x8d: {  	[sflag:s17] =	ssyncset.done $0x0  }
0x8e: {  	[sflag:s17] =	ssyncadd.s32 $0xFFFFD800  }
0x8f: {  	_ =	sfence.sel $0x180000  }
0x90: {  	[bflag:$0x0] =	sbarrier.arrive $0xFFFF  }
0x91: {  	_ =	strace $0x90000047  }
0x92: {  	s0 =	stileid.u32;
	[bflag:$0x2] =	sbarrier.arrive $0xFFFF  }
0x93: {  	p0 =	sne.s32 s0, $0x0;
	s0 =	rddreg [dreg:$0x2]  }
0x94: {  	s0 =	sadd.s32 @!p0 $0x100000, s0  }
0x95: {  	[sflag:s0] =	ssyncadd.tile.s32 @!p0 $0x1;
	_ =	shalt  }
.Lfunc_end2:
_tile_overlayer_lowered:
.L_overlay_start_2:
0x96: {  	(tag) =	ssettag $0x2  }
0x97: {  	s0 =	rddreg [dreg:$0x0];
	s2 =	stileid.u32  }
0x98: {  	s1 =	rddreg [dreg:$0x1];
	p0 =	sne.s32 s2, $0x0  }
0x99: {  	s3 =	rddreg [dreg:$0x2];
	[bflag:$0x3] =	sbarrier.arrive $0xFFFF;
	s2 =	simm.s32 @!p0 $0x1C04  }
0x9a: {  	[timem:s3], [sflag:s2] =	dma.local @!p0 [hbm:s0], s1  }
0x9b: {  	s0 =	simm.s32 @!p0 $0x4  }
0x9c: {  	_ =	swait.ge @!p0 [sflag:s0], s1  }
0x9d: {  	s1 =	ssub.s32 @!p0 $0x0, s1;
	[sflag:s0] =	ssyncset.done @!p0 $0x0  }
0x9e: {  	[sflag:s0] =	ssyncadd.s32 @!p0 s1  }
0x9f: {  	[bflag:$0x3] =	sbarrier.arrive $0xFFFF  }
0xa0: {  	_ =	shalt  }

// kernel: kernel.13.cloned.1.call-start
scs
__scs_entry_jumppad:
0x0: {  	(pc) =	sbr.rel $0x88, $3  }
0x1: {  	(tag) =	ssettag $0x0;
	lr =	simm.s32 $0x1  }
0x2: {  	[smem:$0x3F99] =	sst lr;
	_ =	strace $0xD0000000  }
0x3: {  	_ = 	snop  }
0x4: {  	_ = 	snop  }
0x5: {  	_ = 	snop  }
0x6: {  	_ = 	snop  }
0x7: {  	_ = 	snop  }
__scs_overlays_trampoline_lowered:
0x8: {  	[smem:$0x3FA8] =	sst s0  }
0x9: {  	[smem:$0x3FA9] =	sst s1  }
0xa: {  	[smem:$0x3FAA] =	sst s2  }
0xb: {  	[smem:$0x3FAB] =	sst s3  }
0xc: {  	[smem:$0x3FAC] =	sst s4  }
0xd: {  	[smem:$0x3FAD] =	sst s5  }
0xe: {  	[smem:$0x3FAE] =	sst s6  }
0xf: {  	[smem:$0x3FAF] =	sst s7  }
0x10: {  	[smem:$0x3FB0] =	sst s8  }
0x11: {  	[smem:$0x3FB1] =	sst s9;
	s0 =	simm.s32 @!p0 $0x0  }
0x12: {  	s1 =	sld [smem:$0x3F97];
	s0 =	simm.s32 @p0 $0x1  }
0x13: {  	[smem:$0x3FB2] =	sst s0;
	s0 =	simm.s32 @!p1 $0x0  }
0x14: {  	s2 =	sld [smem:$0x3F96];
	s0 =	simm.s32 @p1 $0x1  }
0x15: {  	[smem:$0x3FB3] =	sst s0;
	s0 =	simm.s32 @!p2 $0x0  }
0x16: {  	s3 =	sld [smem:$0x3FDB];
	s0 =	simm.s32 @p2 $0x1  }
0x17: {  	s4 =	simm.s32 $0x1BF5;
	[smem:$0x3FB5] =	sst s0  }
0x18: {  	s0 =	sld [smem:$0x3F98];
	_ =	swait.ge [sflag:s4], $0x0  }
0x19: {  	s7 =	sld [smem:$0x3F99]  }
0x1a: {  	s8 =	sadd.s32 $0xFFFFE003, lr  }
0x1b: {  	s9 =	sadd.s32 $0xFFFFFEF7, lr;
	s5 =	simm.s32 $0xFFFFFFFF;
	p2 =	slt.u32 s8, $0xFFFFF086  }
0x1c: {  	p1 =	slt.u32 s9, $0xF7A;
	s5 =	simm.s32 @!p2 $0x0  }
0x1d: {  	s5 =	simm.s32 @p1 $0x1;
	p0 =	seq.s32 s7, s2  }
0x1e: {  	s7 =	smul.u32 @!p0 $0xF7A, s2;
	p2 =	seq.s32 @!p0 s5, $0x0  }
0x1f: {  	s9 =	smul.u32 $0xF7A, s1;
	s8 =	simm.s32 @!p0 $0x1BF5;
	p2 =	por !p2, p0  }
0x20: {  	[sflag:s8] =	ssyncset.s32 @!p0 $0xFFFFF086;
	s6 =	sadd.s32 @!p0 s3, s7;
	s7 =	simm.s32 @!p0 $0x108  }
0x21: {  	s3 =	sadd.s32 s3, s9;
	s6 =	sadd.s32 @!p0 $0x88, s6;
	s7 =	simm.s32 @p2 $0x1082  }
0x22: {  	[simem:s7], [sflag:s8] =	dma.local @!p0 [hbm:s6], $0xF7A  }
0x23: {  	s9 =	sor.u32 $0xD0000000, s2;
	s6 =	simm.s32 $0x108;
	_ =	swait.ge @!p0 [sflag:s8], $0x0  }
0x24: {  	s3 =	sadd.s32 $0x88, s3;
	s6 =	simm.s32 @!p1 $0x1082;
	[sflag:s4] =	ssyncset.s32 $0xFFFFF086  }
0x25: {  	[simem:s6], [sflag:s4] =	dma.local [hbm:s3], $0xF7A  }
0x26: {  	[smem:$0x3F99] =	sst s1;
	(tag) =	ssettag s2;
	_ =	strace s9  }
0x27: {  	s1 =	sld [smem:$0x3FA9]  }
0x28: {  	s2 =	sld [smem:$0x3FAA]  }
0x29: {  	s4 =	sld [smem:$0x3FAC]  }
0x2a: {  	p0 =	seq.s32 s5, $0x0;
	s5 =	sld [smem:$0x3FAD]  }
0x2b: {  	s6 =	sld [smem:$0x3FAE]  }
0x2c: {  	s7 =	sld [smem:$0x3FAF]  }
0x2d: {  	s3 =	simm.s32 $0x108;
	s8 =	sld [smem:$0x3FB0]  }
0x2e: {  	s3 =	simm.s32 @!p0 $0x1082;
	s9 =	sld [smem:$0x3FB1]  }
0x2f: {  	lr =	sadd.s32 s0, s3;
	s0 =	sld [smem:$0x3FA8]  }
0x30: {  	s3 =	sld [smem:$0x3FAB]  }
0x31: {  	[smem:$0x3FB4] =	sst s10  }
0x32: {  	s10 =	sld [smem:$0x3FB2];
	_ =	sdelay $0x3  }
0x33: {  	p0 =	seq.s32 s10, $0x1;
	s10 =	sld [smem:$0x3FB4];
	_ =	sdelay $0x3  }
0x34: {  	[smem:$0x3FB4] =	sst s10  }
0x35: {  	s10 =	sld [smem:$0x3FB3];
	_ =	sdelay $0x3  }
0x36: {  	p1 =	seq.s32 s10, $0x1;
	s10 =	sld [smem:$0x3FB4];
	_ =	sdelay $0x3  }
0x37: {  	[smem:$0x3FB4] =	sst s10  }
0x38: {  	s10 =	sld [smem:$0x3FB5]  }
0x39: {  	_ = 	snop;
	(pc) =	sbr.ind lr, $3  }
0x3a: {  	_ = 	snop  }
0x3b: {  	_ = 	snop  }
0x3c: {  	p2 =	seq.s32 s10, $0x1;
	s10 =	sld [smem:$0x3FB4]  }
0x3d: {  	_ =	shalt  }
0x3e: {  	_ =	shalt  }
0x3f: {  	_ =	shalt  }
0x40: {  	_ =	shalt  }
0x41: {  	_ =	shalt  }
0x42: {  	_ =	shalt  }
0x43: {  	_ =	shalt  }
0x44: {  	_ =	shalt  }
0x45: {  	_ =	shalt  }
0x46: {  	_ =	shalt  }
0x47: {  	_ =	shalt  }
0x48: {  	_ =	shalt  }
0x49: {  	_ =	shalt  }
0x4a: {  	_ =	shalt  }
0x4b: {  	_ =	shalt  }
0x4c: {  	_ =	shalt  }
0x4d: {  	_ =	shalt  }
0x4e: {  	_ =	shalt  }
0x4f: {  	_ =	shalt  }
0x50: {  	_ =	shalt  }
0x51: {  	_ =	shalt  }
0x52: {  	_ =	shalt  }
0x53: {  	_ =	shalt  }
0x54: {  	_ =	shalt  }
0x55: {  	_ =	shalt  }
0x56: {  	_ =	shalt  }
0x57: {  	_ =	shalt  }
0x58: {  	_ =	shalt  }
0x59: {  	_ =	shalt  }
0x5a: {  	_ =	shalt  }
0x5b: {  	_ =	shalt  }
0x5c: {  	_ =	shalt  }
0x5d: {  	_ =	shalt  }
0x5e: {  	_ =	shalt  }
0x5f: {  	_ =	shalt  }
0x60: {  	_ =	shalt  }
0x61: {  	_ =	shalt  }
0x62: {  	_ =	shalt  }
0x63: {  	_ =	shalt  }
0x64: {  	_ =	shalt  }
0x65: {  	_ =	shalt  }
0x66: {  	_ =	shalt  }
0x67: {  	_ =	shalt  }
0x68: {  	_ =	shalt  }
0x69: {  	_ =	shalt  }
0x6a: {  	_ =	shalt  }
0x6b: {  	_ =	shalt  }
0x6c: {  	_ =	shalt  }
0x6d: {  	_ =	shalt  }
0x6e: {  	_ =	shalt  }
0x6f: {  	_ =	shalt  }
0x70: {  	_ =	shalt  }
0x71: {  	_ =	shalt  }
0x72: {  	_ =	shalt  }
0x73: {  	_ =	shalt  }
0x74: {  	_ =	shalt  }
0x75: {  	_ =	shalt  }
0x76: {  	_ =	shalt  }
0x77: {  	_ =	shalt  }
0x78: {  	_ =	shalt  }
0x79: {  	_ =	shalt  }
0x7a: {  	_ =	shalt  }
0x7b: {  	_ =	shalt  }
0x7c: {  	_ =	shalt  }
0x7d: {  	_ =	shalt  }
0x7e: {  	_ =	shalt  }
0x7f: {  	_ =	shalt  }
0x80: {  	_ =	shalt  }
0x81: {  	_ =	shalt  }
0x82: {  	_ =	shalt  }
0x83: {  	_ =	shalt  }
0x84: {  	_ =	shalt  }
0x85: {  	_ =	shalt  }
0x86: {  	_ =	shalt  }
0x87: {  	_ =	shalt  }
.Lfunc_end0:
.L_simem_size_0:
called_computation.1_lowered:
.L_overlay_start_0:
0x88: {  	s2 =	sld [smem:$0x3FD9]  }
0x89: {  	s3 =	sld [smem:$0x3FFE];
	_ =	sdelay $0x1  }
0x8a: {  	s1 =	srdreg.scid  }
0x8b: {  	s0 =	sand.u32 $0x1, s1  }
0x8c: {  	s17 =	sshll.u32 s0, $0xA;
	s2 =	sadd.s32 s3, s2  }
0x8d: {  	s2 =	sadd.s32 s2, s17  }
0x8e: {  	[smem:$0x3FC0] =	sst s2  }
0x8f: {  	_ = 	snop  }
0x90: {  	s2 =	sld [smem:$0x3FD0];
	(tm) =	ssettm $0x1  }
0x91: {  	s18 =	sld [smem:$0x3FFB];
	_ =	sdelay $0x3  }
0x92: {  	_ =	strace s18  }
0x93: {  	s3 =	sld [smem:$0x3FFC];
	_ =	sdelay $0x3  }
0x94: {  	_ =	strace s3  }
0x95: {  	s3 =	sld [smem:$0x3FFD];
	_ =	sdelay $0x3  }
0x96: {  	_ =	strace s3  }
0x97: {  	_ =	strace $0x8FFFFFFF  }
0x98: {  	s19 =	sld [smem:$0x3FDB];
	_ =	sdelay $0x1  }
0x99: {  	s4 =	simm.s32 $_scs_section_size  }
0x9a: {  	s5 =	simm.s32 $_size__tile_overlayer_lowered;
	s6 =	simm.s32 $_tile_overlayer_lowered  }
0x9b: {  	s22 =	simm.s32 $0x1BFF;
	s21 =	sshll.u32 s6, $0x1;
	s3 =	sadd.s32 s4, s19  }
0x9c: {  	s7 =	simm.s32 $0x0;
	s20 =	sshll.u32 s5, $0x1;
	s5 =	sadd.s32 s21, s3  }
0x9d: {  	[timem:s7], [sflag:s22] =	dma.local [hbm:s5], s20  }
0x9e: {  	_ =	swait.ge [sflag:s22], s20  }
0x9f: {  	s4 =	ssub.s32 $0x0, s20;
	[sflag:s22] =	ssyncset.done $0x0  }
0xa0: {  	[sflag:s22] =	ssyncadd.s32 s4;
	_ =	sdelay $0x1  }
0xa1: {  	s23 =	simm.s32 $0x1B8B  }
0xa2: {  	_ =	swait.ge [sflag:s23], $0x1  }
0xa3: {  	[sflag:s23] =	ssyncset.done $0x0  }
0xa4: {  	s25 =	simm.s32 $0x1B8E;
	s24 =	sld [smem:$0x3FFE];
	[sflag:s23] =	ssyncadd.s32 $0xFFFFFFFF  }
0xa5: {  	s26 =	simm.s32 $execute0_lowered;
	[smem:$0x3FD2] =	sst s25  }
0xa6: {  	s5 =	sshll.u32 s26, $0x1;
	_ =	strace $0x80000049;
	[dreg:$0x1] =	wrdreg $0xFFFFFFFF  }
0xa7: {  	s28 =	simm.s32 $_size_execute0_lowered;
	s3 =	sadd.s32 s3, s5;
	[dreg:$0x0] =	wrdreg $0x0  }
0xa8: {  	s5 =	sshll.u32 s28, $0x1;
	[dreg:$0x2] =	wrdreg s3  }
0xa9: {  	[dreg:$0x3] =	wrdreg s5  }
0xaa: {  	[dreg:$0x4] =	wrdreg $0xC0  }
0xab: {  	_ =	task [dreg:s7], $0x5FFFF  }
0xac: {  	[dreg:$0x1] =	wrdreg $0xFFFFFFFF  }
0xad: {  	[dreg:$0x0] =	wrdreg $0x60  }
0xae: {  	[dreg:$0x2] =	wrdreg s24  }
0xaf: {  	[dreg:$0x3] =	wrdreg s2  }
0xb0: {  	[dreg:$0x4] =	wrdreg $0x9F000  }
0xb1: {  	[dreg:$0x5] =	wrdreg $0x9  }
0xb2: {  	_ =	task.clear_ibuf [dreg:s7], $0x6FFFF;
	_ =	strace $0x90000049  }
0xb3: {  	s29 =	simm.s32 $0x9;
	_ =	strace $0x8000004B  }
0xb4: {  	_ =	swait.ge [sflag:s29], $0x1  }
0xb5: {  	[sflag:s29] =	ssyncadd.s32 $0xFFFFFFFF  }
0xb6: {  	_ =	strace $0x9000004B  }
0xb7: {  	_ =	sfence  }
0xb8: {  	s30 =	sld [smem:$0x0];
	_ =	sdelay $0x2  }
0xb9: {  	s31 =	sshll.u32 s1, $0xD;
	s1 =	sshrl.u32 s1, $0x2  }
0xba: {  	s3 =	sand.u32 $0x4000, s31;
	s1 =	sadd.s32 s1, s30  }
0xbb: {  	s0 =	sor.u32 s3, s0;
	s1 =	sshll.u32 s1, $0x11  }
0xbc: {  	s0 =	sor.u32 s1, s0  }
0xbd: {  	s0 =	sadd.s32 $0x8F2B, s0  }
0xbe: {  	[sflag:s0] =	ssyncadd.remote.s32 $0x1  }
0xbf: {  	_ =	sfence.sel $0xFFFF  }
0xc0: {  	[dreg:$0x0] =	wrdreg $0xFFFFFFFF;
	(pc) =	sbr.abs _section_cstart, $3  }
0xc1: {  	[dreg:$0x1] =	wrdreg $0xFFFFFFFF  }
0xc2: {  	_ =	task.clear_ibuf [dreg:s7], $0x2FFFF;
	_ =	strace $0x9FFFFFFF  }
0xc3: {  	(tm) =	ssettm $0x7FFFFFFF  }
tec
execute0_lowered:
.L_overlay_start_1:
0x0: {  	(tag) =	ssettag $0x1  }
0x1: {  	s1 =	rddreg [dreg:$0x0]  }
0x2: {  	s0 =	srdreg.scid;
	s6 =	rddreg [dreg:$0x1]  }
0x3: {  	s26 =	stileid.u32;
	s2 =	rddreg [dreg:$0x2];
	s18 =	simm.s32 $0x5  }
0x4: {  	s19 =	simm.s32 $0x50;
	s20 =	simm.s32 $0x4F00;
	s21 =	simm.s32 $0x6  }
0x5: {  	s22 =	simm.s32 $0x7700;
	s23 =	simm.s32 $0x1;
	s24 =	simm.s32 $0x3  }
0x6: {  	s25 =	simm.s32 $0x2;
	s29 =	simm.s32 $0x7;
	s8 =	smul.u32 $0x2800, s26  }
0x7: {  	s30 =	simm.s32 $0x0;
	s5 =	sand.u32 $0x1, s0;
	s12 =	smul.u32 $0x50000, s26  }
0x8: {  	s3 =	sshll.u32 s5, $0x4;
	s9 =	smul.u32 $0x28000, s5;
	s11 =	ssub.s32 $0x2, s5  }
0x9: {  	s5 =	sadd.s32 $0xE400, s1;
	s4 =	sor.u32 s26, s3;
	s3 =	simm.s32 $0x0  }
0xa: {  	s28 =	sshrl.u32 s11, $0x1;
	s31 =	sshrl.u32 s12, $0x2;
	s7 =	smul.u32 $0x4E2, s4  }
0xb: {  	[smem:$0x7FF] =	sst s3;
	s4 =	sadd.s32 $0x5D000, s1;
	s8 =	sadd.s32 s8, s9  }
0xc: {  	s11 =	ssub.s32 s11, s28;
	s13 =	sadd.s32 s31, s2;
	_ =	strace $0x8000004A  }
0xd: {  	s14 =	sadd.s32 $0x4000, s13;
	s15 =	sadd.s32 $0x8000, s13;
	s16 =	sadd.s32 $0xC000, s13  }
0xe: {  	s17 =	sadd.s32 $0x10000, s13;
	s11 =	smax.u32 s11, $0x1;
	s13 =	sshrl.u32 s13, $0x3  }
0xf: {  	s10 =	sadd.s32 s7, s1;
	s1 =	sadd.s32 s8, s1;
	s6 =	sadd.s32 s6, s7  }
0x10: {  	s7 =	sshll.u32 s26, $0x6;
	s14 =	sshrl.u32 s14, $0x3;
	s15 =	sshrl.u32 s15, $0x3  }
0x11: {  	s16 =	sshrl.u32 s16, $0x3;
	s17 =	sshrl.u32 s17, $0x3;
	s26 =	simm.s32 $0x4  }
0x12: {  	s8 =	sadd.s32 $0x4600, s10;
	s9 =	sor.u32 $0x1C06, s7;
	s10 =	sadd.s32 $0x84200, s1  }
.LBB2_1:
0x13: {  	[tilespmem:s3], [sflag:$0x5] =	stream.linear.gather [hbm4b:s6+s3], $0x2710, $0x38;
	[tilespmem:$0x1DF00] =	vst v63  }
0x14: {  	s0 =	simm.s32 $0x2780  }
0x15: {  	[tilespmem:s0], [sflag:$0x5] =	stream.linear.gather [hbm4b:s8+s3], $0x2710, $0x38;
	[tilespmem:$0x1DF00] =	vst v63  }
0x16: {  	[spmem:s13], [sflag:s9] =	dma.local [hbm:s5], $0x800  }
0x17: {  	[spmem:s14], [sflag:s9] =	dma.local [hbm:s5], $0x800  }
0x18: {  	[spmem:s15], [sflag:s9] =	dma.local [hbm:s5], $0x800  }
0x19: {  	[spmem:s16], [sflag:s9] =	dma.local [hbm:s5], $0x800  }
0x1a: {  	[spmem:s17], [sflag:s9] =	dma.local [hbm:s5], $0x800  }
0x1b: {  	_ =	swait.ge [sflag:s18], $0x2710  }
0x1c: {  	[sflag:s18] =	ssyncset.done $0x0  }
0x1d: {  	[sflag:s18] =	ssyncadd.s32 $0xFFFFD8F0  }
0x1e: {  	_ =	swait.ge [sflag:s18], $0x2710  }
0x1f: {  	[sflag:s18] =	ssyncset.done $0x0  }
0x20: {  	[sflag:s18] =	ssyncadd.s32 $0xFFFFD8F0  }
0x21: {  	[tilespmem:s20], [sflag:$0x1] =	stream.indirect.gather [hbm4b:s4+s19], $0x80, s3, s19, $0xb8;
	[tilespmem:$0x1DF00] =	vst v63  }
0x22: {  	_ =	swait.ge [sflag:s21], $0x800  }
0x23: {  	[sflag:s21] =	ssyncset.done $0x0  }
0x24: {  	[sflag:s21] =	ssyncadd.s32 $0xFFFFF800  }
0x25: {  	_ =	swait.ge [sflag:s21], $0x800  }
0x26: {  	[sflag:s21] =	ssyncset.done $0x0  }
0x27: {  	[sflag:s21] =	ssyncadd.s32 $0xFFFFF800  }
0x28: {  	_ =	swait.ge [sflag:s21], $0x800  }
0x29: {  	[sflag:s21] =	ssyncset.done $0x0  }
0x2a: {  	[sflag:s21] =	ssyncadd.s32 $0xFFFFF800  }
0x2b: {  	_ =	swait.ge [sflag:s21], $0x800  }
0x2c: {  	[sflag:s21] =	ssyncset.done $0x0  }
0x2d: {  	[sflag:s21] =	ssyncadd.s32 $0xFFFFF800  }
0x2e: {  	_ =	swait.ge [sflag:s21], $0x800  }
0x2f: {  	[sflag:s21] =	ssyncset.done $0x0  }
0x30: {  	[sflag:s21] =	ssyncadd.s32 $0xFFFFF800  }
0x31: {  	s1 =	simm.s32 $0x50;
	[bflag:$0x0] =	sbarrier.arrive $0xFFFF  }
0x32: {  	[tilespmem:s22], [sflag:$0x2] =	stream.indirect.gather [hbm4b:s4+s19], $0x80, s1, s19, $0xb8;
	[tilespmem:$0x1DF00] =	vst v63  }
0x33: {  	_ =	swait.ge [sflag:s23], $0x2800  }
0x34: {  	[sflag:s23] =	ssyncset.done $0x0  }
0x35: {  	s0 =	simm.s32 $0x2780;
	[sflag:s23] =	ssyncadd.s32 $0xFFFFD800  }
0x36: {  	[spmem:s2] =	stream.indirect.scatter.add.f32 [tilespmem:s20], [sflag:$0x3], $0x80, s0, s19, $0xb8;
	[tilespmem:$0x1DF00] =	vst v63  }
0x37: {  	_ =	swait.ge [sflag:s24], $0x2800  }
0x38: {  	[sflag:s24] =	ssyncset.done $0x0  }
0x39: {  	s12 =	simm.s32 $0xA0;
	[sflag:s24] =	ssyncadd.s32 $0xFFFFD800  }
0x3a: {  	[tilespmem:s20], [sflag:$0x1] =	stream.indirect.gather [hbm4b:s4+s19], $0x80, s12, s19, $0xb8;
	[tilespmem:$0x1DF00] =	vst v63  }
0x3b: {  	_ =	swait.ge [sflag:s25], $0x2800  }
0x3c: {  	[sflag:s25] =	ssyncset.done $0x0  }
0x3d: {  	s28 =	simm.s32 $0x27D0;
	[sflag:s25] =	ssyncadd.s32 $0xFFFFD800  }
0x3e: {  	[spmem:s2] =	stream.indirect.scatter.add.f32 [tilespmem:s22], [sflag:$0x4], $0x80, s28, s19, $0xb8;
	[tilespmem:$0x1DF00] =	vst v63  }
0x3f: {  	_ =	swait.ge [sflag:s26], $0x2800  }
0x40: {  	s31 =	simm.s32 $0xA0;
	s1 =	simm.s32 $0x500;
	[sflag:s26] =	ssyncset.done $0x0  }
.LBB2_2:
0x41: {  	s0 =	sadd.s32 $0x50, s31  }
0x42: {  	[sflag:s26] =	ssyncadd.s32 $0xFFFFD800;
	s12 =	smov.u32 s1;
	s28 =	sadd.s32 $0x280, s1  }
0x43: {  	[tilespmem:s22], [sflag:$0x2] =	stream.indirect.gather [hbm4b:s4+s19], $0x80, s0, s19, $0xb8;
	[tilespmem:$0x1DF00] =	vst v63  }
0x44: {  	p0 =	sne.s32 s1, $0x9880;
	_ =	swait.ge [sflag:s23], $0x2800  }
0x45: {  	[sflag:s23] =	ssyncset.done $0x0  }
0x46: {  	s0 =	sadd.s32 $0x2780, s31;
	[sflag:s23] =	ssyncadd.s32 $0xFFFFD800  }
0x47: {  	[spmem:s2] =	stream.indirect.scatter.add.f32 [tilespmem:s20], [sflag:$0x3], $0x80, s0, s19, $0xb8;
	[tilespmem:$0x1DF00] =	vst v63  }
0x48: {  	_ =	swait.ge [sflag:s24], $0x2800  }
0x49: {  	[sflag:s24] =	ssyncset.done $0x0  }
0x4a: {  	s0 =	sadd.s32 $0xA0, s31;
	[sflag:s24] =	ssyncadd.s32 $0xFFFFD800  }
0x4b: {  	[tilespmem:s20], [sflag:$0x1] =	stream.indirect.gather [hbm4b:s4+s19], $0x80, s0, s19, $0xb8;
	[tilespmem:$0x1DF00] =	vst v63  }
0x4c: {  	_ =	swait.ge [sflag:s25], $0x2800  }
.Ltmp0:
0x4d: {  	[sflag:s25] =	ssyncset.done $0x0;
	(pc) =	sbr.rel @p0 .LBB2_2-.Ltmp0, $4  }
0x4e: {  	s0 =	sadd.s32 $0x27D0, s31;
	[sflag:s25] =	ssyncadd.s32 $0xFFFFD800  }
0x4f: {  	[spmem:s2] =	stream.indirect.scatter.add.f32 [tilespmem:s22], [sflag:$0x4], $0x80, s0, s19, $0xb8;
	[tilespmem:$0x1DF00] =	vst v63  }
0x50: {  	_ =	swait.ge [sflag:s26], $0x2800  }
0x51: {  	s1 =	smov.u32 s28;
	s31 =	sshra.s32 s12, $0x2;
	[sflag:s26] =	ssyncset.done $0x0  }
0x52: {  	s0 =	sadd.s32 $0x50, s31;
	[sflag:s26] =	ssyncadd.s32 $0xFFFFD800  }
0x53: {  	[tilespmem:s22], [sflag:$0x2] =	stream.indirect.gather [hbm4b:s4+s19], $0x80, s0, s19, $0xb8;
	[tilespmem:$0x1DF00] =	vst v63  }
0x54: {  	_ =	swait.ge [sflag:s23], $0x2800  }
0x55: {  	[sflag:s23] =	ssyncset.done $0x0  }
0x56: {  	s28 =	sadd.s32 $0x2780, s31;
	[sflag:s23] =	ssyncadd.s32 $0xFFFFD800  }
0x57: {  	[spmem:s2] =	stream.indirect.scatter.add.f32 [tilespmem:s20], [sflag:$0x3], $0x80, s28, s19, $0xb8;
	[tilespmem:$0x1DF00] =	vst v63  }
0x58: {  	_ =	swait.ge [sflag:s24], $0x2800  }
0x59: {  	[sflag:s24] =	ssyncset.done $0x0  }
0x5a: {  	s1 =	sadd.s32 $0xA0, s31;
	[sflag:s24] =	ssyncadd.s32 $0xFFFFD800  }
0x5b: {  	[tilespmem:s20], [sflag:$0x1] =	stream.indirect.gather [hbm4b:s4+s19], $0x80, s1, s19, $0xb8;
	[tilespmem:$0x1DF00] =	vst v63  }
0x5c: {  	_ =	swait.ge [sflag:s25], $0x2800  }
0x5d: {  	[sflag:s25] =	ssyncset.done $0x0  }
0x5e: {  	s12 =	sadd.s32 $0x27D0, s31;
	[sflag:s25] =	ssyncadd.s32 $0xFFFFD800  }
0x5f: {  	[spmem:s2] =	stream.indirect.scatter.add.f32 [tilespmem:s22], [sflag:$0x4], $0x80, s12, s19, $0xb8;
	[tilespmem:$0x1DF00] =	vst v63  }
0x60: {  	_ =	swait.ge [sflag:s26], $0x2800  }
0x61: {  	[sflag:s26] =	ssyncset.done $0x0  }
0x62: {  	[sflag:s26] =	ssyncadd.s32 $0xFFFFD800  }
0x63: {  	_ =	swait.ge [sflag:s23], $0x2800  }
0x64: {  	[sflag:s23] =	ssyncset.done $0x0  }
0x65: {  	s28 =	simm.s32 $0x4E40;
	[sflag:s23] =	ssyncadd.s32 $0xFFFFD800  }
0x66: {  	[spmem:s2] =	stream.indirect.scatter.add.f32 [tilespmem:s20], [sflag:$0x7], $0x80, s28, s19, $0xb8;
	[tilespmem:$0x1DF00] =	vst v63  }
0x67: {  	_ =	swait.ge [sflag:s29], $0x2800  }
0x68: {  	s30 =	sadd.s32 $0x1, s30;
	[sflag:s29] =	ssyncset.done $0x0  }
0x69: {  	p0 =	sne.s32 s30, s11;
	[sflag:s29] =	ssyncadd.s32 $0xFFFFD800  }
.Ltmp1:
0x6a: {  	s31 =	sor.u32 $0x1C07, s7;
	[bflag:$0x0] =	sbarrier.arrive $0xFFFF;
	(pc) =	sbr.rel @p0 .LBB2_1-.Ltmp1, $4  }
0x6b: {  	[hbm:s10], [sflag:s31] =	dma.local [spmem:s13], $0x2800  }
0x6c: {  	_ =	swait.ge [sflag:s29], $0x2800  }
0x6d: {  	[sflag:s29] =	ssyncset.done $0x0  }
0x6e: {  	[sflag:s29] =	ssyncadd.s32 $0xFFFFD800  }
0x6f: {  	_ =	sfence.sel $0x180000  }
0x70: {  	[bflag:$0x0] =	sbarrier.arrive $0xFFFF  }
0x71: {  	_ =	strace $0x9000004A  }
0x72: {  	s0 =	stileid.u32;
	[bflag:$0x2] =	sbarrier.arrive $0xFFFF  }
0x73: {  	p0 =	sne.s32 s0, $0x0;
	s0 =	rddreg [dreg:$0x3]  }
0x74: {  	s0 =	sadd.s32 @!p0 $0x100000, s0  }
0x75: {  	[sflag:s0] =	ssyncadd.tile.s32 @!p0 $0x1;
	_ =	shalt  }
.Lfunc_end2:
_tile_overlayer_lowered:
.L_overlay_start_2:
0x76: {  	(tag) =	ssettag $0x2  }
0x77: {  	s0 =	rddreg [dreg:$0x0];
	s2 =	stileid.u32  }
0x78: {  	s1 =	rddreg [dreg:$0x1];
	p0 =	sne.s32 s2, $0x0  }
0x79: {  	s3 =	rddreg [dreg:$0x2];
	[bflag:$0x3] =	sbarrier.arrive $0xFFFF;
	s2 =	simm.s32 @!p0 $0x1C07  }
0x7a: {  	[timem:s3], [sflag:s2] =	dma.local @!p0 [hbm:s0], s1  }
0x7b: {  	s0 =	simm.s32 @!p0 $0x7  }
0x7c: {  	_ =	swait.ge @!p0 [sflag:s0], s1  }
0x7d: {  	s1 =	ssub.s32 @!p0 $0x0, s1;
	[sflag:s0] =	ssyncset.done @!p0 $0x0  }
0x7e: {  	[sflag:s0] =	ssyncadd.s32 @!p0 s1  }
0x7f: {  	[bflag:$0x3] =	sbarrier.arrive $0xFFFF  }
0x80: {  	_ =	shalt  }

// kernel: kernel.16.cloned.1.call-start
scs
__scs_entry_jumppad:
0x0: {  	(pc) =	sbr.rel $0x88, $3  }
0x1: {  	(tag) =	ssettag $0x0;
	lr =	simm.s32 $0x1  }
0x2: {  	[smem:$0x3F99] =	sst lr;
	_ =	strace $0xD0000000  }
0x3: {  	_ = 	snop  }
0x4: {  	_ = 	snop  }
0x5: {  	_ = 	snop  }
0x6: {  	_ = 	snop  }
0x7: {  	_ = 	snop  }
__scs_overlays_trampoline_lowered:
0x8: {  	[smem:$0x3FA8] =	sst s0  }
0x9: {  	[smem:$0x3FA9] =	sst s1  }
0xa: {  	[smem:$0x3FAA] =	sst s2  }
0xb: {  	[smem:$0x3FAB] =	sst s3  }
0xc: {  	[smem:$0x3FAC] =	sst s4  }
0xd: {  	[smem:$0x3FAD] =	sst s5  }
0xe: {  	[smem:$0x3FAE] =	sst s6  }
0xf: {  	[smem:$0x3FAF] =	sst s7  }
0x10: {  	[smem:$0x3FB0] =	sst s8  }
0x11: {  	[smem:$0x3FB1] =	sst s9;
	s0 =	simm.s32 @!p0 $0x0  }
0x12: {  	s1 =	sld [smem:$0x3F97];
	s0 =	simm.s32 @p0 $0x1  }
0x13: {  	[smem:$0x3FB2] =	sst s0;
	s0 =	simm.s32 @!p1 $0x0  }
0x14: {  	s2 =	sld [smem:$0x3F96];
	s0 =	simm.s32 @p1 $0x1  }
0x15: {  	[smem:$0x3FB3] =	sst s0;
	s0 =	simm.s32 @!p2 $0x0  }
0x16: {  	s3 =	sld [smem:$0x3FDB];
	s0 =	simm.s32 @p2 $0x1  }
0x17: {  	s4 =	simm.s32 $0x1BF5;
	[smem:$0x3FB5] =	sst s0  }
0x18: {  	s0 =	sld [smem:$0x3F98];
	_ =	swait.ge [sflag:s4], $0x0  }
0x19: {  	s7 =	sld [smem:$0x3F99]  }
0x1a: {  	s8 =	sadd.s32 $0xFFFFE003, lr  }
0x1b: {  	s9 =	sadd.s32 $0xFFFFFEF7, lr;
	s5 =	simm.s32 $0xFFFFFFFF;
	p2 =	slt.u32 s8, $0xFFFFF086  }
0x1c: {  	p1 =	slt.u32 s9, $0xF7A;
	s5 =	simm.s32 @!p2 $0x0  }
0x1d: {  	s5 =	simm.s32 @p1 $0x1;
	p0 =	seq.s32 s7, s2  }
0x1e: {  	s7 =	smul.u32 @!p0 $0xF7A, s2;
	p2 =	seq.s32 @!p0 s5, $0x0  }
0x1f: {  	s9 =	smul.u32 $0xF7A, s1;
	s8 =	simm.s32 @!p0 $0x1BF5;
	p2 =	por !p2, p0  }
0x20: {  	[sflag:s8] =	ssyncset.s32 @!p0 $0xFFFFF086;
	s6 =	sadd.s32 @!p0 s3, s7;
	s7 =	simm.s32 @!p0 $0x108  }
0x21: {  	s3 =	sadd.s32 s3, s9;
	s6 =	sadd.s32 @!p0 $0x88, s6;
	s7 =	simm.s32 @p2 $0x1082  }
0x22: {  	[simem:s7], [sflag:s8] =	dma.local @!p0 [hbm:s6], $0xF7A  }
0x23: {  	s9 =	sor.u32 $0xD0000000, s2;
	s6 =	simm.s32 $0x108;
	_ =	swait.ge @!p0 [sflag:s8], $0x0  }
0x24: {  	s3 =	sadd.s32 $0x88, s3;
	s6 =	simm.s32 @!p1 $0x1082;
	[sflag:s4] =	ssyncset.s32 $0xFFFFF086  }
0x25: {  	[simem:s6], [sflag:s4] =	dma.local [hbm:s3], $0xF7A  }
0x26: {  	[smem:$0x3F99] =	sst s1;
	(tag) =	ssettag s2;
	_ =	strace s9  }
0x27: {  	s1 =	sld [smem:$0x3FA9]  }
0x28: {  	s2 =	sld [smem:$0x3FAA]  }
0x29: {  	s4 =	sld [smem:$0x3FAC]  }
0x2a: {  	p0 =	seq.s32 s5, $0x0;
	s5 =	sld [smem:$0x3FAD]  }
0x2b: {  	s6 =	sld [smem:$0x3FAE]  }
0x2c: {  	s7 =	sld [smem:$0x3FAF]  }
0x2d: {  	s3 =	simm.s32 $0x108;
	s8 =	sld [smem:$0x3FB0]  }
0x2e: {  	s3 =	simm.s32 @!p0 $0x1082;
	s9 =	sld [smem:$0x3FB1]  }
0x2f: {  	lr =	sadd.s32 s0, s3;
	s0 =	sld [smem:$0x3FA8]  }
0x30: {  	s3 =	sld [smem:$0x3FAB]  }
0x31: {  	[smem:$0x3FB4] =	sst s10  }
0x32: {  	s10 =	sld [smem:$0x3FB2];
	_ =	sdelay $0x3  }
0x33: {  	p0 =	seq.s32 s10, $0x1;
	s10 =	sld [smem:$0x3FB4];
	_ =	sdelay $0x3  }
0x34: {  	[smem:$0x3FB4] =	sst s10  }
0x35: {  	s10 =	sld [smem:$0x3FB3];
	_ =	sdelay $0x3  }
0x36: {  	p1 =	seq.s32 s10, $0x1;
	s10 =	sld [smem:$0x3FB4];
	_ =	sdelay $0x3  }
0x37: {  	[smem:$0x3FB4] =	sst s10  }
0x38: {  	s10 =	sld [smem:$0x3FB5]  }
0x39: {  	_ = 	snop;
	(pc) =	sbr.ind lr, $3  }
0x3a: {  	_ = 	snop  }
0x3b: {  	_ = 	snop  }
0x3c: {  	p2 =	seq.s32 s10, $0x1;
	s10 =	sld [smem:$0x3FB4]  }
0x3d: {  	_ =	shalt  }
0x3e: {  	_ =	shalt  }
0x3f: {  	_ =	shalt  }
0x40: {  	_ =	shalt  }
0x41: {  	_ =	shalt  }
0x42: {  	_ =	shalt  }
0x43: {  	_ =	shalt  }
0x44: {  	_ =	shalt  }
0x45: {  	_ =	shalt  }
0x46: {  	_ =	shalt  }
0x47: {  	_ =	shalt  }
0x48: {  	_ =	shalt  }
0x49: {  	_ =	shalt  }
0x4a: {  	_ =	shalt  }
0x4b: {  	_ =	shalt  }
0x4c: {  	_ =	shalt  }
0x4d: {  	_ =	shalt  }
0x4e: {  	_ =	shalt  }
0x4f: {  	_ =	shalt  }
0x50: {  	_ =	shalt  }
0x51: {  	_ =	shalt  }
0x52: {  	_ =	shalt  }
0x53: {  	_ =	shalt  }
0x54: {  	_ =	shalt  }
0x55: {  	_ =	shalt  }
0x56: {  	_ =	shalt  }
0x57: {  	_ =	shalt  }
0x58: {  	_ =	shalt  }
0x59: {  	_ =	shalt  }
0x5a: {  	_ =	shalt  }
0x5b: {  	_ =	shalt  }
0x5c: {  	_ =	shalt  }
0x5d: {  	_ =	shalt  }
0x5e: {  	_ =	shalt  }
0x5f: {  	_ =	shalt  }
0x60: {  	_ =	shalt  }
0x61: {  	_ =	shalt  }
0x62: {  	_ =	shalt  }
0x63: {  	_ =	shalt  }
0x64: {  	_ =	shalt  }
0x65: {  	_ =	shalt  }
0x66: {  	_ =	shalt  }
0x67: {  	_ =	shalt  }
0x68: {  	_ =	shalt  }
0x69: {  	_ =	shalt  }
0x6a: {  	_ =	shalt  }
0x6b: {  	_ =	shalt  }
0x6c: {  	_ =	shalt  }
0x6d: {  	_ =	shalt  }
0x6e: {  	_ =	shalt  }
0x6f: {  	_ =	shalt  }
0x70: {  	_ =	shalt  }
0x71: {  	_ =	shalt  }
0x72: {  	_ =	shalt  }
0x73: {  	_ =	shalt  }
0x74: {  	_ =	shalt  }
0x75: {  	_ =	shalt  }
0x76: {  	_ =	shalt  }
0x77: {  	_ =	shalt  }
0x78: {  	_ =	shalt  }
0x79: {  	_ =	shalt  }
0x7a: {  	_ =	shalt  }
0x7b: {  	_ =	shalt  }
0x7c: {  	_ =	shalt  }
0x7d: {  	_ =	shalt  }
0x7e: {  	_ =	shalt  }
0x7f: {  	_ =	shalt  }
0x80: {  	_ =	shalt  }
0x81: {  	_ =	shalt  }
0x82: {  	_ =	shalt  }
0x83: {  	_ =	shalt  }
0x84: {  	_ =	shalt  }
0x85: {  	_ =	shalt  }
0x86: {  	_ =	shalt  }
0x87: {  	_ =	shalt  }
.Lfunc_end0:
.L_simem_size_0:
called_computation.2_lowered:
.L_overlay_start_0:
0x88: {  	s2 =	sld [smem:$0x3FD9]  }
0x89: {  	s3 =	sld [smem:$0x3FFE];
	_ =	sdelay $0x1  }
0x8a: {  	s1 =	srdreg.scid  }
0x8b: {  	s0 =	sand.u32 $0x1, s1  }
0x8c: {  	s17 =	sshll.u32 s0, $0xA;
	s2 =	sadd.s32 s3, s2  }
0x8d: {  	s2 =	sadd.s32 s2, s17  }
0x8e: {  	[smem:$0x3FC0] =	sst s2  }
0x8f: {  	_ = 	snop  }
0x90: {  	s2 =	sld [smem:$0x3FD0];
	(tm) =	ssettm $0x1  }
0x91: {  	s18 =	sld [smem:$0x3FFB];
	_ =	sdelay $0x3  }
0x92: {  	_ =	strace s18  }
0x93: {  	s3 =	sld [smem:$0x3FFC];
	_ =	sdelay $0x3  }
0x94: {  	_ =	strace s3  }
0x95: {  	s3 =	sld [smem:$0x3FFD];
	_ =	sdelay $0x3  }
0x96: {  	_ =	strace s3  }
0x97: {  	_ =	strace $0x8FFFFFFF  }
0x98: {  	s19 =	sld [smem:$0x3FDB];
	_ =	sdelay $0x1  }
0x99: {  	s4 =	simm.s32 $_scs_section_size  }
0x9a: {  	s5 =	simm.s32 $_size__tile_overlayer_lowered;
	s6 =	simm.s32 $_tile_overlayer_lowered  }
0x9b: {  	s22 =	simm.s32 $0x1BFF;
	s21 =	sshll.u32 s6, $0x1;
	s3 =	sadd.s32 s4, s19  }
0x9c: {  	s7 =	simm.s32 $0x0;
	s20 =	sshll.u32 s5, $0x1;
	s5 =	sadd.s32 s21, s3  }
0x9d: {  	[timem:s7], [sflag:s22] =	dma.local [hbm:s5], s20  }
0x9e: {  	_ =	swait.ge [sflag:s22], s20  }
0x9f: {  	s4 =	ssub.s32 $0x0, s20;
	[sflag:s22] =	ssyncset.done $0x0  }
0xa0: {  	[sflag:s22] =	ssyncadd.s32 s4;
	_ =	sdelay $0x1  }
0xa1: {  	s23 =	simm.s32 $0x1B8B  }
0xa2: {  	_ =	swait.ge [sflag:s23], $0x1  }
0xa3: {  	[sflag:s23] =	ssyncset.done $0x0  }
0xa4: {  	s25 =	simm.s32 $0x1B8E;
	s24 =	sld [smem:$0x3FFE];
	[sflag:s23] =	ssyncadd.s32 $0xFFFFFFFF  }
0xa5: {  	s26 =	simm.s32 $execute0_lowered;
	[smem:$0x3FD2] =	sst s25  }
0xa6: {  	s5 =	sshll.u32 s26, $0x1;
	_ =	strace $0x8000004C;
	[dreg:$0x1] =	wrdreg $0xFFFFFFFF  }
0xa7: {  	s28 =	simm.s32 $_size_execute0_lowered;
	s3 =	sadd.s32 s3, s5;
	[dreg:$0x0] =	wrdreg $0x0  }
0xa8: {  	s5 =	sshll.u32 s28, $0x1;
	[dreg:$0x2] =	wrdreg s3  }
0xa9: {  	[dreg:$0x3] =	wrdreg s5  }
0xaa: {  	[dreg:$0x4] =	wrdreg $0xC0  }
0xab: {  	_ =	task [dreg:s7], $0x5FFFF  }
0xac: {  	[dreg:$0x1] =	wrdreg $0xFFFFFFFF  }
0xad: {  	[dreg:$0x0] =	wrdreg $0x60  }
0xae: {  	[dreg:$0x2] =	wrdreg s24  }
0xaf: {  	[dreg:$0x3] =	wrdreg s2  }
0xb0: {  	[dreg:$0x4] =	wrdreg $0x9F000  }
0xb1: {  	[dreg:$0x5] =	wrdreg $0x9  }
0xb2: {  	_ =	task.clear_ibuf [dreg:s7], $0x6FFFF;
	_ =	strace $0x9000004C  }
0xb3: {  	s29 =	simm.s32 $0x9;
	_ =	strace $0x8000004E  }
0xb4: {  	_ =	swait.ge [sflag:s29], $0x1  }
0xb5: {  	[sflag:s29] =	ssyncadd.s32 $0xFFFFFFFF  }
0xb6: {  	_ =	strace $0x9000004E  }
0xb7: {  	_ =	sfence  }
0xb8: {  	s30 =	sld [smem:$0x0];
	_ =	sdelay $0x2  }
0xb9: {  	s31 =	sshll.u32 s1, $0xD;
	s1 =	sshrl.u32 s1, $0x2  }
0xba: {  	s3 =	sand.u32 $0x4000, s31;
	s1 =	sadd.s32 s1, s30  }
0xbb: {  	s0 =	sor.u32 s3, s0;
	s1 =	sshll.u32 s1, $0x11  }
0xbc: {  	s0 =	sor.u32 s1, s0  }
0xbd: {  	s0 =	sadd.s32 $0x8F2B, s0  }
0xbe: {  	[sflag:s0] =	ssyncadd.remote.s32 $0x1  }
0xbf: {  	_ =	sfence.sel $0xFFFF  }
0xc0: {  	[dreg:$0x0] =	wrdreg $0xFFFFFFFF;
	(pc) =	sbr.abs _section_cstart, $3  }
0xc1: {  	[dreg:$0x1] =	wrdreg $0xFFFFFFFF  }
0xc2: {  	_ =	task.clear_ibuf [dreg:s7], $0x2FFFF;
	_ =	strace $0x9FFFFFFF  }
0xc3: {  	(tm) =	ssettm $0x7FFFFFFF  }
tec
execute0_lowered:
.L_overlay_start_1:
0x0: {  	(tag) =	ssettag $0x1  }
0x1: {  	s1 =	rddreg [dreg:$0x0]  }
0x2: {  	s0 =	srdreg.scid;
	s6 =	rddreg [dreg:$0x1]  }
0x3: {  	s26 =	stileid.u32;
	s2 =	rddreg [dreg:$0x2];
	s18 =	simm.s32 $0x5  }
0x4: {  	s19 =	simm.s32 $0x50;
	s20 =	simm.s32 $0x4F00;
	s21 =	simm.s32 $0x6  }
0x5: {  	s22 =	simm.s32 $0x7700;
	s23 =	simm.s32 $0x1;
	s24 =	simm.s32 $0x3  }
0x6: {  	s25 =	simm.s32 $0x2;
	s29 =	simm.s32 $0x7;
	s8 =	smul.u32 $0x2800, s26  }
0x7: {  	s30 =	simm.s32 $0x0;
	s5 =	sand.u32 $0x1, s0;
	s12 =	smul.u32 $0x50000, s26  }
0x8: {  	s3 =	sshll.u32 s5, $0x4;
	s9 =	smul.u32 $0x28000, s5;
	s11 =	ssub.s32 $0x2, s5  }
0x9: {  	s5 =	sadd.s32 $0xE400, s1;
	s4 =	sor.u32 s26, s3;
	s3 =	simm.s32 $0x0  }
0xa: {  	s28 =	sshrl.u32 s11, $0x1;
	s31 =	sshrl.u32 s12, $0x2;
	s7 =	smul.u32 $0x4E2, s4  }
0xb: {  	[smem:$0x7FF] =	sst s3;
	s4 =	sadd.s32 $0x5D000, s1;
	s8 =	sadd.s32 s8, s9  }
0xc: {  	s11 =	ssub.s32 s11, s28;
	s13 =	sadd.s32 s31, s2;
	_ =	strace $0x8000004D  }
0xd: {  	s14 =	sadd.s32 $0x4000, s13;
	s15 =	sadd.s32 $0x8000, s13;
	s16 =	sadd.s32 $0xC000, s13  }
0xe: {  	s17 =	sadd.s32 $0x10000, s13;
	s11 =	smax.u32 s11, $0x1;
	s13 =	sshrl.u32 s13, $0x3  }
0xf: {  	s10 =	sadd.s32 s7, s1;
	s1 =	sadd.s32 s8, s1;
	s6 =	sadd.s32 s6, s7  }
0x10: {  	s7 =	sshll.u32 s26, $0x6;
	s14 =	sshrl.u32 s14, $0x3;
	s15 =	sshrl.u32 s15, $0x3  }
0x11: {  	s16 =	sshrl.u32 s16, $0x3;
	s17 =	sshrl.u32 s17, $0x3;
	s26 =	simm.s32 $0x4  }
0x12: {  	s8 =	sadd.s32 $0x4600, s10;
	s9 =	sor.u32 $0x1C06, s7;
	s10 =	sadd.s32 $0x84200, s1  }
.LBB2_1:
0x13: {  	[tilespmem:s3], [sflag:$0x5] =	stream.linear.gather [hbm4b:s6+s3], $0x2710, $0x38;
	[tilespmem:$0x1DF00] =	vst v63  }
0x14: {  	s0 =	simm.s32 $0x2780  }
0x15: {  	[tilespmem:s0], [sflag:$0x5] =	stream.linear.gather [hbm4b:s8+s3], $0x2710, $0x38;
	[tilespmem:$0x1DF00] =	vst v63  }
0x16: {  	[spmem:s13], [sflag:s9] =	dma.local [hbm:s5], $0x800  }
0x17: {  	[spmem:s14], [sflag:s9] =	dma.local [hbm:s5], $0x800  }
0x18: {  	[spmem:s15], [sflag:s9] =	dma.local [hbm:s5], $0x800  }
0x19: {  	[spmem:s16], [sflag:s9] =	dma.local [hbm:s5], $0x800  }
0x1a: {  	[spmem:s17], [sflag:s9] =	dma.local [hbm:s5], $0x800  }
0x1b: {  	_ =	swait.ge [sflag:s18], $0x2710  }
0x1c: {  	[sflag:s18] =	ssyncset.done $0x0  }
0x1d: {  	[sflag:s18] =	ssyncadd.s32 $0xFFFFD8F0  }
0x1e: {  	_ =	swait.ge [sflag:s18], $0x2710  }
0x1f: {  	[sflag:s18] =	ssyncset.done $0x0  }
0x20: {  	[sflag:s18] =	ssyncadd.s32 $0xFFFFD8F0  }
0x21: {  	[tilespmem:s20], [sflag:$0x1] =	stream.indirect.gather [hbm4b:s4+s19], $0x80, s3, s19, $0xb8;
	[tilespmem:$0x1DF00] =	vst v63  }
0x22: {  	_ =	swait.ge [sflag:s21], $0x800  }
0x23: {  	[sflag:s21] =	ssyncset.done $0x0  }
0x24: {  	[sflag:s21] =	ssyncadd.s32 $0xFFFFF800  }
0x25: {  	_ =	swait.ge [sflag:s21], $0x800  }
0x26: {  	[sflag:s21] =	ssyncset.done $0x0  }
0x27: {  	[sflag:s21] =	ssyncadd.s32 $0xFFFFF800  }
0x28: {  	_ =	swait.ge [sflag:s21], $0x800  }
0x29: {  	[sflag:s21] =	ssyncset.done $0x0  }
0x2a: {  	[sflag:s21] =	ssyncadd.s32 $0xFFFFF800  }
0x2b: {  	_ =	swait.ge [sflag:s21], $0x800  }
0x2c: {  	[sflag:s21] =	ssyncset.done $0x0  }
0x2d: {  	[sflag:s21] =	ssyncadd.s32 $0xFFFFF800  }
0x2e: {  	_ =	swait.ge [sflag:s21], $0x800  }
0x2f: {  	[sflag:s21] =	ssyncset.done $0x0  }
0x30: {  	[sflag:s21] =	ssyncadd.s32 $0xFFFFF800  }
0x31: {  	s1 =	simm.s32 $0x50;
	[bflag:$0x0] =	sbarrier.arrive $0xFFFF  }
0x32: {  	[tilespmem:s22], [sflag:$0x2] =	stream.indirect.gather [hbm4b:s4+s19], $0x80, s1, s19, $0xb8;
	[tilespmem:$0x1DF00] =	vst v63  }
0x33: {  	_ =	swait.ge [sflag:s23], $0x2800  }
0x34: {  	[sflag:s23] =	ssyncset.done $0x0  }
0x35: {  	s0 =	simm.s32 $0x2780;
	[sflag:s23] =	ssyncadd.s32 $0xFFFFD800  }
0x36: {  	[spmem:s2] =	stream.indirect.scatter.add.f32 [tilespmem:s20], [sflag:$0x3], $0x80, s0, s19, $0xb8;
	[tilespmem:$0x1DF00] =	vst v63  }
0x37: {  	_ =	swait.ge [sflag:s24], $0x2800  }
0x38: {  	[sflag:s24] =	ssyncset.done $0x0  }
0x39: {  	s12 =	simm.s32 $0xA0;
	[sflag:s24] =	ssyncadd.s32 $0xFFFFD800  }
0x3a: {  	[tilespmem:s20], [sflag:$0x1] =	stream.indirect.gather [hbm4b:s4+s19], $0x80, s12, s19, $0xb8;
	[tilespmem:$0x1DF00] =	vst v63  }
0x3b: {  	_ =	swait.ge [sflag:s25], $0x2800  }
0x3c: {  	[sflag:s25] =	ssyncset.done $0x0  }
0x3d: {  	s28 =	simm.s32 $0x27D0;
	[sflag:s25] =	ssyncadd.s32 $0xFFFFD800  }
0x3e: {  	[spmem:s2] =	stream.indirect.scatter.add.f32 [tilespmem:s22], [sflag:$0x4], $0x80, s28, s19, $0xb8;
	[tilespmem:$0x1DF00] =	vst v63  }
0x3f: {  	_ =	swait.ge [sflag:s26], $0x2800  }
0x40: {  	s31 =	simm.s32 $0xA0;
	s1 =	simm.s32 $0x500;
	[sflag:s26] =	ssyncset.done $0x0  }
.LBB2_2:
0x41: {  	s0 =	sadd.s32 $0x50, s31  }
0x42: {  	[sflag:s26] =	ssyncadd.s32 $0xFFFFD800;
	s12 =	smov.u32 s1;
	s28 =	sadd.s32 $0x280, s1  }
0x43: {  	[tilespmem:s22], [sflag:$0x2] =	stream.indirect.gather [hbm4b:s4+s19], $0x80, s0, s19, $0xb8;
	[tilespmem:$0x1DF00] =	vst v63  }
0x44: {  	p0 =	sne.s32 s1, $0x9880;
	_ =	swait.ge [sflag:s23], $0x2800  }
0x45: {  	[sflag:s23] =	ssyncset.done $0x0  }
0x46: {  	s0 =	sadd.s32 $0x2780, s31;
	[sflag:s23] =	ssyncadd.s32 $0xFFFFD800  }
0x47: {  	[spmem:s2] =	stream.indirect.scatter.add.f32 [tilespmem:s20], [sflag:$0x3], $0x80, s0, s19, $0xb8;
	[tilespmem:$0x1DF00] =	vst v63  }
0x48: {  	_ =	swait.ge [sflag:s24], $0x2800  }
0x49: {  	[sflag:s24] =	ssyncset.done $0x0  }
0x4a: {  	s0 =	sadd.s32 $0xA0, s31;
	[sflag:s24] =	ssyncadd.s32 $0xFFFFD800  }
0x4b: {  	[tilespmem:s20], [sflag:$0x1] =	stream.indirect.gather [hbm4b:s4+s19], $0x80, s0, s19, $0xb8;
	[tilespmem:$0x1DF00] =	vst v63  }
0x4c: {  	_ =	swait.ge [sflag:s25], $0x2800  }
.Ltmp0:
0x4d: {  	[sflag:s25] =	ssyncset.done $0x0;
	(pc) =	sbr.rel @p0 .LBB2_2-.Ltmp0, $4  }
0x4e: {  	s0 =	sadd.s32 $0x27D0, s31;
	[sflag:s25] =	ssyncadd.s32 $0xFFFFD800  }
0x4f: {  	[spmem:s2] =	stream.indirect.scatter.add.f32 [tilespmem:s22], [sflag:$0x4], $0x80, s0, s19, $0xb8;
	[tilespmem:$0x1DF00] =	vst v63  }
0x50: {  	_ =	swait.ge [sflag:s26], $0x2800  }
0x51: {  	s1 =	smov.u32 s28;
	s31 =	sshra.s32 s12, $0x2;
	[sflag:s26] =	ssyncset.done $0x0  }
0x52: {  	s0 =	sadd.s32 $0x50, s31;
	[sflag:s26] =	ssyncadd.s32 $0xFFFFD800  }
0x53: {  	[tilespmem:s22], [sflag:$0x2] =	stream.indirect.gather [hbm4b:s4+s19], $0x80, s0, s19, $0xb8;
	[tilespmem:$0x1DF00] =	vst v63  }
0x54: {  	_ =	swait.ge [sflag:s23], $0x2800  }
0x55: {  	[sflag:s23] =	ssyncset.done $0x0  }
0x56: {  	s28 =	sadd.s32 $0x2780, s31;
	[sflag:s23] =	ssyncadd.s32 $0xFFFFD800  }
0x57: {  	[spmem:s2] =	stream.indirect.scatter.add.f32 [tilespmem:s20], [sflag:$0x3], $0x80, s28, s19, $0xb8;
	[tilespmem:$0x1DF00] =	vst v63  }
0x58: {  	_ =	swait.ge [sflag:s24], $0x2800  }
0x59: {  	[sflag:s24] =	ssyncset.done $0x0  }
0x5a: {  	s1 =	sadd.s32 $0xA0, s31;
	[sflag:s24] =	ssyncadd.s32 $0xFFFFD800  }
0x5b: {  	[tilespmem:s20], [sflag:$0x1] =	stream.indirect.gather [hbm4b:s4+s19], $0x80, s1, s19, $0xb8;
	[tilespmem:$0x1DF00] =	vst v63  }
0x5c: {  	_ =	swait.ge [sflag:s25], $0x2800  }
0x5d: {  	[sflag:s25] =	ssyncset.done $0x0  }
0x5e: {  	s12 =	sadd.s32 $0x27D0, s31;
	[sflag:s25] =	ssyncadd.s32 $0xFFFFD800  }
0x5f: {  	[spmem:s2] =	stream.indirect.scatter.add.f32 [tilespmem:s22], [sflag:$0x4], $0x80, s12, s19, $0xb8;
	[tilespmem:$0x1DF00] =	vst v63  }
0x60: {  	_ =	swait.ge [sflag:s26], $0x2800  }
0x61: {  	[sflag:s26] =	ssyncset.done $0x0  }
0x62: {  	[sflag:s26] =	ssyncadd.s32 $0xFFFFD800  }
0x63: {  	_ =	swait.ge [sflag:s23], $0x2800  }
0x64: {  	[sflag:s23] =	ssyncset.done $0x0  }
0x65: {  	s28 =	simm.s32 $0x4E40;
	[sflag:s23] =	ssyncadd.s32 $0xFFFFD800  }
0x66: {  	[spmem:s2] =	stream.indirect.scatter.add.f32 [tilespmem:s20], [sflag:$0x7], $0x80, s28, s19, $0xb8;
	[tilespmem:$0x1DF00] =	vst v63  }
0x67: {  	_ =	swait.ge [sflag:s29], $0x2800  }
0x68: {  	s30 =	sadd.s32 $0x1, s30;
	[sflag:s29] =	ssyncset.done $0x0  }
0x69: {  	p0 =	sne.s32 s30, s11;
	[sflag:s29] =	ssyncadd.s32 $0xFFFFD800  }
.Ltmp1:
0x6a: {  	s31 =	sor.u32 $0x1C07, s7;
	[bflag:$0x0] =	sbarrier.arrive $0xFFFF;
	(pc) =	sbr.rel @p0 .LBB2_1-.Ltmp1, $4  }
0x6b: {  	[hbm:s10], [sflag:s31] =	dma.local [spmem:s13], $0x2800  }
0x6c: {  	_ =	swait.ge [sflag:s29], $0x2800  }
0x6d: {  	[sflag:s29] =	ssyncset.done $0x0  }
0x6e: {  	[sflag:s29] =	ssyncadd.s32 $0xFFFFD800  }
0x6f: {  	_ =	sfence.sel $0x180000  }
0x70: {  	[bflag:$0x0] =	sbarrier.arrive $0xFFFF  }
0x71: {  	_ =	strace $0x9000004D  }
0x72: {  	s0 =	stileid.u32;
	[bflag:$0x2] =	sbarrier.arrive $0xFFFF  }
0x73: {  	p0 =	sne.s32 s0, $0x0;
	s0 =	rddreg [dreg:$0x3]  }
0x74: {  	s0 =	sadd.s32 @!p0 $0x100000, s0  }
0x75: {  	[sflag:s0] =	ssyncadd.tile.s32 @!p0 $0x1;
	_ =	shalt  }
.Lfunc_end2:
_tile_overlayer_lowered:
.L_overlay_start_2:
0x76: {  	(tag) =	ssettag $0x2  }
0x77: {  	s0 =	rddreg [dreg:$0x0];
	s2 =	stileid.u32  }
0x78: {  	s1 =	rddreg [dreg:$0x1];
	p0 =	sne.s32 s2, $0x0  }
0x79: {  	s3 =	rddreg [dreg:$0x2];
	[bflag:$0x3] =	sbarrier.arrive $0xFFFF;
	s2 =	simm.s32 @!p0 $0x1C07  }
0x7a: {  	[timem:s3], [sflag:s2] =	dma.local @!p0 [hbm:s0], s1  }
0x7b: {  	s0 =	simm.s32 @!p0 $0x7  }
0x7c: {  	_ =	swait.ge @!p0 [sflag:s0], s1  }
0x7d: {  	s1 =	ssub.s32 @!p0 $0x0, s1;
	[sflag:s0] =	ssyncset.done @!p0 $0x0  }
0x7e: {  	[sflag:s0] =	ssyncadd.s32 @!p0 s1  }
0x7f: {  	[bflag:$0x3] =	sbarrier.arrive $0xFFFF  }
0x80: {  	_ =	shalt  }

// kernel: kernel.19.cloned.1.call-start
scs
__scs_entry_jumppad:
0x0: {  	(pc) =	sbr.rel $0x88, $3  }
0x1: {  	(tag) =	ssettag $0x0;
	lr =	simm.s32 $0x1  }
0x2: {  	[smem:$0x3F99] =	sst lr;
	_ =	strace $0xD0000000  }
0x3: {  	_ = 	snop  }
0x4: {  	_ = 	snop  }
0x5: {  	_ = 	snop  }
0x6: {  	_ = 	snop  }
0x7: {  	_ = 	snop  }
__scs_overlays_trampoline_lowered:
0x8: {  	[smem:$0x3FA8] =	sst s0  }
0x9: {  	[smem:$0x3FA9] =	sst s1  }
0xa: {  	[smem:$0x3FAA] =	sst s2  }
0xb: {  	[smem:$0x3FAB] =	sst s3  }
0xc: {  	[smem:$0x3FAC] =	sst s4  }
0xd: {  	[smem:$0x3FAD] =	sst s5  }
0xe: {  	[smem:$0x3FAE] =	sst s6  }
0xf: {  	[smem:$0x3FAF] =	sst s7  }
0x10: {  	[smem:$0x3FB0] =	sst s8  }
0x11: {  	[smem:$0x3FB1] =	sst s9;
	s0 =	simm.s32 @!p0 $0x0  }
0x12: {  	s1 =	sld [smem:$0x3F97];
	s0 =	simm.s32 @p0 $0x1  }
0x13: {  	[smem:$0x3FB2] =	sst s0;
	s0 =	simm.s32 @!p1 $0x0  }
0x14: {  	s2 =	sld [smem:$0x3F96];
	s0 =	simm.s32 @p1 $0x1  }
0x15: {  	[smem:$0x3FB3] =	sst s0;
	s0 =	simm.s32 @!p2 $0x0  }
0x16: {  	s3 =	sld [smem:$0x3FDB];
	s0 =	simm.s32 @p2 $0x1  }
0x17: {  	s4 =	simm.s32 $0x1BF5;
	[smem:$0x3FB5] =	sst s0  }
0x18: {  	s0 =	sld [smem:$0x3F98];
	_ =	swait.ge [sflag:s4], $0x0  }
0x19: {  	s7 =	sld [smem:$0x3F99]  }
0x1a: {  	s8 =	sadd.s32 $0xFFFFE003, lr  }
0x1b: {  	s9 =	sadd.s32 $0xFFFFFEF7, lr;
	s5 =	simm.s32 $0xFFFFFFFF;
	p2 =	slt.u32 s8, $0xFFFFF086  }
0x1c: {  	p1 =	slt.u32 s9, $0xF7A;
	s5 =	simm.s32 @!p2 $0x0  }
0x1d: {  	s5 =	simm.s32 @p1 $0x1;
	p0 =	seq.s32 s7, s2  }
0x1e: {  	s7 =	smul.u32 @!p0 $0xF7A, s2;
	p2 =	seq.s32 @!p0 s5, $0x0  }
0x1f: {  	s9 =	smul.u32 $0xF7A, s1;
	s8 =	simm.s32 @!p0 $0x1BF5;
	p2 =	por !p2, p0  }
0x20: {  	[sflag:s8] =	ssyncset.s32 @!p0 $0xFFFFF086;
	s6 =	sadd.s32 @!p0 s3, s7;
	s7 =	simm.s32 @!p0 $0x108  }
0x21: {  	s3 =	sadd.s32 s3, s9;
	s6 =	sadd.s32 @!p0 $0x88, s6;
	s7 =	simm.s32 @p2 $0x1082  }
0x22: {  	[simem:s7], [sflag:s8] =	dma.local @!p0 [hbm:s6], $0xF7A  }
0x23: {  	s9 =	sor.u32 $0xD0000000, s2;
	s6 =	simm.s32 $0x108;
	_ =	swait.ge @!p0 [sflag:s8], $0x0  }
0x24: {  	s3 =	sadd.s32 $0x88, s3;
	s6 =	simm.s32 @!p1 $0x1082;
	[sflag:s4] =	ssyncset.s32 $0xFFFFF086  }
0x25: {  	[simem:s6], [sflag:s4] =	dma.local [hbm:s3], $0xF7A  }
0x26: {  	[smem:$0x3F99] =	sst s1;
	(tag) =	ssettag s2;
	_ =	strace s9  }
0x27: {  	s1 =	sld [smem:$0x3FA9]  }
0x28: {  	s2 =	sld [smem:$0x3FAA]  }
0x29: {  	s4 =	sld [smem:$0x3FAC]  }
0x2a: {  	p0 =	seq.s32 s5, $0x0;
	s5 =	sld [smem:$0x3FAD]  }
0x2b: {  	s6 =	sld [smem:$0x3FAE]  }
0x2c: {  	s7 =	sld [smem:$0x3FAF]  }
0x2d: {  	s3 =	simm.s32 $0x108;
	s8 =	sld [smem:$0x3FB0]  }
0x2e: {  	s3 =	simm.s32 @!p0 $0x1082;
	s9 =	sld [smem:$0x3FB1]  }
0x2f: {  	lr =	sadd.s32 s0, s3;
	s0 =	sld [smem:$0x3FA8]  }
0x30: {  	s3 =	sld [smem:$0x3FAB]  }
0x31: {  	[smem:$0x3FB4] =	sst s10  }
0x32: {  	s10 =	sld [smem:$0x3FB2];
	_ =	sdelay $0x3  }
0x33: {  	p0 =	seq.s32 s10, $0x1;
	s10 =	sld [smem:$0x3FB4];
	_ =	sdelay $0x3  }
0x34: {  	[smem:$0x3FB4] =	sst s10  }
0x35: {  	s10 =	sld [smem:$0x3FB3];
	_ =	sdelay $0x3  }
0x36: {  	p1 =	seq.s32 s10, $0x1;
	s10 =	sld [smem:$0x3FB4];
	_ =	sdelay $0x3  }
0x37: {  	[smem:$0x3FB4] =	sst s10  }
0x38: {  	s10 =	sld [smem:$0x3FB5]  }
0x39: {  	_ = 	snop;
	(pc) =	sbr.ind lr, $3  }
0x3a: {  	_ = 	snop  }
0x3b: {  	_ = 	snop  }
0x3c: {  	p2 =	seq.s32 s10, $0x1;
	s10 =	sld [smem:$0x3FB4]  }
0x3d: {  	_ =	shalt  }
0x3e: {  	_ =	shalt  }
0x3f: {  	_ =	shalt  }
0x40: {  	_ =	shalt  }
0x41: {  	_ =	shalt  }
0x42: {  	_ =	shalt  }
0x43: {  	_ =	shalt  }
0x44: {  	_ =	shalt  }
0x45: {  	_ =	shalt  }
0x46: {  	_ =	shalt  }
0x47: {  	_ =	shalt  }
0x48: {  	_ =	shalt  }
0x49: {  	_ =	shalt  }
0x4a: {  	_ =	shalt  }
0x4b: {  	_ =	shalt  }
0x4c: {  	_ =	shalt  }
0x4d: {  	_ =	shalt  }
0x4e: {  	_ =	shalt  }
0x4f: {  	_ =	shalt  }
0x50: {  	_ =	shalt  }
0x51: {  	_ =	shalt  }
0x52: {  	_ =	shalt  }
0x53: {  	_ =	shalt  }
0x54: {  	_ =	shalt  }
0x55: {  	_ =	shalt  }
0x56: {  	_ =	shalt  }
0x57: {  	_ =	shalt  }
0x58: {  	_ =	shalt  }
0x59: {  	_ =	shalt  }
0x5a: {  	_ =	shalt  }
0x5b: {  	_ =	shalt  }
0x5c: {  	_ =	shalt  }
0x5d: {  	_ =	shalt  }
0x5e: {  	_ =	shalt  }
0x5f: {  	_ =	shalt  }
0x60: {  	_ =	shalt  }
0x61: {  	_ =	shalt  }
0x62: {  	_ =	shalt  }
0x63: {  	_ =	shalt  }
0x64: {  	_ =	shalt  }
0x65: {  	_ =	shalt  }
0x66: {  	_ =	shalt  }
0x67: {  	_ =	shalt  }
0x68: {  	_ =	shalt  }
0x69: {  	_ =	shalt  }
0x6a: {  	_ =	shalt  }
0x6b: {  	_ =	shalt  }
0x6c: {  	_ =	shalt  }
0x6d: {  	_ =	shalt  }
0x6e: {  	_ =	shalt  }
0x6f: {  	_ =	shalt  }
0x70: {  	_ =	shalt  }
0x71: {  	_ =	shalt  }
0x72: {  	_ =	shalt  }
0x73: {  	_ =	shalt  }
0x74: {  	_ =	shalt  }
0x75: {  	_ =	shalt  }
0x76: {  	_ =	shalt  }
0x77: {  	_ =	shalt  }
0x78: {  	_ =	shalt  }
0x79: {  	_ =	shalt  }
0x7a: {  	_ =	shalt  }
0x7b: {  	_ =	shalt  }
0x7c: {  	_ =	shalt  }
0x7d: {  	_ =	shalt  }
0x7e: {  	_ =	shalt  }
0x7f: {  	_ =	shalt  }
0x80: {  	_ =	shalt  }
0x81: {  	_ =	shalt  }
0x82: {  	_ =	shalt  }
0x83: {  	_ =	shalt  }
0x84: {  	_ =	shalt  }
0x85: {  	_ =	shalt  }
0x86: {  	_ =	shalt  }
0x87: {  	_ =	shalt  }
.Lfunc_end0:
.L_simem_size_0:
called_computation.3_lowered:
.L_overlay_start_0:
0x88: {  	s2 =	sld [smem:$0x3FD9]  }
0x89: {  	s3 =	sld [smem:$0x3FFE];
	_ =	sdelay $0x1  }
0x8a: {  	s1 =	srdreg.scid  }
0x8b: {  	s0 =	sand.u32 $0x1, s1  }
0x8c: {  	s17 =	sshll.u32 s0, $0xA;
	s2 =	sadd.s32 s3, s2  }
0x8d: {  	s2 =	sadd.s32 s2, s17  }
0x8e: {  	[smem:$0x3FC0] =	sst s2  }
0x8f: {  	_ = 	snop  }
0x90: {  	s2 =	sld [smem:$0x3FD0];
	(tm) =	ssettm $0x1  }
0x91: {  	s18 =	sld [smem:$0x3FFB];
	_ =	sdelay $0x3  }
0x92: {  	_ =	strace s18  }
0x93: {  	s3 =	sld [smem:$0x3FFC];
	_ =	sdelay $0x3  }
0x94: {  	_ =	strace s3  }
0x95: {  	s3 =	sld [smem:$0x3FFD];
	_ =	sdelay $0x3  }
0x96: {  	_ =	strace s3  }
0x97: {  	_ =	strace $0x8FFFFFFF  }
0x98: {  	s19 =	sld [smem:$0x3FDB];
	_ =	sdelay $0x1  }
0x99: {  	s4 =	simm.s32 $_scs_section_size  }
0x9a: {  	s5 =	simm.s32 $_size__tile_overlayer_lowered;
	s6 =	simm.s32 $_tile_overlayer_lowered  }
0x9b: {  	s22 =	simm.s32 $0x1BFF;
	s21 =	sshll.u32 s6, $0x1;
	s3 =	sadd.s32 s4, s19  }
0x9c: {  	s7 =	simm.s32 $0x0;
	s20 =	sshll.u32 s5, $0x1;
	s5 =	sadd.s32 s21, s3  }
0x9d: {  	[timem:s7], [sflag:s22] =	dma.local [hbm:s5], s20  }
0x9e: {  	_ =	swait.ge [sflag:s22], s20  }
0x9f: {  	s4 =	ssub.s32 $0x0, s20;
	[sflag:s22] =	ssyncset.done $0x0  }
0xa0: {  	[sflag:s22] =	ssyncadd.s32 s4;
	_ =	sdelay $0x1  }
0xa1: {  	s23 =	simm.s32 $0x1B8B  }
0xa2: {  	_ =	swait.ge [sflag:s23], $0x1  }
0xa3: {  	[sflag:s23] =	ssyncset.done $0x0  }
0xa4: {  	s25 =	simm.s32 $0x1B8E;
	s24 =	sld [smem:$0x3FFE];
	[sflag:s23] =	ssyncadd.s32 $0xFFFFFFFF  }
0xa5: {  	s26 =	simm.s32 $execute0_lowered;
	[smem:$0x3FD2] =	sst s25  }
0xa6: {  	s5 =	sshll.u32 s26, $0x1;
	_ =	strace $0x8000004F;
	[dreg:$0x1] =	wrdreg $0xFFFFFFFF  }
0xa7: {  	s28 =	simm.s32 $_size_execute0_lowered;
	s3 =	sadd.s32 s3, s5;
	[dreg:$0x0] =	wrdreg $0x0  }
0xa8: {  	s5 =	sshll.u32 s28, $0x1;
	[dreg:$0x2] =	wrdreg s3  }
0xa9: {  	[dreg:$0x3] =	wrdreg s5  }
0xaa: {  	[dreg:$0x4] =	wrdreg $0xC0  }
0xab: {  	_ =	task [dreg:s7], $0x5FFFF  }
0xac: {  	[dreg:$0x1] =	wrdreg $0xFFFFFFFF  }
0xad: {  	[dreg:$0x0] =	wrdreg $0x60  }
0xae: {  	[dreg:$0x2] =	wrdreg s24  }
0xaf: {  	[dreg:$0x3] =	wrdreg s2  }
0xb0: {  	[dreg:$0x4] =	wrdreg $0x9F000  }
0xb1: {  	[dreg:$0x5] =	wrdreg $0x9  }
0xb2: {  	_ =	task.clear_ibuf [dreg:s7], $0x6FFFF;
	_ =	strace $0x9000004F  }
0xb3: {  	s29 =	simm.s32 $0x9;
	_ =	strace $0x80000051  }
0xb4: {  	_ =	swait.ge [sflag:s29], $0x1  }
0xb5: {  	[sflag:s29] =	ssyncadd.s32 $0xFFFFFFFF  }
0xb6: {  	_ =	strace $0x90000051  }
0xb7: {  	_ =	sfence  }
0xb8: {  	s30 =	sld [smem:$0x0];
	_ =	sdelay $0x2  }
0xb9: {  	s31 =	sshll.u32 s1, $0xD;
	s1 =	sshrl.u32 s1, $0x2  }
0xba: {  	s3 =	sand.u32 $0x4000, s31;
	s1 =	sadd.s32 s1, s30  }
0xbb: {  	s0 =	sor.u32 s3, s0;
	s1 =	sshll.u32 s1, $0x11  }
0xbc: {  	s0 =	sor.u32 s1, s0  }
0xbd: {  	s0 =	sadd.s32 $0x8F2B, s0  }
0xbe: {  	[sflag:s0] =	ssyncadd.remote.s32 $0x1  }
0xbf: {  	_ =	sfence.sel $0xFFFF  }
0xc0: {  	[dreg:$0x0] =	wrdreg $0xFFFFFFFF;
	(pc) =	sbr.abs _section_cstart, $3  }
0xc1: {  	[dreg:$0x1] =	wrdreg $0xFFFFFFFF  }
0xc2: {  	_ =	task.clear_ibuf [dreg:s7], $0x2FFFF;
	_ =	strace $0x9FFFFFFF  }
0xc3: {  	(tm) =	ssettm $0x7FFFFFFF  }
tec
execute0_lowered:
.L_overlay_start_1:
0x0: {  	(tag) =	ssettag $0x1  }
0x1: {  	s1 =	rddreg [dreg:$0x0]  }
0x2: {  	s0 =	srdreg.scid;
	s6 =	rddreg [dreg:$0x1]  }
0x3: {  	s26 =	stileid.u32;
	s2 =	rddreg [dreg:$0x2];
	s18 =	simm.s32 $0x5  }
0x4: {  	s19 =	simm.s32 $0x50;
	s20 =	simm.s32 $0x4F00;
	s21 =	simm.s32 $0x6  }
0x5: {  	s22 =	simm.s32 $0x7700;
	s23 =	simm.s32 $0x1;
	s24 =	simm.s32 $0x3  }
0x6: {  	s25 =	simm.s32 $0x2;
	s29 =	simm.s32 $0x7;
	s8 =	smul.u32 $0x2800, s26  }
0x7: {  	s30 =	simm.s32 $0x0;
	s5 =	sand.u32 $0x1, s0;
	s12 =	smul.u32 $0x50000, s26  }
0x8: {  	s3 =	sshll.u32 s5, $0x4;
	s9 =	smul.u32 $0x28000, s5;
	s11 =	ssub.s32 $0x2, s5  }
0x9: {  	s5 =	sadd.s32 $0xE400, s1;
	s4 =	sor.u32 s26, s3;
	s3 =	simm.s32 $0x0  }
0xa: {  	s28 =	sshrl.u32 s11, $0x1;
	s31 =	sshrl.u32 s12, $0x2;
	s7 =	smul.u32 $0x4E2, s4  }
0xb: {  	[smem:$0x7FF] =	sst s3;
	s4 =	sadd.s32 $0x5D000, s1;
	s8 =	sadd.s32 s8, s9  }
0xc: {  	s11 =	ssub.s32 s11, s28;
	s13 =	sadd.s32 s31, s2;
	_ =	strace $0x80000050  }
0xd: {  	s14 =	sadd.s32 $0x4000, s13;
	s15 =	sadd.s32 $0x8000, s13;
	s16 =	sadd.s32 $0xC000, s13  }
0xe: {  	s17 =	sadd.s32 $0x10000, s13;
	s11 =	smax.u32 s11, $0x1;
	s13 =	sshrl.u32 s13, $0x3  }
0xf: {  	s10 =	sadd.s32 s7, s1;
	s1 =	sadd.s32 s8, s1;
	s6 =	sadd.s32 s6, s7  }
0x10: {  	s7 =	sshll.u32 s26, $0x6;
	s14 =	sshrl.u32 s14, $0x3;
	s15 =	sshrl.u32 s15, $0x3  }
0x11: {  	s16 =	sshrl.u32 s16, $0x3;
	s17 =	sshrl.u32 s17, $0x3;
	s26 =	simm.s32 $0x4  }
0x12: {  	s8 =	sadd.s32 $0x4600, s10;
	s9 =	sor.u32 $0x1C06, s7;
	s10 =	sadd.s32 $0x84200, s1  }
.LBB2_1:
0x13: {  	[tilespmem:s3], [sflag:$0x5] =	stream.linear.gather [hbm4b:s6+s3], $0x2710, $0x38;
	[tilespmem:$0x1DF00] =	vst v63  }
0x14: {  	s0 =	simm.s32 $0x2780  }
0x15: {  	[tilespmem:s0], [sflag:$0x5] =	stream.linear.gather [hbm4b:s8+s3], $0x2710, $0x38;
	[tilespmem:$0x1DF00] =	vst v63  }
0x16: {  	[spmem:s13], [sflag:s9] =	dma.local [hbm:s5], $0x800  }
0x17: {  	[spmem:s14], [sflag:s9] =	dma.local [hbm:s5], $0x800  }
0x18: {  	[spmem:s15], [sflag:s9] =	dma.local [hbm:s5], $0x800  }
0x19: {  	[spmem:s16], [sflag:s9] =	dma.local [hbm:s5], $0x800  }
0x1a: {  	[spmem:s17], [sflag:s9] =	dma.local [hbm:s5], $0x800  }
0x1b: {  	_ =	swait.ge [sflag:s18], $0x2710  }
0x1c: {  	[sflag:s18] =	ssyncset.done $0x0  }
0x1d: {  	[sflag:s18] =	ssyncadd.s32 $0xFFFFD8F0  }
0x1e: {  	_ =	swait.ge [sflag:s18], $0x2710  }
0x1f: {  	[sflag:s18] =	ssyncset.done $0x0  }
0x20: {  	[sflag:s18] =	ssyncadd.s32 $0xFFFFD8F0  }
0x21: {  	[tilespmem:s20], [sflag:$0x1] =	stream.indirect.gather [hbm4b:s4+s19], $0x80, s3, s19, $0xb8;
	[tilespmem:$0x1DF00] =	vst v63  }
0x22: {  	_ =	swait.ge [sflag:s21], $0x800  }
0x23: {  	[sflag:s21] =	ssyncset.done $0x0  }
0x24: {  	[sflag:s21] =	ssyncadd.s32 $0xFFFFF800  }
0x25: {  	_ =	swait.ge [sflag:s21], $0x800  }
0x26: {  	[sflag:s21] =	ssyncset.done $0x0  }
0x27: {  	[sflag:s21] =	ssyncadd.s32 $0xFFFFF800  }
0x28: {  	_ =	swait.ge [sflag:s21], $0x800  }
0x29: {  	[sflag:s21] =	ssyncset.done $0x0  }
0x2a: {  	[sflag:s21] =	ssyncadd.s32 $0xFFFFF800  }
0x2b: {  	_ =	swait.ge [sflag:s21], $0x800  }
0x2c: {  	[sflag:s21] =	ssyncset.done $0x0  }
0x2d: {  	[sflag:s21] =	ssyncadd.s32 $0xFFFFF800  }
0x2e: {  	_ =	swait.ge [sflag:s21], $0x800  }
0x2f: {  	[sflag:s21] =	ssyncset.done $0x0  }
0x30: {  	[sflag:s21] =	ssyncadd.s32 $0xFFFFF800  }
0x31: {  	s1 =	simm.s32 $0x50;
	[bflag:$0x0] =	sbarrier.arrive $0xFFFF  }
0x32: {  	[tilespmem:s22], [sflag:$0x2] =	stream.indirect.gather [hbm4b:s4+s19], $0x80, s1, s19, $0xb8;
	[tilespmem:$0x1DF00] =	vst v63  }
0x33: {  	_ =	swait.ge [sflag:s23], $0x2800  }
0x34: {  	[sflag:s23] =	ssyncset.done $0x0  }
0x35: {  	s0 =	simm.s32 $0x2780;
	[sflag:s23] =	ssyncadd.s32 $0xFFFFD800  }
0x36: {  	[spmem:s2] =	stream.indirect.scatter.add.f32 [tilespmem:s20], [sflag:$0x3], $0x80, s0, s19, $0xb8;
	[tilespmem:$0x1DF00] =	vst v63  }
0x37: {  	_ =	swait.ge [sflag:s24], $0x2800  }
0x38: {  	[sflag:s24] =	ssyncset.done $0x0  }
0x39: {  	s12 =	simm.s32 $0xA0;
	[sflag:s24] =	ssyncadd.s32 $0xFFFFD800  }
0x3a: {  	[tilespmem:s20], [sflag:$0x1] =	stream.indirect.gather [hbm4b:s4+s19], $0x80, s12, s19, $0xb8;
	[tilespmem:$0x1DF00] =	vst v63  }
0x3b: {  	_ =	swait.ge [sflag:s25], $0x2800  }
0x3c: {  	[sflag:s25] =	ssyncset.done $0x0  }
0x3d: {  	s28 =	simm.s32 $0x27D0;
	[sflag:s25] =	ssyncadd.s32 $0xFFFFD800  }
0x3e: {  	[spmem:s2] =	stream.indirect.scatter.add.f32 [tilespmem:s22], [sflag:$0x4], $0x80, s28, s19, $0xb8;
	[tilespmem:$0x1DF00] =	vst v63  }
0x3f: {  	_ =	swait.ge [sflag:s26], $0x2800  }
0x40: {  	s31 =	simm.s32 $0xA0;
	s1 =	simm.s32 $0x500;
	[sflag:s26] =	ssyncset.done $0x0  }
.LBB2_2:
0x41: {  	s0 =	sadd.s32 $0x50, s31  }
0x42: {  	[sflag:s26] =	ssyncadd.s32 $0xFFFFD800;
	s12 =	smov.u32 s1;
	s28 =	sadd.s32 $0x280, s1  }
0x43: {  	[tilespmem:s22], [sflag:$0x2] =	stream.indirect.gather [hbm4b:s4+s19], $0x80, s0, s19, $0xb8;
	[tilespmem:$0x1DF00] =	vst v63  }
0x44: {  	p0 =	sne.s32 s1, $0x9880;
	_ =	swait.ge [sflag:s23], $0x2800  }
0x45: {  	[sflag:s23] =	ssyncset.done $0x0  }
0x46: {  	s0 =	sadd.s32 $0x2780, s31;
	[sflag:s23] =	ssyncadd.s32 $0xFFFFD800  }
0x47: {  	[spmem:s2] =	stream.indirect.scatter.add.f32 [tilespmem:s20], [sflag:$0x3], $0x80, s0, s19, $0xb8;
	[tilespmem:$0x1DF00] =	vst v63  }
0x48: {  	_ =	swait.ge [sflag:s24], $0x2800  }
0x49: {  	[sflag:s24] =	ssyncset.done $0x0  }
0x4a: {  	s0 =	sadd.s32 $0xA0, s31;
	[sflag:s24] =	ssyncadd.s32 $0xFFFFD800  }
0x4b: {  	[tilespmem:s20], [sflag:$0x1] =	stream.indirect.gather [hbm4b:s4+s19], $0x80, s0, s19, $0xb8;
	[tilespmem:$0x1DF00] =	vst v63  }
0x4c: {  	_ =	swait.ge [sflag:s25], $0x2800  }
.Ltmp0:
0x4d: {  	[sflag:s25] =	ssyncset.done $0x0;
	(pc) =	sbr.rel @p0 .LBB2_2-.Ltmp0, $4  }
0x4e: {  	s0 =	sadd.s32 $0x27D0, s31;
	[sflag:s25] =	ssyncadd.s32 $0xFFFFD800  }
0x4f: {  	[spmem:s2] =	stream.indirect.scatter.add.f32 [tilespmem:s22], [sflag:$0x4], $0x80, s0, s19, $0xb8;
	[tilespmem:$0x1DF00] =	vst v63  }
0x50: {  	_ =	swait.ge [sflag:s26], $0x2800  }
0x51: {  	s1 =	smov.u32 s28;
	s31 =	sshra.s32 s12, $0x2;
	[sflag:s26] =	ssyncset.done $0x0  }
0x52: {  	s0 =	sadd.s32 $0x50, s31;
	[sflag:s26] =	ssyncadd.s32 $0xFFFFD800  }
0x53: {  	[tilespmem:s22], [sflag:$0x2] =	stream.indirect.gather [hbm4b:s4+s19], $0x80, s0, s19, $0xb8;
	[tilespmem:$0x1DF00] =	vst v63  }
0x54: {  	_ =	swait.ge [sflag:s23], $0x2800  }
0x55: {  	[sflag:s23] =	ssyncset.done $0x0  }
0x56: {  	s28 =	sadd.s32 $0x2780, s31;
	[sflag:s23] =	ssyncadd.s32 $0xFFFFD800  }
0x57: {  	[spmem:s2] =	stream.indirect.scatter.add.f32 [tilespmem:s20], [sflag:$0x3], $0x80, s28, s19, $0xb8;
	[tilespmem:$0x1DF00] =	vst v63  }
0x58: {  	_ =	swait.ge [sflag:s24], $0x2800  }
0x59: {  	[sflag:s24] =	ssyncset.done $0x0  }
0x5a: {  	s1 =	sadd.s32 $0xA0, s31;
	[sflag:s24] =	ssyncadd.s32 $0xFFFFD800  }
0x5b: {  	[tilespmem:s20], [sflag:$0x1] =	stream.indirect.gather [hbm4b:s4+s19], $0x80, s1, s19, $0xb8;
	[tilespmem:$0x1DF00] =	vst v63  }
0x5c: {  	_ =	swait.ge [sflag:s25], $0x2800  }
0x5d: {  	[sflag:s25] =	ssyncset.done $0x0  }
0x5e: {  	s12 =	sadd.s32 $0x27D0, s31;
	[sflag:s25] =	ssyncadd.s32 $0xFFFFD800  }
0x5f: {  	[spmem:s2] =	stream.indirect.scatter.add.f32 [tilespmem:s22], [sflag:$0x4], $0x80, s12, s19, $0xb8;
	[tilespmem:$0x1DF00] =	vst v63  }
0x60: {  	_ =	swait.ge [sflag:s26], $0x2800  }
0x61: {  	[sflag:s26] =	ssyncset.done $0x0  }
0x62: {  	[sflag:s26] =	ssyncadd.s32 $0xFFFFD800  }
0x63: {  	_ =	swait.ge [sflag:s23], $0x2800  }
0x64: {  	[sflag:s23] =	ssyncset.done $0x0  }
0x65: {  	s28 =	simm.s32 $0x4E40;
	[sflag:s23] =	ssyncadd.s32 $0xFFFFD800  }
0x66: {  	[spmem:s2] =	stream.indirect.scatter.add.f32 [tilespmem:s20], [sflag:$0x7], $0x80, s28, s19, $0xb8;
	[tilespmem:$0x1DF00] =	vst v63  }
0x67: {  	_ =	swait.ge [sflag:s29], $0x2800  }
0x68: {  	s30 =	sadd.s32 $0x1, s30;
	[sflag:s29] =	ssyncset.done $0x0  }
0x69: {  	p0 =	sne.s32 s30, s11;
	[sflag:s29] =	ssyncadd.s32 $0xFFFFD800  }
.Ltmp1:
0x6a: {  	s31 =	sor.u32 $0x1C07, s7;
	[bflag:$0x0] =	sbarrier.arrive $0xFFFF;
	(pc) =	sbr.rel @p0 .LBB2_1-.Ltmp1, $4  }
0x6b: {  	[hbm:s10], [sflag:s31] =	dma.local [spmem:s13], $0x2800  }
0x6c: {  	_ =	swait.ge [sflag:s29], $0x2800  }
0x6d: {  	[sflag:s29] =	ssyncset.done $0x0  }
0x6e: {  	[sflag:s29] =	ssyncadd.s32 $0xFFFFD800  }
0x6f: {  	_ =	sfence.sel $0x180000  }
0x70: {  	[bflag:$0x0] =	sbarrier.arrive $0xFFFF  }
0x71: {  	_ =	strace $0x90000050  }
0x72: {  	s0 =	stileid.u32;
	[bflag:$0x2] =	sbarrier.arrive $0xFFFF  }
0x73: {  	p0 =	sne.s32 s0, $0x0;
	s0 =	rddreg [dreg:$0x3]  }
0x74: {  	s0 =	sadd.s32 @!p0 $0x100000, s0  }
0x75: {  	[sflag:s0] =	ssyncadd.tile.s32 @!p0 $0x1;
	_ =	shalt  }
.Lfunc_end2:
_tile_overlayer_lowered:
.L_overlay_start_2:
0x76: {  	(tag) =	ssettag $0x2  }
0x77: {  	s0 =	rddreg [dreg:$0x0];
	s2 =	stileid.u32  }
0x78: {  	s1 =	rddreg [dreg:$0x1];
	p0 =	sne.s32 s2, $0x0  }
0x79: {  	s3 =	rddreg [dreg:$0x2];
	[bflag:$0x3] =	sbarrier.arrive $0xFFFF;
	s2 =	simm.s32 @!p0 $0x1C07  }
0x7a: {  	[timem:s3], [sflag:s2] =	dma.local @!p0 [hbm:s0], s1  }
0x7b: {  	s0 =	simm.s32 @!p0 $0x7  }
0x7c: {  	_ =	swait.ge @!p0 [sflag:s0], s1  }
0x7d: {  	s1 =	ssub.s32 @!p0 $0x0, s1;
	[sflag:s0] =	ssyncset.done @!p0 $0x0  }
0x7e: {  	[sflag:s0] =	ssyncadd.s32 @!p0 s1  }
0x7f: {  	[bflag:$0x3] =	sbarrier.arrive $0xFFFF  }
0x80: {  	_ =	shalt  }

</sc_bundles>
